<compile_context>
chip_gen: v7x
topology: tpu7x:2x2x1
jax: 0.10.2.dev20260603
libtpu: 0.0.44.dev20260713+nightly
codegen_flags: <defaults>
</compile_context>

<pallas_src>
import functools

import jax
import jax.numpy as jnp
from jax import lax
from jax.experimental import pallas as pl
from jax.experimental.pallas import tpu as pltpu
from jax.experimental.pallas import tpu_sc as plsc

N_NODES = 10000
NP = 10240
D_IN = 128
D_H = 256
HALF = 128
G_SEG = 64

E_EDGES = 320000
E_EXT = E_EDGES + N_NODES
EPAD = 344064
PT = EPAD // 16
CHUNKS = PT // 128
ROWS_PT = NP // 16

_mesh = plsc.VectorSubcoreMesh(core_axis_name="c", subcore_axis_name="s")


@functools.partial(
    pl.kernel,
    out_type=jax.ShapeDtypeStruct((NP,), jnp.float32),
    mesh=_mesh,
    scratch_types=[
        pltpu.VMEM((CHUNKS, 128), jnp.int32),
        pltpu.VMEM((128,), jnp.float32),
        pltpu.VMEM((ROWS_PT,), jnp.float32),
        pltpu.VMEM_SHARED((NP,), jnp.float32),
    ],
)
def _deg(dst2, consts, deg_out, idx_d, ones_v, stage_v, deg_sp):
    cid = lax.axis_index("c")
    sid = lax.axis_index("s")
    pltpu.sync_copy(dst2.at[pl.ds(sid * CHUNKS, CHUNKS)], idx_d)
    pltpu.sync_copy(consts.at[pl.ds(ROWS_PT, 128)], ones_v)
    pltpu.sync_copy(consts.at[pl.ds(0, ROWS_PT)], stage_v)
    pltpu.sync_copy(stage_v, deg_sp.at[pl.ds(sid * ROWS_PT, ROWS_PT)])
    plsc.subcore_barrier()

    def body(c, _):
        pltpu.sync_copy(ones_v, deg_sp.at[idx_d.at[c]], add=True)
        return ()

    lax.fori_loop(0, CHUNKS, body, (), unroll=False)
    plsc.subcore_barrier()

    base = cid * (NP // 2) + sid * 320
    pltpu.sync_copy(deg_sp.at[pl.ds(base, 320)], stage_v.at[pl.ds(0, 320)])
    pltpu.sync_copy(stage_v.at[pl.ds(0, 320)], deg_out.at[pl.ds(base, 320)])


IB = 56
OUTER = CHUNKS // IB


@functools.partial(
    pl.kernel,
    out_type=jax.ShapeDtypeStruct((2 * NP, HALF), jnp.float32),
    mesh=_mesh,
    scratch_types=[
        pltpu.VMEM((IB * 128,), jnp.int32),
        pltpu.VMEM((IB, 128), jnp.int32),
        pltpu.VMEM((128, HALF), jnp.float32),
        pltpu.VMEM((128, HALF), jnp.float32),
        pltpu.VMEM_SHARED((NP, HALF), jnp.float32),
        pltpu.SemaphoreType.DMA,
        pltpu.SemaphoreType.DMA,
        pltpu.SemaphoreType.DMA,
        pltpu.SemaphoreType.DMA,
        pltpu.SemaphoreType.DMA,
        pltpu.SemaphoreType.DMA,
    ],
)
def _propagate(g_hbm, src2, dst2, zrows, out_hbm,
               idx_s, idx_d, buf_a, buf_b, acc_sp,
               sem_ga0, sem_ga1, sem_gb0, sem_gb1, sem_sa, sem_sb):
    cid = lax.axis_index("c")
    sid = lax.axis_index("s")
    pltpu.sync_copy(zrows, buf_a)
    for k in range(ROWS_PT // 128):
        pltpu.sync_copy(buf_a, acc_sp.at[pl.ds(sid * ROWS_PT + k * 128, 128)])
    plsc.subcore_barrier()

    def gather(c, buf, s0, s1):
        pltpu.async_copy(g_hbm.at[idx_s.at[pl.ds(c * 128, 64)]],
                         buf.at[pl.ds(0, 64)], s0)
        pltpu.async_copy(g_hbm.at[idx_s.at[pl.ds(c * 128 + 64, 64)]],
                         buf.at[pl.ds(64, 64)], s1)

    def scatter(c, buf, sem):
        return pltpu.async_copy(buf, acc_sp.at[idx_d.at[c]], sem, add=True)

    def wait_gather(buf, s0, s1):
        pltpu.make_async_copy(g_hbm.at[pl.ds(0, 64)],
                              buf.at[pl.ds(0, 64)], s0).wait()
        pltpu.make_async_copy(g_hbm.at[pl.ds(0, 64)],
                              buf.at[pl.ds(64, 64)], s1).wait()

    def wait_scatter(c, buf, sem):
        pltpu.make_async_copy(buf, acc_sp.at[idx_d.at[c]], sem).wait()

    def outer(ob, _):
        pltpu.sync_copy(
            src2.at[pl.ds(cid * EPAD + sid * PT + ob * (IB * 128), IB * 128)],
            idx_s)
        pltpu.sync_copy(dst2.at[pl.ds(sid * CHUNKS + ob * IB, IB)], idx_d)
        gather(0, buf_a, sem_ga0, sem_ga1)
        gather(1, buf_b, sem_gb0, sem_gb1)

        def pair(p, _):
            for c, buf, sg0, sg1, ss in (
                    (2 * p, buf_a, sem_ga0, sem_ga1, sem_sa),
                    (2 * p + 1, buf_b, sem_gb0, sem_gb1, sem_sb)):
                wait_gather(buf, sg0, sg1)
                scatter(c, buf, ss)

                @pl.when(p < IB // 2 - 1)
                def _():
                    wait_scatter(c, buf, ss)
                    gather(c + 2, buf, sg0, sg1)

            return ()

        lax.fori_loop(0, IB // 2, pair, (), unroll=False)
        wait_scatter(IB - 2, buf_a, sem_sa)
        wait_scatter(IB - 1, buf_b, sem_sb)
        return ()

    lax.fori_loop(0, OUTER, outer, (), unroll=False)
    plsc.subcore_barrier()

    base = sid * ROWS_PT
    for k in range(ROWS_PT // 128):
        pltpu.sync_copy(acc_sp.at[pl.ds(base + k * 128, 128)], buf_a)
        pltpu.sync_copy(buf_a, out_hbm.at[pl.ds(cid * NP + base + k * 128,
                                                128)])


def _dinv(deg_ref):
    return lax.rsqrt(jnp.maximum(deg_ref[...], 1.0))


def _mm1_body(x_ref, w_ref, deg_ref, o_ref):
    h = jnp.dot(x_ref[...], w_ref[...], preferred_element_type=jnp.float32)
    o_ref[...] = _dinv(deg_ref) * h


def _mm1(xp, W1, deg_col):
    mb = 512
    return pl.pallas_call(
        _mm1_body,
        grid=(NP // mb, 2),
        in_specs=[
            pl.BlockSpec((mb, D_IN), lambda m, j: (m, 0)),
            pl.BlockSpec((D_IN, HALF), lambda m, j: (0, j)),
            pl.BlockSpec((mb, 1), lambda m, j: (m, 0)),
        ],
        out_specs=pl.BlockSpec((mb, HALF), lambda m, j: (m + j * (NP // mb), 0)),
        out_shape=jax.ShapeDtypeStruct((2 * NP, HALF), jnp.float32),
    )(xp, W1, deg_col)


def _mm23_body(a0_ref, a1_ref, deg_ref, b_ref, w_ref, o_ref):
    dinv = _dinv(deg_ref)
    z = jnp.maximum(
        dinv * jnp.concatenate([a0_ref[...], a1_ref[...]], axis=1)
        + b_ref[...], 0.0)
    h = jnp.dot(z, w_ref[...], preferred_element_type=jnp.float32)
    o_ref[...] = dinv * jnp.where(pl.program_id(1) == 0,
                                  h[:, :HALF], h[:, HALF:])


def _mm23(acc, deg_col, b_row, W):
    mb = 512
    return pl.pallas_call(
        _mm23_body,
        grid=(NP // mb, 2),
        in_specs=[
            pl.BlockSpec((mb, HALF), lambda m, j: (m, 0)),
            pl.BlockSpec((mb, HALF), lambda m, j: (m + NP // mb, 0)),
            pl.BlockSpec((mb, 1), lambda m, j: (m, 0)),
            pl.BlockSpec((1, D_H), lambda m, j: (0, 0)),
            pl.BlockSpec((D_H, D_H), lambda m, j: (0, 0)),
        ],
        out_specs=pl.BlockSpec((mb, HALF), lambda m, j: (m + j * (NP // mb), 0)),
        out_shape=jax.ShapeDtypeStruct((2 * NP, HALF), jnp.float32),
    )(acc, acc, deg_col, b_row, W)


def _pool_body(a0_ref, a1_ref, deg_ref, b_ref, batch_ref, wp_ref, bp_ref,
               o_ref, pooled_acc, cnt_acc):
    m = pl.program_id(0)

    @pl.when(m == 0)
    def _():
        pooled_acc[...] = jnp.zeros_like(pooled_acc)
        cnt_acc[...] = jnp.zeros_like(cnt_acc)

    dinv = _dinv(deg_ref)
    z0 = dinv * a0_ref[...] + b_ref[:, :HALF]
    z1 = dinv * a1_ref[...] + b_ref[:, HALF:]
    ids = lax.broadcasted_iota(jnp.int32, (1, G_SEG), 1)
    oh = (batch_ref[...] == ids).astype(jnp.float32)
    contract = (((0,), (0,)), ((), ()))
    pooled_acc[:, :HALF] += lax.dot_general(
        oh, z0, contract, preferred_element_type=jnp.float32)
    pooled_acc[:, HALF:] += lax.dot_general(
        oh, z1, contract, preferred_element_type=jnp.float32)
    ones = jnp.ones((oh.shape[0], 1), jnp.float32)
    cnt_acc[...] += lax.dot_general(
        oh, ones, contract, preferred_element_type=jnp.float32)

    pooled = pooled_acc[...] / jnp.maximum(cnt_acc[...], 1.0)
    o_ref[...] = jnp.dot(pooled, wp_ref[...],
                         preferred_element_type=jnp.float32) + bp_ref[...]


def _pool(acc, deg_col, b_row, batch2d, Wp, bp2d):
    mb = 1024
    return pl.pallas_call(
        _pool_body,
        grid=(NP // mb,),
        in_specs=[
            pl.BlockSpec((mb, HALF), lambda m: (m, 0)),
            pl.BlockSpec((mb, HALF), lambda m: (m + NP // mb, 0)),
            pl.BlockSpec((mb, 1), lambda m: (m, 0)),
            pl.BlockSpec((1, D_H), lambda m: (0, 0)),
            pl.BlockSpec((mb, 1), lambda m: (m, 0)),
            pl.BlockSpec((D_H, 1), lambda m: (0, 0)),
            pl.BlockSpec((1, 1), lambda m: (0, 0)),
        ],
        out_specs=pl.BlockSpec((G_SEG, 1), lambda m: (0, 0)),
        out_shape=jax.ShapeDtypeStruct((G_SEG, 1), jnp.float32),
        scratch_shapes=[
            pltpu.VMEM((G_SEG, D_H), jnp.float32),
            pltpu.VMEM((G_SEG, 1), jnp.float32),
        ],
    )(acc, acc, deg_col, b_row, batch2d, Wp, bp2d)


@jax.jit
def kernel(x, edge_index, batch, W1, b1, W2, b2, W3, b3, Wp, bp):
    src = edge_index[0]
    dst = edge_index[1]
    loop = jnp.arange(N_NODES, dtype=jnp.int32)
    padi = jnp.full((EPAD - E_EXT,), NP - 1, dtype=jnp.int32)
    src_ext = jnp.concatenate([src, loop, padi])
    dst_ext = jnp.concatenate([dst, loop, padi])
    src2 = jnp.concatenate([src_ext, src_ext + NP])
    dst2 = dst_ext.reshape(EPAD // 128, 128)

    xp = jnp.zeros((NP, D_IN), jnp.float32).at[:N_NODES].set(x)
    batch2d = jnp.concatenate(
        [batch, jnp.full((NP - N_NODES,), G_SEG, jnp.int32)]).reshape(NP, 1)
    consts = jnp.concatenate(
        [jnp.zeros((ROWS_PT,), jnp.float32), jnp.ones((128,), jnp.float32)])
    zrows = jnp.zeros((128, HALF), jnp.float32)

    deg = _deg(dst2, consts)
    deg_col = deg.reshape(NP, 1)

    g = _mm1(xp, W1, deg_col)
    acc = _propagate(g, src2, dst2, zrows)
    g = _mm23(acc, deg_col, b1.reshape(1, D_H), W2)
    acc = _propagate(g, src2, dst2, zrows)
    g = _mm23(acc, deg_col, b2.reshape(1, D_H), W3)
    acc = _propagate(g, src2, dst2, zrows)
    return _pool(acc, deg_col, b3.reshape(1, D_H), batch2d, Wp,
                 bp.reshape(1, 1))

# --- scband reference (transcript-rebuilt; emitter-appended) ---
"""Pipeline reference for scband-ruby-complexity-gnn-2611340116567 (READ-ONLY COPY).

The authoritative reference and input builder live on the scoring server;
editing this copy changes nothing except your own understanding.
"""

import jax, jax.numpy as jnp
import numpy as np

N = 10000
E = 320000
D_IN = 128
D_H = 256
G = 64


def setup_inputs(seed: int = 0) -> dict:
    key = jax.random.key(seed)
    ks = jax.random.split(key, 12)
    x = jax.random.normal(ks[0], (N, D_IN), dtype=jnp.float32)
    edge_index = jax.random.randint(ks[1], (2, E), 0, N, dtype=jnp.int32)
    batch = jnp.sort(jax.random.randint(ks[2], (N,), 0, G, dtype=jnp.int32))
    W1 = jax.random.normal(ks[3], (D_IN, D_H), dtype=jnp.float32) * 0.05
    b1 = jnp.zeros((D_H,), dtype=jnp.float32)
    W2 = jax.random.normal(ks[4], (D_H, D_H), dtype=jnp.float32) * 0.05
    b2 = jnp.zeros((D_H,), dtype=jnp.float32)
    W3 = jax.random.normal(ks[5], (D_H, D_H), dtype=jnp.float32) * 0.05
    b3 = jnp.zeros((D_H,), dtype=jnp.float32)
    Wp = jax.random.normal(ks[6], (D_H, 1), dtype=jnp.float32) * 0.05
    bp = jnp.zeros((1,), dtype=jnp.float32)
    return {"x": x, "edge_index": edge_index, "batch": batch,
            "W1": W1, "b1": b1, "W2": W2, "b2": b2,
            "W3": W3, "b3": b3, "Wp": Wp, "bp": bp}


def _gcn_conv(x, src, dst, W, b):
    # PyG GCNConv (eval mode): h = lin(x); add self loops; symmetric norm; scatter-add; + bias
    n = x.shape[0]
    loop = jnp.arange(n, dtype=src.dtype)
    s = jnp.concatenate([src, loop])
    d = jnp.concatenate([dst, loop])
    deg = jnp.zeros((n,), dtype=x.dtype).at[d].add(1.0)
    dinv = jnp.where(deg > 0, jax.lax.rsqrt(deg), 0.0)
    norm = dinv[s] * dinv[d]
    h = x @ W
    msg = h[s] * norm[:, None]
    out = jnp.zeros((n, h.shape[1]), dtype=h.dtype).at[d].add(msg)
    return out + b


def _forward(x, edge_index, batch, W1, b1, W2, b2, W3, b3, Wp, bp):
    src = edge_index[0]
    dst = edge_index[1]
    h = _gcn_conv(x, src, dst, W1, b1)
    h = jax.nn.relu(h)  # dropout is identity in eval mode
    h = _gcn_conv(h, src, dst, W2, b2)
    h = jax.nn.relu(h)
    h = _gcn_conv(h, src, dst, W3, b3)
    # global_mean_pool over batch segment ids
    summed = jax.ops.segment_sum(h, batch, num_segments=G)
    cnt = jax.ops.segment_sum(jnp.ones((h.shape[0],), dtype=h.dtype), batch, num_segments=G)
    pooled = summed / jnp.maximum(cnt, 1.0)[:, None]
    return pooled @ Wp + bp


def reference(x, edge_index, batch, W1, b1, W2, b2, W3, b3, Wp, bp):
    return _forward(x, edge_index, batch, W1, b1, W2, b2, W3, b3, Wp, bp)

if __name__ == "__main__":
    import jax
    _d = setup_inputs()
    print(jax.jit(kernel)(*tuple(_d.values())))

</pallas_src>

<mosaic_0001>
#map = affine_map<(d0, d1) -> (0, 0)>
#map1 = affine_map<(d0, d1) -> (0)>
module attributes {stable_mosaic.version = 14 : i64} {
  func.func @_deg(%arg0: i32, %arg1: i32, %arg2: memref<2688x128xi32, #tpu.memory_space<hbm>>, %arg3: memref<768xf32, #tpu.memory_space<hbm>>, %arg4: memref<10240xf32, #tpu.memory_space<hbm>>, %arg5: memref<168x128xi32, #tpu.memory_space<vmem>>, %arg6: memref<128xf32, #tpu.memory_space<vmem>>, %arg7: memref<640xf32, #tpu.memory_space<vmem>>, %arg8: memref<10240xf32, #tpu.memory_space<vmem_shared>>) attributes {dimension_semantics = [#tpu.dimension_semantics<core_parallel>, #tpu.dimension_semantics<subcore_parallel>], iteration_bounds = array<i64: 2, 16>, scalar_prefetch = 0 : i64, scratch_operands = 4 : i64, tpu.core_type = #tpu.core_type<sc_vector_subcore>, window_params = [{transform_indices = #map}, {transform_indices = #map1}, {transform_indices = #map1}]} {
    %mul3A = arith.constant 168 : i32
    %mul3A_0 = arith.muli %arg1, %mul3A : i32
    "tpu.region"() ({
      %run_scoped3A = tpu.sem_alloc : memref<!tpu.dma_semaphore, #tpu.memory_space<semaphore_mem>>
      %dma_start3A = arith.constant 0 : i32
      %dma_start3A_12 = tpu.memref_slice %arg2[%mul3A_0, %dma_start3A] : memref<2688x128xi32, #tpu.memory_space<hbm>> -> memref<168x128xi32, #tpu.memory_space<hbm>>
      %dma_start3A_13 = arith.constant 0 : i32
      %dma_start3A_14 = tpu.memref_slice %arg2[%mul3A_0, %dma_start3A_13] : memref<2688x128xi32, #tpu.memory_space<hbm>> -> memref<168x128xi32, #tpu.memory_space<hbm>>
      tpu.enqueue_dma source(%dma_start3A_14 : memref<168x128xi32, #tpu.memory_space<hbm>>) target(%arg5 : memref<168x128xi32, #tpu.memory_space<vmem>>) target_semaphore(%run_scoped3A : memref<!tpu.dma_semaphore, #tpu.memory_space<semaphore_mem>>)
      %dma_wait3A = arith.constant 0 : i32
      %dma_wait3A_15 = tpu.memref_slice %arg2[%mul3A_0, %dma_wait3A] : memref<2688x128xi32, #tpu.memory_space<hbm>> -> memref<168x128xi32, #tpu.memory_space<hbm>>
      %dma_wait3A_16 = arith.constant 0 : i32
      %dma_wait3A_17 = tpu.memref_slice %arg2[%mul3A_0, %dma_wait3A_16] : memref<2688x128xi32, #tpu.memory_space<hbm>> -> memref<168x128xi32, #tpu.memory_space<hbm>>
      tpu.wait_dma2 semaphore(%run_scoped3A : memref<!tpu.dma_semaphore, #tpu.memory_space<semaphore_mem>>) src(%dma_wait3A_17 : memref<168x128xi32, #tpu.memory_space<hbm>>) dst(%arg5 : memref<168x128xi32, #tpu.memory_space<vmem>>)
      tpu.yield
    }) : () -> ()
    "tpu.region"() ({
      %run_scoped3A = tpu.sem_alloc : memref<!tpu.dma_semaphore, #tpu.memory_space<semaphore_mem>>
      %dma_start3A = arith.constant 640 : i32
      %dma_start3A_12 = tpu.memref_slice %arg3[%dma_start3A] : memref<768xf32, #tpu.memory_space<hbm>> -> memref<128xf32, #tpu.memory_space<hbm>>
      %dma_start3A_13 = arith.constant 640 : i32
      %dma_start3A_14 = tpu.memref_slice %arg3[%dma_start3A_13] : memref<768xf32, #tpu.memory_space<hbm>> -> memref<128xf32, #tpu.memory_space<hbm>>
      tpu.enqueue_dma source(%dma_start3A_14 : memref<128xf32, #tpu.memory_space<hbm>>) target(%arg6 : memref<128xf32, #tpu.memory_space<vmem>>) target_semaphore(%run_scoped3A : memref<!tpu.dma_semaphore, #tpu.memory_space<semaphore_mem>>)
      %dma_wait3A = arith.constant 640 : i32
      %dma_wait3A_15 = tpu.memref_slice %arg3[%dma_wait3A] : memref<768xf32, #tpu.memory_space<hbm>> -> memref<128xf32, #tpu.memory_space<hbm>>
      %dma_wait3A_16 = arith.constant 640 : i32
      %dma_wait3A_17 = tpu.memref_slice %arg3[%dma_wait3A_16] : memref<768xf32, #tpu.memory_space<hbm>> -> memref<128xf32, #tpu.memory_space<hbm>>
      tpu.wait_dma2 semaphore(%run_scoped3A : memref<!tpu.dma_semaphore, #tpu.memory_space<semaphore_mem>>) src(%dma_wait3A_17 : memref<128xf32, #tpu.memory_space<hbm>>) dst(%arg6 : memref<128xf32, #tpu.memory_space<vmem>>)
      tpu.yield
    }) : () -> ()
    "tpu.region"() ({
      %run_scoped3A = tpu.sem_alloc : memref<!tpu.dma_semaphore, #tpu.memory_space<semaphore_mem>>
      %dma_start3A = arith.constant 0 : i32
      %dma_start3A_12 = tpu.memref_slice %arg3[%dma_start3A] : memref<768xf32, #tpu.memory_space<hbm>> -> memref<640xf32, #tpu.memory_space<hbm>>
      %dma_start3A_13 = arith.constant 0 : i32
      %dma_start3A_14 = tpu.memref_slice %arg3[%dma_start3A_13] : memref<768xf32, #tpu.memory_space<hbm>> -> memref<640xf32, #tpu.memory_space<hbm>>
      tpu.enqueue_dma source(%dma_start3A_14 : memref<640xf32, #tpu.memory_space<hbm>>) target(%arg7 : memref<640xf32, #tpu.memory_space<vmem>>) target_semaphore(%run_scoped3A : memref<!tpu.dma_semaphore, #tpu.memory_space<semaphore_mem>>)
      %dma_wait3A = arith.constant 0 : i32
      %dma_wait3A_15 = tpu.memref_slice %arg3[%dma_wait3A] : memref<768xf32, #tpu.memory_space<hbm>> -> memref<640xf32, #tpu.memory_space<hbm>>
      %dma_wait3A_16 = arith.constant 0 : i32
      %dma_wait3A_17 = tpu.memref_slice %arg3[%dma_wait3A_16] : memref<768xf32, #tpu.memory_space<hbm>> -> memref<640xf32, #tpu.memory_space<hbm>>
      tpu.wait_dma2 semaphore(%run_scoped3A : memref<!tpu.dma_semaphore, #tpu.memory_space<semaphore_mem>>) src(%dma_wait3A_17 : memref<640xf32, #tpu.memory_space<hbm>>) dst(%arg7 : memref<640xf32, #tpu.memory_space<vmem>>)
      tpu.yield
    }) : () -> ()
    %mul3A_1 = arith.constant 640 : i32
    %mul3A_2 = arith.muli %arg1, %mul3A_1 : i32
    "tpu.region"() ({
      %run_scoped3A = tpu.sem_alloc : memref<!tpu.dma_semaphore, #tpu.memory_space<semaphore_mem>>
      %dma_start3A = tpu.memref_slice %arg8[%mul3A_2] : memref<10240xf32, #tpu.memory_space<vmem_shared>> -> memref<640xf32, #tpu.memory_space<vmem_shared>>
      %dma_start3A_12 = tpu.memref_slice %arg8[%mul3A_2] : memref<10240xf32, #tpu.memory_space<vmem_shared>> -> memref<640xf32, #tpu.memory_space<vmem_shared>>
      tpu.enqueue_dma source(%arg7 : memref<640xf32, #tpu.memory_space<vmem>>) target(%dma_start3A_12 : memref<640xf32, #tpu.memory_space<vmem_shared>>) target_semaphore(%run_scoped3A : memref<!tpu.dma_semaphore, #tpu.memory_space<semaphore_mem>>)
      %dma_wait3A = tpu.memref_slice %arg8[%mul3A_2] : memref<10240xf32, #tpu.memory_space<vmem_shared>> -> memref<640xf32, #tpu.memory_space<vmem_shared>>
      %dma_wait3A_13 = tpu.memref_slice %arg8[%mul3A_2] : memref<10240xf32, #tpu.memory_space<vmem_shared>> -> memref<640xf32, #tpu.memory_space<vmem_shared>>
      tpu.wait_dma2 semaphore(%run_scoped3A : memref<!tpu.dma_semaphore, #tpu.memory_space<semaphore_mem>>) src(%arg7 : memref<640xf32, #tpu.memory_space<vmem>>) dst(%dma_wait3A_13 : memref<640xf32, #tpu.memory_space<vmem_shared>>)
      tpu.yield
    }) : () -> ()
    %barrier3A = arith.constant 0 : index
    tpu.barrier barrier_id(%barrier3A)
    %scan3A = arith.constant 0 : i32
    %scan3A_3 = arith.constant 168 : i32
    %scan3A_4 = arith.addi %scan3A, %scan3A_3 : i32
    %scan3A_5 = arith.constant 1 : i32
    scf.for %scan3A_12 = %scan3A to %scan3A_4 step %scan3A_5  : i32 {
      "tpu.region"() ({
        %run_scoped3A = tpu.sem_alloc : memref<!tpu.dma_semaphore, #tpu.memory_space<semaphore_mem>>
        %dma_start3A = arith.constant 0 : i32
        %dma_start3A_13 = tpu.memref_slice %arg5[%scan3A_12, %dma_start3A] : memref<168x128xi32, #tpu.memory_space<vmem>> -> memref<1x128xi32, #tpu.memory_space<vmem>>
        %dma_start3A_14 = tpu.memref_squeeze %dma_start3A_13 : memref<1x128xi32, #tpu.memory_space<vmem>> -> memref<128xi32, #tpu.memory_space<vmem>>
        %dma_start3A_15 = arith.constant 0 : i32
        %dma_start3A_16 = tpu.memref_slice %arg8[%dma_start3A_15] : memref<10240xf32, #tpu.memory_space<vmem_shared>> -> memref<10240xf32, #tpu.memory_space<vmem_shared>>
        tpu.enqueue_indirect_dma source(%arg6 : memref<128xf32, #tpu.memory_space<vmem>>) target(%dma_start3A_16 : memref<10240xf32, #tpu.memory_space<vmem_shared>>) offsets(%dma_start3A_14 : memref<128xi32, #tpu.memory_space<vmem>>) semaphore(%run_scoped3A : memref<!tpu.dma_semaphore, #tpu.memory_space<semaphore_mem>>) {add = true}
        %dma_wait3A = arith.constant 0 : i32
        %dma_wait3A_17 = tpu.memref_slice %arg5[%scan3A_12, %dma_wait3A] : memref<168x128xi32, #tpu.memory_space<vmem>> -> memref<1x128xi32, #tpu.memory_space<vmem>>
        %dma_wait3A_18 = tpu.memref_squeeze %dma_wait3A_17 : memref<1x128xi32, #tpu.memory_space<vmem>> -> memref<128xi32, #tpu.memory_space<vmem>>
        %dma_wait3A_19 = arith.constant 0 : i32
        %dma_wait3A_20 = tpu.memref_slice %arg8[%dma_wait3A_19] : memref<10240xf32, #tpu.memory_space<vmem_shared>> -> memref<10240xf32, #tpu.memory_space<vmem_shared>>
        tpu.wait_indirect_dma semaphore(%run_scoped3A : memref<!tpu.dma_semaphore, #tpu.memory_space<semaphore_mem>>) src(%arg6 : memref<128xf32, #tpu.memory_space<vmem>>) dst(%dma_wait3A_20 : memref<10240xf32, #tpu.memory_space<vmem_shared>>)
        tpu.yield
      }) : () -> ()
    }
    %scan3A_6 = arith.constant 168 : i32
    %barrier3A_7 = arith.constant 0 : index
    tpu.barrier barrier_id(%barrier3A_7)
    %mul3A_8 = arith.constant 5120 : i32
    %mul3A_9 = arith.muli %arg0, %mul3A_8 : i32
    %mul3A_10 = arith.constant 320 : i32
    %mul3A_11 = arith.muli %arg1, %mul3A_10 : i32
    %add3A = arith.addi %mul3A_9, %mul3A_11 : i32
    "tpu.region"() ({
      %run_scoped3A = tpu.sem_alloc : memref<!tpu.dma_semaphore, #tpu.memory_space<semaphore_mem>>
      %dma_start3A = arith.constant 0 : i32
      %dma_start3A_12 = tpu.memref_slice %arg7[%dma_start3A] : memref<640xf32, #tpu.memory_space<vmem>> -> memref<320xf32, #tpu.memory_space<vmem>>
      %dma_start3A_13 = tpu.memref_slice %arg8[%add3A] : memref<10240xf32, #tpu.memory_space<vmem_shared>> -> memref<320xf32, #tpu.memory_space<vmem_shared>>
      %dma_start3A_14 = arith.constant 0 : i32
      %dma_start3A_15 = tpu.memref_slice %arg7[%dma_start3A_14] : memref<640xf32, #tpu.memory_space<vmem>> -> memref<320xf32, #tpu.memory_space<vmem>>
      %dma_start3A_16 = tpu.memref_slice %arg8[%add3A] : memref<10240xf32, #tpu.memory_space<vmem_shared>> -> memref<320xf32, #tpu.memory_space<vmem_shared>>
      tpu.enqueue_dma source(%dma_start3A_16 : memref<320xf32, #tpu.memory_space<vmem_shared>>) target(%dma_start3A_15 : memref<320xf32, #tpu.memory_space<vmem>>) target_semaphore(%run_scoped3A : memref<!tpu.dma_semaphore, #tpu.memory_space<semaphore_mem>>)
      %dma_wait3A = arith.constant 0 : i32
      %dma_wait3A_17 = tpu.memref_slice %arg7[%dma_wait3A] : memref<640xf32, #tpu.memory_space<vmem>> -> memref<320xf32, #tpu.memory_space<vmem>>
      %dma_wait3A_18 = tpu.memref_slice %arg8[%add3A] : memref<10240xf32, #tpu.memory_space<vmem_shared>> -> memref<320xf32, #tpu.memory_space<vmem_shared>>
      %dma_wait3A_19 = arith.constant 0 : i32
      %dma_wait3A_20 = tpu.memref_slice %arg7[%dma_wait3A_19] : memref<640xf32, #tpu.memory_space<vmem>> -> memref<320xf32, #tpu.memory_space<vmem>>
      %dma_wait3A_21 = tpu.memref_slice %arg8[%add3A] : memref<10240xf32, #tpu.memory_space<vmem_shared>> -> memref<320xf32, #tpu.memory_space<vmem_shared>>
      tpu.wait_dma2 semaphore(%run_scoped3A : memref<!tpu.dma_semaphore, #tpu.memory_space<semaphore_mem>>) src(%dma_wait3A_21 : memref<320xf32, #tpu.memory_space<vmem_shared>>) dst(%dma_wait3A_20 : memref<320xf32, #tpu.memory_space<vmem>>)
      tpu.yield
    }) : () -> ()
    "tpu.region"() ({
      %run_scoped3A = tpu.sem_alloc : memref<!tpu.dma_semaphore, #tpu.memory_space<semaphore_mem>>
      %dma_start3A = arith.constant 0 : i32
      %dma_start3A_12 = tpu.memref_slice %arg7[%dma_start3A] : memref<640xf32, #tpu.memory_space<vmem>> -> memref<320xf32, #tpu.memory_space<vmem>>
      %dma_start3A_13 = tpu.memref_slice %arg4[%add3A] : memref<10240xf32, #tpu.memory_space<hbm>> -> memref<320xf32, #tpu.memory_space<hbm>>
      %dma_start3A_14 = tpu.memref_slice %arg4[%add3A] : memref<10240xf32, #tpu.memory_space<hbm>> -> memref<320xf32, #tpu.memory_space<hbm>>
      %dma_start3A_15 = arith.constant 0 : i32
      %dma_start3A_16 = tpu.memref_slice %arg7[%dma_start3A_15] : memref<640xf32, #tpu.memory_space<vmem>> -> memref<320xf32, #tpu.memory_space<vmem>>
      tpu.enqueue_dma source(%dma_start3A_16 : memref<320xf32, #tpu.memory_space<vmem>>) target(%dma_start3A_14 : memref<320xf32, #tpu.memory_space<hbm>>) target_semaphore(%run_scoped3A : memref<!tpu.dma_semaphore, #tpu.memory_space<semaphore_mem>>)
      %dma_wait3A = arith.constant 0 : i32
      %dma_wait3A_17 = tpu.memref_slice %arg7[%dma_wait3A] : memref<640xf32, #tpu.memory_space<vmem>> -> memref<320xf32, #tpu.memory_space<vmem>>
      %dma_wait3A_18 = tpu.memref_slice %arg4[%add3A] : memref<10240xf32, #tpu.memory_space<hbm>> -> memref<320xf32, #tpu.memory_space<hbm>>
      %dma_wait3A_19 = tpu.memref_slice %arg4[%add3A] : memref<10240xf32, #tpu.memory_space<hbm>> -> memref<320xf32, #tpu.memory_space<hbm>>
      %dma_wait3A_20 = arith.constant 0 : i32
      %dma_wait3A_21 = tpu.memref_slice %arg7[%dma_wait3A_20] : memref<640xf32, #tpu.memory_space<vmem>> -> memref<320xf32, #tpu.memory_space<vmem>>
      tpu.wait_dma2 semaphore(%run_scoped3A : memref<!tpu.dma_semaphore, #tpu.memory_space<semaphore_mem>>) src(%dma_wait3A_21 : memref<320xf32, #tpu.memory_space<vmem>>) dst(%dma_wait3A_19 : memref<320xf32, #tpu.memory_space<hbm>>)
      tpu.yield
    }) : () -> ()
    return
  }
}

#map = affine_map<(d0, d1) -> (0, 0)>
#map1 = affine_map<(d0, d1) -> (0)>
module attributes {stable_mosaic.version = 14 : i64} {
  func.func @_propagate(%arg0: i32, %arg1: i32, %arg2: memref<20480x128xf32, #tpu.memory_space<hbm>>, %arg3: memref<688128xi32, #tpu.memory_space<hbm>>, %arg4: memref<2688x128xi32, #tpu.memory_space<hbm>>, %arg5: memref<128x128xf32, #tpu.memory_space<hbm>>, %arg6: memref<20480x128xf32, #tpu.memory_space<hbm>>, %arg7: memref<7168xi32, #tpu.memory_space<vmem>>, %arg8: memref<56x128xi32, #tpu.memory_space<vmem>>, %arg9: memref<128x128xf32, #tpu.memory_space<vmem>>, %arg10: memref<128x128xf32, #tpu.memory_space<vmem>>, %arg11: memref<10240x128xf32, #tpu.memory_space<vmem_shared>>, %arg12: memref<!tpu.dma_semaphore, #tpu.memory_space<semaphore_mem>>, %arg13: memref<!tpu.dma_semaphore, #tpu.memory_space<semaphore_mem>>, %arg14: memref<!tpu.dma_semaphore, #tpu.memory_space<semaphore_mem>>, %arg15: memref<!tpu.dma_semaphore, #tpu.memory_space<semaphore_mem>>, %arg16: memref<!tpu.dma_semaphore, #tpu.memory_space<semaphore_mem>>, %arg17: memref<!tpu.dma_semaphore, #tpu.memory_space<semaphore_mem>>) attributes {dimension_semantics = [#tpu.dimension_semantics<core_parallel>, #tpu.dimension_semantics<subcore_parallel>], iteration_bounds = array<i64: 2, 16>, scalar_prefetch = 0 : i64, scratch_operands = 11 : i64, tpu.core_type = #tpu.core_type<sc_vector_subcore>, window_params = [{transform_indices = #map}, {transform_indices = #map1}, {transform_indices = #map}, {transform_indices = #map}, {transform_indices = #map}]} {
    "tpu.region"() ({
      %run_scoped3A = tpu.sem_alloc : memref<!tpu.dma_semaphore, #tpu.memory_space<semaphore_mem>>
      tpu.enqueue_dma source(%arg5 : memref<128x128xf32, #tpu.memory_space<hbm>>) target(%arg9 : memref<128x128xf32, #tpu.memory_space<vmem>>) target_semaphore(%run_scoped3A : memref<!tpu.dma_semaphore, #tpu.memory_space<semaphore_mem>>)
      tpu.wait_dma2 semaphore(%run_scoped3A : memref<!tpu.dma_semaphore, #tpu.memory_space<semaphore_mem>>) src(%arg5 : memref<128x128xf32, #tpu.memory_space<hbm>>) dst(%arg9 : memref<128x128xf32, #tpu.memory_space<vmem>>)
      tpu.yield
    }) : () -> ()
    %mul3A = arith.constant 640 : i32
    %mul3A_0 = arith.muli %arg1, %mul3A : i32
    %add3A = arith.constant 0 : i32
    %add3A_1 = arith.addi %mul3A_0, %add3A : i32
    "tpu.region"() ({
      %run_scoped3A = tpu.sem_alloc : memref<!tpu.dma_semaphore, #tpu.memory_space<semaphore_mem>>
      %dma_start3A = arith.constant 0 : i32
      %dma_start3A_60 = tpu.memref_slice %arg11[%add3A_1, %dma_start3A] : memref<10240x128xf32, #tpu.memory_space<vmem_shared>> -> memref<128x128xf32, #tpu.memory_space<vmem_shared>>
      %dma_start3A_61 = arith.constant 0 : i32
      %dma_start3A_62 = tpu.memref_slice %arg11[%add3A_1, %dma_start3A_61] : memref<10240x128xf32, #tpu.memory_space<vmem_shared>> -> memref<128x128xf32, #tpu.memory_space<vmem_shared>>
      tpu.enqueue_dma source(%arg9 : memref<128x128xf32, #tpu.memory_space<vmem>>) target(%dma_start3A_62 : memref<128x128xf32, #tpu.memory_space<vmem_shared>>) target_semaphore(%run_scoped3A : memref<!tpu.dma_semaphore, #tpu.memory_space<semaphore_mem>>)
      %dma_wait3A = arith.constant 0 : i32
      %dma_wait3A_63 = tpu.memref_slice %arg11[%add3A_1, %dma_wait3A] : memref<10240x128xf32, #tpu.memory_space<vmem_shared>> -> memref<128x128xf32, #tpu.memory_space<vmem_shared>>
      %dma_wait3A_64 = arith.constant 0 : i32
      %dma_wait3A_65 = tpu.memref_slice %arg11[%add3A_1, %dma_wait3A_64] : memref<10240x128xf32, #tpu.memory_space<vmem_shared>> -> memref<128x128xf32, #tpu.memory_space<vmem_shared>>
      tpu.wait_dma2 semaphore(%run_scoped3A : memref<!tpu.dma_semaphore, #tpu.memory_space<semaphore_mem>>) src(%arg9 : memref<128x128xf32, #tpu.memory_space<vmem>>) dst(%dma_wait3A_65 : memref<128x128xf32, #tpu.memory_space<vmem_shared>>)
      tpu.yield
    }) : () -> ()
    %mul3A_2 = arith.constant 640 : i32
    %mul3A_3 = arith.muli %arg1, %mul3A_2 : i32
    %add3A_4 = arith.constant 128 : i32
    %add3A_5 = arith.addi %mul3A_3, %add3A_4 : i32
    "tpu.region"() ({
      %run_scoped3A = tpu.sem_alloc : memref<!tpu.dma_semaphore, #tpu.memory_space<semaphore_mem>>
      %dma_start3A = arith.constant 0 : i32
      %dma_start3A_60 = tpu.memref_slice %arg11[%add3A_5, %dma_start3A] : memref<10240x128xf32, #tpu.memory_space<vmem_shared>> -> memref<128x128xf32, #tpu.memory_space<vmem_shared>>
      %dma_start3A_61 = arith.constant 0 : i32
      %dma_start3A_62 = tpu.memref_slice %arg11[%add3A_5, %dma_start3A_61] : memref<10240x128xf32, #tpu.memory_space<vmem_shared>> -> memref<128x128xf32, #tpu.memory_space<vmem_shared>>
      tpu.enqueue_dma source(%arg9 : memref<128x128xf32, #tpu.memory_space<vmem>>) target(%dma_start3A_62 : memref<128x128xf32, #tpu.memory_space<vmem_shared>>) target_semaphore(%run_scoped3A : memref<!tpu.dma_semaphore, #tpu.memory_space<semaphore_mem>>)
      %dma_wait3A = arith.constant 0 : i32
      %dma_wait3A_63 = tpu.memref_slice %arg11[%add3A_5, %dma_wait3A] : memref<10240x128xf32, #tpu.memory_space<vmem_shared>> -> memref<128x128xf32, #tpu.memory_space<vmem_shared>>
      %dma_wait3A_64 = arith.constant 0 : i32
      %dma_wait3A_65 = tpu.memref_slice %arg11[%add3A_5, %dma_wait3A_64] : memref<10240x128xf32, #tpu.memory_space<vmem_shared>> -> memref<128x128xf32, #tpu.memory_space<vmem_shared>>
      tpu.wait_dma2 semaphore(%run_scoped3A : memref<!tpu.dma_semaphore, #tpu.memory_space<semaphore_mem>>) src(%arg9 : memref<128x128xf32, #tpu.memory_space<vmem>>) dst(%dma_wait3A_65 : memref<128x128xf32, #tpu.memory_space<vmem_shared>>)
      tpu.yield
    }) : () -> ()
    %mul3A_6 = arith.constant 640 : i32
    %mul3A_7 = arith.muli %arg1, %mul3A_6 : i32
    %add3A_8 = arith.constant 256 : i32
    %add3A_9 = arith.addi %mul3A_7, %add3A_8 : i32
    "tpu.region"() ({
      %run_scoped3A = tpu.sem_alloc : memref<!tpu.dma_semaphore, #tpu.memory_space<semaphore_mem>>
      %dma_start3A = arith.constant 0 : i32
      %dma_start3A_60 = tpu.memref_slice %arg11[%add3A_9, %dma_start3A] : memref<10240x128xf32, #tpu.memory_space<vmem_shared>> -> memref<128x128xf32, #tpu.memory_space<vmem_shared>>
      %dma_start3A_61 = arith.constant 0 : i32
      %dma_start3A_62 = tpu.memref_slice %arg11[%add3A_9, %dma_start3A_61] : memref<10240x128xf32, #tpu.memory_space<vmem_shared>> -> memref<128x128xf32, #tpu.memory_space<vmem_shared>>
      tpu.enqueue_dma source(%arg9 : memref<128x128xf32, #tpu.memory_space<vmem>>) target(%dma_start3A_62 : memref<128x128xf32, #tpu.memory_space<vmem_shared>>) target_semaphore(%run_scoped3A : memref<!tpu.dma_semaphore, #tpu.memory_space<semaphore_mem>>)
      %dma_wait3A = arith.constant 0 : i32
      %dma_wait3A_63 = tpu.memref_slice %arg11[%add3A_9, %dma_wait3A] : memref<10240x128xf32, #tpu.memory_space<vmem_shared>> -> memref<128x128xf32, #tpu.memory_space<vmem_shared>>
      %dma_wait3A_64 = arith.constant 0 : i32
      %dma_wait3A_65 = tpu.memref_slice %arg11[%add3A_9, %dma_wait3A_64] : memref<10240x128xf32, #tpu.memory_space<vmem_shared>> -> memref<128x128xf32, #tpu.memory_space<vmem_shared>>
      tpu.wait_dma2 semaphore(%run_scoped3A : memref<!tpu.dma_semaphore, #tpu.memory_space<semaphore_mem>>) src(%arg9 : memref<128x128xf32, #tpu.memory_space<vmem>>) dst(%dma_wait3A_65 : memref<128x128xf32, #tpu.memory_space<vmem_shared>>)
      tpu.yield
    }) : () -> ()
    %mul3A_10 = arith.constant 640 : i32
    %mul3A_11 = arith.muli %arg1, %mul3A_10 : i32
    %add3A_12 = arith.constant 384 : i32
    %add3A_13 = arith.addi %mul3A_11, %add3A_12 : i32
    "tpu.region"() ({
      %run_scoped3A = tpu.sem_alloc : memref<!tpu.dma_semaphore, #tpu.memory_space<semaphore_mem>>
      %dma_start3A = arith.constant 0 : i32
      %dma_start3A_60 = tpu.memref_slice %arg11[%add3A_13, %dma_start3A] : memref<10240x128xf32, #tpu.memory_space<vmem_shared>> -> memref<128x128xf32, #tpu.memory_space<vmem_shared>>
      %dma_start3A_61 = arith.constant 0 : i32
      %dma_start3A_62 = tpu.memref_slice %arg11[%add3A_13, %dma_start3A_61] : memref<10240x128xf32, #tpu.memory_space<vmem_shared>> -> memref<128x128xf32, #tpu.memory_space<vmem_shared>>
      tpu.enqueue_dma source(%arg9 : memref<128x128xf32, #tpu.memory_space<vmem>>) target(%dma_start3A_62 : memref<128x128xf32, #tpu.memory_space<vmem_shared>>) target_semaphore(%run_scoped3A : memref<!tpu.dma_semaphore, #tpu.memory_space<semaphore_mem>>)
      %dma_wait3A = arith.constant 0 : i32
      %dma_wait3A_63 = tpu.memref_slice %arg11[%add3A_13, %dma_wait3A] : memref<10240x128xf32, #tpu.memory_space<vmem_shared>> -> memref<128x128xf32, #tpu.memory_space<vmem_shared>>
      %dma_wait3A_64 = arith.constant 0 : i32
      %dma_wait3A_65 = tpu.memref_slice %arg11[%add3A_13, %dma_wait3A_64] : memref<10240x128xf32, #tpu.memory_space<vmem_shared>> -> memref<128x128xf32, #tpu.memory_space<vmem_shared>>
      tpu.wait_dma2 semaphore(%run_scoped3A : memref<!tpu.dma_semaphore, #tpu.memory_space<semaphore_mem>>) src(%arg9 : memref<128x128xf32, #tpu.memory_space<vmem>>) dst(%dma_wait3A_65 : memref<128x128xf32, #tpu.memory_space<vmem_shared>>)
      tpu.yield
    }) : () -> ()
    %mul3A_14 = arith.constant 640 : i32
    %mul3A_15 = arith.muli %arg1, %mul3A_14 : i32
    %add3A_16 = arith.constant 512 : i32
    %add3A_17 = arith.addi %mul3A_15, %add3A_16 : i32
    "tpu.region"() ({
      %run_scoped3A = tpu.sem_alloc : memref<!tpu.dma_semaphore, #tpu.memory_space<semaphore_mem>>
      %dma_start3A = arith.constant 0 : i32
      %dma_start3A_60 = tpu.memref_slice %arg11[%add3A_17, %dma_start3A] : memref<10240x128xf32, #tpu.memory_space<vmem_shared>> -> memref<128x128xf32, #tpu.memory_space<vmem_shared>>
      %dma_start3A_61 = arith.constant 0 : i32
      %dma_start3A_62 = tpu.memref_slice %arg11[%add3A_17, %dma_start3A_61] : memref<10240x128xf32, #tpu.memory_space<vmem_shared>> -> memref<128x128xf32, #tpu.memory_space<vmem_shared>>
      tpu.enqueue_dma source(%arg9 : memref<128x128xf32, #tpu.memory_space<vmem>>) target(%dma_start3A_62 : memref<128x128xf32, #tpu.memory_space<vmem_shared>>) target_semaphore(%run_scoped3A : memref<!tpu.dma_semaphore, #tpu.memory_space<semaphore_mem>>)
      %dma_wait3A = arith.constant 0 : i32
      %dma_wait3A_63 = tpu.memref_slice %arg11[%add3A_17, %dma_wait3A] : memref<10240x128xf32, #tpu.memory_space<vmem_shared>> -> memref<128x128xf32, #tpu.memory_space<vmem_shared>>
      %dma_wait3A_64 = arith.constant 0 : i32
      %dma_wait3A_65 = tpu.memref_slice %arg11[%add3A_17, %dma_wait3A_64] : memref<10240x128xf32, #tpu.memory_space<vmem_shared>> -> memref<128x128xf32, #tpu.memory_space<vmem_shared>>
      tpu.wait_dma2 semaphore(%run_scoped3A : memref<!tpu.dma_semaphore, #tpu.memory_space<semaphore_mem>>) src(%arg9 : memref<128x128xf32, #tpu.memory_space<vmem>>) dst(%dma_wait3A_65 : memref<128x128xf32, #tpu.memory_space<vmem_shared>>)
      tpu.yield
    }) : () -> ()
    %barrier3A = arith.constant 0 : index
    tpu.barrier barrier_id(%barrier3A)
    %scan3A = arith.constant 0 : i32
    %scan3A_18 = arith.constant 3 : i32
    %scan3A_19 = arith.addi %scan3A, %scan3A_18 : i32
    %scan3A_20 = arith.constant 1 : i32
    scf.for %scan3A_60 = %scan3A to %scan3A_19 step %scan3A_20  : i32 {
      %mul3A_61 = arith.constant 344064 : i32
      %mul3A_62 = arith.muli %arg0, %mul3A_61 : i32
      %mul3A_63 = arith.constant 21504 : i32
      %mul3A_64 = arith.muli %arg1, %mul3A_63 : i32
      %add3A_65 = arith.addi %mul3A_62, %mul3A_64 : i32
      %mul3A_66 = arith.constant 7168 : i32
      %mul3A_67 = arith.muli %scan3A_60, %mul3A_66 : i32
      %add3A_68 = arith.addi %add3A_65, %mul3A_67 : i32
      "tpu.region"() ({
        %run_scoped3A = tpu.sem_alloc : memref<!tpu.dma_semaphore, #tpu.memory_space<semaphore_mem>>
        %dma_start3A_123 = tpu.memref_slice %arg3[%add3A_68] : memref<688128xi32, #tpu.memory_space<hbm>> -> memref<7168xi32, #tpu.memory_space<hbm>>
        %dma_start3A_124 = tpu.memref_slice %arg3[%add3A_68] : memref<688128xi32, #tpu.memory_space<hbm>> -> memref<7168xi32, #tpu.memory_space<hbm>>
        tpu.enqueue_dma source(%dma_start3A_124 : memref<7168xi32, #tpu.memory_space<hbm>>) target(%arg7 : memref<7168xi32, #tpu.memory_space<vmem>>) target_semaphore(%run_scoped3A : memref<!tpu.dma_semaphore, #tpu.memory_space<semaphore_mem>>)
        %dma_wait3A_125 = tpu.memref_slice %arg3[%add3A_68] : memref<688128xi32, #tpu.memory_space<hbm>> -> memref<7168xi32, #tpu.memory_space<hbm>>
        %dma_wait3A_126 = tpu.memref_slice %arg3[%add3A_68] : memref<688128xi32, #tpu.memory_space<hbm>> -> memref<7168xi32, #tpu.memory_space<hbm>>
        tpu.wait_dma2 semaphore(%run_scoped3A : memref<!tpu.dma_semaphore, #tpu.memory_space<semaphore_mem>>) src(%dma_wait3A_126 : memref<7168xi32, #tpu.memory_space<hbm>>) dst(%arg7 : memref<7168xi32, #tpu.memory_space<vmem>>)
        tpu.yield
      }) : () -> ()
      %mul3A_69 = arith.constant 168 : i32
      %mul3A_70 = arith.muli %arg1, %mul3A_69 : i32
      %mul3A_71 = arith.constant 56 : i32
      %mul3A_72 = arith.muli %scan3A_60, %mul3A_71 : i32
      %add3A_73 = arith.addi %mul3A_70, %mul3A_72 : i32
      "tpu.region"() ({
        %run_scoped3A = tpu.sem_alloc : memref<!tpu.dma_semaphore, #tpu.memory_space<semaphore_mem>>
        %dma_start3A_123 = arith.constant 0 : i32
        %dma_start3A_124 = tpu.memref_slice %arg4[%add3A_73, %dma_start3A_123] : memref<2688x128xi32, #tpu.memory_space<hbm>> -> memref<56x128xi32, #tpu.memory_space<hbm>>
        %dma_start3A_125 = arith.constant 0 : i32
        %dma_start3A_126 = tpu.memref_slice %arg4[%add3A_73, %dma_start3A_125] : memref<2688x128xi32, #tpu.memory_space<hbm>> -> memref<56x128xi32, #tpu.memory_space<hbm>>
        tpu.enqueue_dma source(%dma_start3A_126 : memref<56x128xi32, #tpu.memory_space<hbm>>) target(%arg8 : memref<56x128xi32, #tpu.memory_space<vmem>>) target_semaphore(%run_scoped3A : memref<!tpu.dma_semaphore, #tpu.memory_space<semaphore_mem>>)
        %dma_wait3A_127 = arith.constant 0 : i32
        %dma_wait3A_128 = tpu.memref_slice %arg4[%add3A_73, %dma_wait3A_127] : memref<2688x128xi32, #tpu.memory_space<hbm>> -> memref<56x128xi32, #tpu.memory_space<hbm>>
        %dma_wait3A_129 = arith.constant 0 : i32
        %dma_wait3A_130 = tpu.memref_slice %arg4[%add3A_73, %dma_wait3A_129] : memref<2688x128xi32, #tpu.memory_space<hbm>> -> memref<56x128xi32, #tpu.memory_space<hbm>>
        tpu.wait_dma2 semaphore(%run_scoped3A : memref<!tpu.dma_semaphore, #tpu.memory_space<semaphore_mem>>) src(%dma_wait3A_130 : memref<56x128xi32, #tpu.memory_space<hbm>>) dst(%arg8 : memref<56x128xi32, #tpu.memory_space<vmem>>)
        tpu.yield
      }) : () -> ()
      %dma_start3A = arith.constant 0 : i32
      %dma_start3A_74 = arith.constant 0 : i32
      %dma_start3A_75 = tpu.memref_slice %arg9[%dma_start3A, %dma_start3A_74] : memref<128x128xf32, #tpu.memory_space<vmem>> -> memref<64x128xf32, #tpu.memory_space<vmem>>
      %dma_start3A_76 = arith.constant 0 : i32
      %dma_start3A_77 = tpu.memref_slice %arg7[%dma_start3A_76] : memref<7168xi32, #tpu.memory_space<vmem>> -> memref<64xi32, #tpu.memory_space<vmem>>
      %dma_start3A_78 = arith.constant 0 : i32
      %dma_start3A_79 = arith.constant 0 : i32
      %dma_start3A_80 = tpu.memref_slice %arg2[%dma_start3A_78, %dma_start3A_79] : memref<20480x128xf32, #tpu.memory_space<hbm>> -> memref<20480x128xf32, #tpu.memory_space<hbm>>
      tpu.enqueue_indirect_dma source(%dma_start3A_80 : memref<20480x128xf32, #tpu.memory_space<hbm>>) target(%dma_start3A_75 : memref<64x128xf32, #tpu.memory_space<vmem>>) offsets(%dma_start3A_77 : memref<64xi32, #tpu.memory_space<vmem>>) semaphore(%arg12 : memref<!tpu.dma_semaphore, #tpu.memory_space<semaphore_mem>>)
      %dma_start3A_81 = arith.constant 64 : i32
      %dma_start3A_82 = arith.constant 0 : i32
      %dma_start3A_83 = tpu.memref_slice %arg9[%dma_start3A_81, %dma_start3A_82] : memref<128x128xf32, #tpu.memory_space<vmem>> -> memref<64x128xf32, #tpu.memory_space<vmem>>
      %dma_start3A_84 = arith.constant 64 : i32
      %dma_start3A_85 = tpu.memref_slice %arg7[%dma_start3A_84] : memref<7168xi32, #tpu.memory_space<vmem>> -> memref<64xi32, #tpu.memory_space<vmem>>
      %dma_start3A_86 = arith.constant 0 : i32
      %dma_start3A_87 = arith.constant 0 : i32
      %dma_start3A_88 = tpu.memref_slice %arg2[%dma_start3A_86, %dma_start3A_87] : memref<20480x128xf32, #tpu.memory_space<hbm>> -> memref<20480x128xf32, #tpu.memory_space<hbm>>
      tpu.enqueue_indirect_dma source(%dma_start3A_88 : memref<20480x128xf32, #tpu.memory_space<hbm>>) target(%dma_start3A_83 : memref<64x128xf32, #tpu.memory_space<vmem>>) offsets(%dma_start3A_85 : memref<64xi32, #tpu.memory_space<vmem>>) semaphore(%arg13 : memref<!tpu.dma_semaphore, #tpu.memory_space<semaphore_mem>>)
      %dma_start3A_89 = arith.constant 0 : i32
      %dma_start3A_90 = arith.constant 0 : i32
      %dma_start3A_91 = tpu.memref_slice %arg10[%dma_start3A_89, %dma_start3A_90] : memref<128x128xf32, #tpu.memory_space<vmem>> -> memref<64x128xf32, #tpu.memory_space<vmem>>
      %dma_start3A_92 = arith.constant 128 : i32
      %dma_start3A_93 = tpu.memref_slice %arg7[%dma_start3A_92] : memref<7168xi32, #tpu.memory_space<vmem>> -> memref<64xi32, #tpu.memory_space<vmem>>
      %dma_start3A_94 = arith.constant 0 : i32
      %dma_start3A_95 = arith.constant 0 : i32
      %dma_start3A_96 = tpu.memref_slice %arg2[%dma_start3A_94, %dma_start3A_95] : memref<20480x128xf32, #tpu.memory_space<hbm>> -> memref<20480x128xf32, #tpu.memory_space<hbm>>
      tpu.enqueue_indirect_dma source(%dma_start3A_96 : memref<20480x128xf32, #tpu.memory_space<hbm>>) target(%dma_start3A_91 : memref<64x128xf32, #tpu.memory_space<vmem>>) offsets(%dma_start3A_93 : memref<64xi32, #tpu.memory_space<vmem>>) semaphore(%arg14 : memref<!tpu.dma_semaphore, #tpu.memory_space<semaphore_mem>>)
      %dma_start3A_97 = arith.constant 64 : i32
      %dma_start3A_98 = arith.constant 0 : i32
      %dma_start3A_99 = tpu.memref_slice %arg10[%dma_start3A_97, %dma_start3A_98] : memref<128x128xf32, #tpu.memory_space<vmem>> -> memref<64x128xf32, #tpu.memory_space<vmem>>
      %dma_start3A_100 = arith.constant 192 : i32
      %dma_start3A_101 = tpu.memref_slice %arg7[%dma_start3A_100] : memref<7168xi32, #tpu.memory_space<vmem>> -> memref<64xi32, #tpu.memory_space<vmem>>
      %dma_start3A_102 = arith.constant 0 : i32
      %dma_start3A_103 = arith.constant 0 : i32
      %dma_start3A_104 = tpu.memref_slice %arg2[%dma_start3A_102, %dma_start3A_103] : memref<20480x128xf32, #tpu.memory_space<hbm>> -> memref<20480x128xf32, #tpu.memory_space<hbm>>
      tpu.enqueue_indirect_dma source(%dma_start3A_104 : memref<20480x128xf32, #tpu.memory_space<hbm>>) target(%dma_start3A_99 : memref<64x128xf32, #tpu.memory_space<vmem>>) offsets(%dma_start3A_101 : memref<64xi32, #tpu.memory_space<vmem>>) semaphore(%arg15 : memref<!tpu.dma_semaphore, #tpu.memory_space<semaphore_mem>>)
      %scan3A_105 = arith.constant 0 : i32
      %scan3A_106 = arith.constant 28 : i32
      %scan3A_107 = arith.addi %scan3A_105, %scan3A_106 : i32
      %scan3A_108 = arith.constant 1 : i32
      scf.for %scan3A_123 = %scan3A_105 to %scan3A_107 step %scan3A_108  : i32 {
        %mul3A_124 = arith.constant 2 : i32
        %mul3A_125 = arith.muli %mul3A_124, %scan3A_123 : i32
        %mul3A_126 = arith.constant 2 : i32
        %mul3A_127 = arith.muli %mul3A_126, %scan3A_123 : i32
        %add3A_128 = arith.constant 1 : i32
        %add3A_129 = arith.addi %mul3A_127, %add3A_128 : i32
        %dma_wait3A_130 = arith.constant 0 : i32
        %dma_wait3A_131 = arith.constant 0 : i32
        %dma_wait3A_132 = tpu.memref_slice %arg9[%dma_wait3A_130, %dma_wait3A_131] : memref<128x128xf32, #tpu.memory_space<vmem>> -> memref<64x128xf32, #tpu.memory_space<vmem>>
        %dma_wait3A_133 = arith.constant 0 : i32
        %dma_wait3A_134 = arith.constant 0 : i32
        %dma_wait3A_135 = tpu.memref_slice %arg2[%dma_wait3A_133, %dma_wait3A_134] : memref<20480x128xf32, #tpu.memory_space<hbm>> -> memref<64x128xf32, #tpu.memory_space<hbm>>
        %dma_wait3A_136 = arith.constant 0 : i32
        %dma_wait3A_137 = arith.constant 0 : i32
        %dma_wait3A_138 = tpu.memref_slice %arg9[%dma_wait3A_136, %dma_wait3A_137] : memref<128x128xf32, #tpu.memory_space<vmem>> -> memref<64x128xf32, #tpu.memory_space<vmem>>
        %dma_wait3A_139 = arith.constant 0 : i32
        %dma_wait3A_140 = arith.constant 0 : i32
        %dma_wait3A_141 = tpu.memref_slice %arg2[%dma_wait3A_139, %dma_wait3A_140] : memref<20480x128xf32, #tpu.memory_space<hbm>> -> memref<64x128xf32, #tpu.memory_space<hbm>>
        tpu.wait_dma2 semaphore(%arg12 : memref<!tpu.dma_semaphore, #tpu.memory_space<semaphore_mem>>) src(%dma_wait3A_141 : memref<64x128xf32, #tpu.memory_space<hbm>>) dst(%dma_wait3A_138 : memref<64x128xf32, #tpu.memory_space<vmem>>)
        %dma_wait3A_142 = arith.constant 64 : i32
        %dma_wait3A_143 = arith.constant 0 : i32
        %dma_wait3A_144 = tpu.memref_slice %arg9[%dma_wait3A_142, %dma_wait3A_143] : memref<128x128xf32, #tpu.memory_space<vmem>> -> memref<64x128xf32, #tpu.memory_space<vmem>>
        %dma_wait3A_145 = arith.constant 0 : i32
        %dma_wait3A_146 = arith.constant 0 : i32
        %dma_wait3A_147 = tpu.memref_slice %arg2[%dma_wait3A_145, %dma_wait3A_146] : memref<20480x128xf32, #tpu.memory_space<hbm>> -> memref<64x128xf32, #tpu.memory_space<hbm>>
        %dma_wait3A_148 = arith.constant 64 : i32
        %dma_wait3A_149 = arith.constant 0 : i32
        %dma_wait3A_150 = tpu.memref_slice %arg9[%dma_wait3A_148, %dma_wait3A_149] : memref<128x128xf32, #tpu.memory_space<vmem>> -> memref<64x128xf32, #tpu.memory_space<vmem>>
        %dma_wait3A_151 = arith.constant 0 : i32
        %dma_wait3A_152 = arith.constant 0 : i32
        %dma_wait3A_153 = tpu.memref_slice %arg2[%dma_wait3A_151, %dma_wait3A_152] : memref<20480x128xf32, #tpu.memory_space<hbm>> -> memref<64x128xf32, #tpu.memory_space<hbm>>
        tpu.wait_dma2 semaphore(%arg13 : memref<!tpu.dma_semaphore, #tpu.memory_space<semaphore_mem>>) src(%dma_wait3A_153 : memref<64x128xf32, #tpu.memory_space<hbm>>) dst(%dma_wait3A_150 : memref<64x128xf32, #tpu.memory_space<vmem>>)
        %dma_start3A_154 = arith.constant 0 : i32
        %dma_start3A_155 = tpu.memref_slice %arg8[%mul3A_125, %dma_start3A_154] : memref<56x128xi32, #tpu.memory_space<vmem>> -> memref<1x128xi32, #tpu.memory_space<vmem>>
        %dma_start3A_156 = tpu.memref_squeeze %dma_start3A_155 : memref<1x128xi32, #tpu.memory_space<vmem>> -> memref<128xi32, #tpu.memory_space<vmem>>
        %dma_start3A_157 = arith.constant 0 : i32
        %dma_start3A_158 = arith.constant 0 : i32
        %dma_start3A_159 = tpu.memref_slice %arg11[%dma_start3A_157, %dma_start3A_158] : memref<10240x128xf32, #tpu.memory_space<vmem_shared>> -> memref<10240x128xf32, #tpu.memory_space<vmem_shared>>
        tpu.enqueue_indirect_dma source(%arg9 : memref<128x128xf32, #tpu.memory_space<vmem>>) target(%dma_start3A_159 : memref<10240x128xf32, #tpu.memory_space<vmem_shared>>) offsets(%dma_start3A_156 : memref<128xi32, #tpu.memory_space<vmem>>) semaphore(%arg16 : memref<!tpu.dma_semaphore, #tpu.memory_space<semaphore_mem>>) {add = true}
        %lt3A = arith.constant 27 : i32
        %lt3A_160 = arith.cmpi slt, %scan3A_123, %lt3A : i32
        %convert_element_type3A = arith.extui %lt3A_160 : i1 to i32
        %cond3A = arith.constant 0 : i32
        %cond3A_161 = arith.cmpi ne, %convert_element_type3A, %cond3A : i32
        scf.if %cond3A_161 {
          %dma_wait3A_197 = arith.constant 0 : i32
          %dma_wait3A_198 = tpu.memref_slice %arg8[%mul3A_125, %dma_wait3A_197] : memref<56x128xi32, #tpu.memory_space<vmem>> -> memref<1x128xi32, #tpu.memory_space<vmem>>
          %dma_wait3A_199 = tpu.memref_squeeze %dma_wait3A_198 : memref<1x128xi32, #tpu.memory_space<vmem>> -> memref<128xi32, #tpu.memory_space<vmem>>
          %dma_wait3A_200 = arith.constant 0 : i32
          %dma_wait3A_201 = arith.constant 0 : i32
          %dma_wait3A_202 = tpu.memref_slice %arg11[%dma_wait3A_200, %dma_wait3A_201] : memref<10240x128xf32, #tpu.memory_space<vmem_shared>> -> memref<10240x128xf32, #tpu.memory_space<vmem_shared>>
          tpu.wait_indirect_dma semaphore(%arg16 : memref<!tpu.dma_semaphore, #tpu.memory_space<semaphore_mem>>) src(%arg9 : memref<128x128xf32, #tpu.memory_space<vmem>>) dst(%dma_wait3A_202 : memref<10240x128xf32, #tpu.memory_space<vmem_shared>>)
          %add3A_203 = arith.constant 2 : i32
          %add3A_204 = arith.addi %mul3A_125, %add3A_203 : i32
          %mul3A_205 = arith.constant 128 : i32
          %mul3A_206 = arith.muli %add3A_204, %mul3A_205 : i32
          %dma_start3A_207 = arith.constant 0 : i32
          %dma_start3A_208 = arith.constant 0 : i32
          %dma_start3A_209 = tpu.memref_slice %arg9[%dma_start3A_207, %dma_start3A_208] : memref<128x128xf32, #tpu.memory_space<vmem>> -> memref<64x128xf32, #tpu.memory_space<vmem>>
          %dma_start3A_210 = tpu.memref_slice %arg7[%mul3A_206] : memref<7168xi32, #tpu.memory_space<vmem>> -> memref<64xi32, #tpu.memory_space<vmem>>
          %dma_start3A_211 = arith.constant 0 : i32
          %dma_start3A_212 = arith.constant 0 : i32
          %dma_start3A_213 = tpu.memref_slice %arg2[%dma_start3A_211, %dma_start3A_212] : memref<20480x128xf32, #tpu.memory_space<hbm>> -> memref<20480x128xf32, #tpu.memory_space<hbm>>
          tpu.enqueue_indirect_dma source(%dma_start3A_213 : memref<20480x128xf32, #tpu.memory_space<hbm>>) target(%dma_start3A_209 : memref<64x128xf32, #tpu.memory_space<vmem>>) offsets(%dma_start3A_210 : memref<64xi32, #tpu.memory_space<vmem>>) semaphore(%arg12 : memref<!tpu.dma_semaphore, #tpu.memory_space<semaphore_mem>>)
          %mul3A_214 = arith.constant 128 : i32
          %mul3A_215 = arith.muli %add3A_204, %mul3A_214 : i32
          %add3A_216 = arith.constant 64 : i32
          %add3A_217 = arith.addi %mul3A_215, %add3A_216 : i32
          %dma_start3A_218 = arith.constant 64 : i32
          %dma_start3A_219 = arith.constant 0 : i32
          %dma_start3A_220 = tpu.memref_slice %arg9[%dma_start3A_218, %dma_start3A_219] : memref<128x128xf32, #tpu.memory_space<vmem>> -> memref<64x128xf32, #tpu.memory_space<vmem>>
          %dma_start3A_221 = tpu.memref_slice %arg7[%add3A_217] : memref<7168xi32, #tpu.memory_space<vmem>> -> memref<64xi32, #tpu.memory_space<vmem>>
          %dma_start3A_222 = arith.constant 0 : i32
          %dma_start3A_223 = arith.constant 0 : i32
          %dma_start3A_224 = tpu.memref_slice %arg2[%dma_start3A_222, %dma_start3A_223] : memref<20480x128xf32, #tpu.memory_space<hbm>> -> memref<20480x128xf32, #tpu.memory_space<hbm>>
          tpu.enqueue_indirect_dma source(%dma_start3A_224 : memref<20480x128xf32, #tpu.memory_space<hbm>>) target(%dma_start3A_220 : memref<64x128xf32, #tpu.memory_space<vmem>>) offsets(%dma_start3A_221 : memref<64xi32, #tpu.memory_space<vmem>>) semaphore(%arg13 : memref<!tpu.dma_semaphore, #tpu.memory_space<semaphore_mem>>)
        } else {
        }
        %dma_wait3A_162 = arith.constant 0 : i32
        %dma_wait3A_163 = arith.constant 0 : i32
        %dma_wait3A_164 = tpu.memref_slice %arg10[%dma_wait3A_162, %dma_wait3A_163] : memref<128x128xf32, #tpu.memory_space<vmem>> -> memref<64x128xf32, #tpu.memory_space<vmem>>
        %dma_wait3A_165 = arith.constant 0 : i32
        %dma_wait3A_166 = arith.constant 0 : i32
        %dma_wait3A_167 = tpu.memref_slice %arg2[%dma_wait3A_165, %dma_wait3A_166] : memref<20480x128xf32, #tpu.memory_space<hbm>> -> memref<64x128xf32, #tpu.memory_space<hbm>>
        %dma_wait3A_168 = arith.constant 0 : i32
        %dma_wait3A_169 = arith.constant 0 : i32
        %dma_wait3A_170 = tpu.memref_slice %arg10[%dma_wait3A_168, %dma_wait3A_169] : memref<128x128xf32, #tpu.memory_space<vmem>> -> memref<64x128xf32, #tpu.memory_space<vmem>>
        %dma_wait3A_171 = arith.constant 0 : i32
        %dma_wait3A_172 = arith.constant 0 : i32
        %dma_wait3A_173 = tpu.memref_slice %arg2[%dma_wait3A_171, %dma_wait3A_172] : memref<20480x128xf32, #tpu.memory_space<hbm>> -> memref<64x128xf32, #tpu.memory_space<hbm>>
        tpu.wait_dma2 semaphore(%arg14 : memref<!tpu.dma_semaphore, #tpu.memory_space<semaphore_mem>>) src(%dma_wait3A_173 : memref<64x128xf32, #tpu.memory_space<hbm>>) dst(%dma_wait3A_170 : memref<64x128xf32, #tpu.memory_space<vmem>>)
        %dma_wait3A_174 = arith.constant 64 : i32
        %dma_wait3A_175 = arith.constant 0 : i32
        %dma_wait3A_176 = tpu.memref_slice %arg10[%dma_wait3A_174, %dma_wait3A_175] : memref<128x128xf32, #tpu.memory_space<vmem>> -> memref<64x128xf32, #tpu.memory_space<vmem>>
        %dma_wait3A_177 = arith.constant 0 : i32
        %dma_wait3A_178 = arith.constant 0 : i32
        %dma_wait3A_179 = tpu.memref_slice %arg2[%dma_wait3A_177, %dma_wait3A_178] : memref<20480x128xf32, #tpu.memory_space<hbm>> -> memref<64x128xf32, #tpu.memory_space<hbm>>
        %dma_wait3A_180 = arith.constant 64 : i32
        %dma_wait3A_181 = arith.constant 0 : i32
        %dma_wait3A_182 = tpu.memref_slice %arg10[%dma_wait3A_180, %dma_wait3A_181] : memref<128x128xf32, #tpu.memory_space<vmem>> -> memref<64x128xf32, #tpu.memory_space<vmem>>
        %dma_wait3A_183 = arith.constant 0 : i32
        %dma_wait3A_184 = arith.constant 0 : i32
        %dma_wait3A_185 = tpu.memref_slice %arg2[%dma_wait3A_183, %dma_wait3A_184] : memref<20480x128xf32, #tpu.memory_space<hbm>> -> memref<64x128xf32, #tpu.memory_space<hbm>>
        tpu.wait_dma2 semaphore(%arg15 : memref<!tpu.dma_semaphore, #tpu.memory_space<semaphore_mem>>) src(%dma_wait3A_185 : memref<64x128xf32, #tpu.memory_space<hbm>>) dst(%dma_wait3A_182 : memref<64x128xf32, #tpu.memory_space<vmem>>)
        %dma_start3A_186 = arith.constant 0 : i32
        %dma_start3A_187 = tpu.memref_slice %arg8[%add3A_129, %dma_start3A_186] : memref<56x128xi32, #tpu.memory_space<vmem>> -> memref<1x128xi32, #tpu.memory_space<vmem>>
        %dma_start3A_188 = tpu.memref_squeeze %dma_start3A_187 : memref<1x128xi32, #tpu.memory_space<vmem>> -> memref<128xi32, #tpu.memory_space<vmem>>
        %dma_start3A_189 = arith.constant 0 : i32
        %dma_start3A_190 = arith.constant 0 : i32
        %dma_start3A_191 = tpu.memref_slice %arg11[%dma_start3A_189, %dma_start3A_190] : memref<10240x128xf32, #tpu.memory_space<vmem_shared>> -> memref<10240x128xf32, #tpu.memory_space<vmem_shared>>
        tpu.enqueue_indirect_dma source(%arg10 : memref<128x128xf32, #tpu.memory_space<vmem>>) target(%dma_start3A_191 : memref<10240x128xf32, #tpu.memory_space<vmem_shared>>) offsets(%dma_start3A_188 : memref<128xi32, #tpu.memory_space<vmem>>) semaphore(%arg17 : memref<!tpu.dma_semaphore, #tpu.memory_space<semaphore_mem>>) {add = true}
        %lt3A_192 = arith.constant 27 : i32
        %lt3A_193 = arith.cmpi slt, %scan3A_123, %lt3A_192 : i32
        %convert_element_type3A_194 = arith.extui %lt3A_193 : i1 to i32
        %cond3A_195 = arith.constant 0 : i32
        %cond3A_196 = arith.cmpi ne, %convert_element_type3A_194, %cond3A_195 : i32
        scf.if %cond3A_196 {
          %dma_wait3A_197 = arith.constant 0 : i32
          %dma_wait3A_198 = tpu.memref_slice %arg8[%add3A_129, %dma_wait3A_197] : memref<56x128xi32, #tpu.memory_space<vmem>> -> memref<1x128xi32, #tpu.memory_space<vmem>>
          %dma_wait3A_199 = tpu.memref_squeeze %dma_wait3A_198 : memref<1x128xi32, #tpu.memory_space<vmem>> -> memref<128xi32, #tpu.memory_space<vmem>>
          %dma_wait3A_200 = arith.constant 0 : i32
          %dma_wait3A_201 = arith.constant 0 : i32
          %dma_wait3A_202 = tpu.memref_slice %arg11[%dma_wait3A_200, %dma_wait3A_201] : memref<10240x128xf32, #tpu.memory_space<vmem_shared>> -> memref<10240x128xf32, #tpu.memory_space<vmem_shared>>
          tpu.wait_indirect_dma semaphore(%arg17 : memref<!tpu.dma_semaphore, #tpu.memory_space<semaphore_mem>>) src(%arg10 : memref<128x128xf32, #tpu.memory_space<vmem>>) dst(%dma_wait3A_202 : memref<10240x128xf32, #tpu.memory_space<vmem_shared>>)
          %add3A_203 = arith.constant 2 : i32
          %add3A_204 = arith.addi %add3A_129, %add3A_203 : i32
          %mul3A_205 = arith.constant 128 : i32
          %mul3A_206 = arith.muli %add3A_204, %mul3A_205 : i32
          %dma_start3A_207 = arith.constant 0 : i32
          %dma_start3A_208 = arith.constant 0 : i32
          %dma_start3A_209 = tpu.memref_slice %arg10[%dma_start3A_207, %dma_start3A_208] : memref<128x128xf32, #tpu.memory_space<vmem>> -> memref<64x128xf32, #tpu.memory_space<vmem>>
          %dma_start3A_210 = tpu.memref_slice %arg7[%mul3A_206] : memref<7168xi32, #tpu.memory_space<vmem>> -> memref<64xi32, #tpu.memory_space<vmem>>
          %dma_start3A_211 = arith.constant 0 : i32
          %dma_start3A_212 = arith.constant 0 : i32
          %dma_start3A_213 = tpu.memref_slice %arg2[%dma_start3A_211, %dma_start3A_212] : memref<20480x128xf32, #tpu.memory_space<hbm>> -> memref<20480x128xf32, #tpu.memory_space<hbm>>
          tpu.enqueue_indirect_dma source(%dma_start3A_213 : memref<20480x128xf32, #tpu.memory_space<hbm>>) target(%dma_start3A_209 : memref<64x128xf32, #tpu.memory_space<vmem>>) offsets(%dma_start3A_210 : memref<64xi32, #tpu.memory_space<vmem>>) semaphore(%arg14 : memref<!tpu.dma_semaphore, #tpu.memory_space<semaphore_mem>>)
          %mul3A_214 = arith.constant 128 : i32
          %mul3A_215 = arith.muli %add3A_204, %mul3A_214 : i32
          %add3A_216 = arith.constant 64 : i32
          %add3A_217 = arith.addi %mul3A_215, %add3A_216 : i32
          %dma_start3A_218 = arith.constant 64 : i32
          %dma_start3A_219 = arith.constant 0 : i32
          %dma_start3A_220 = tpu.memref_slice %arg10[%dma_start3A_218, %dma_start3A_219] : memref<128x128xf32, #tpu.memory_space<vmem>> -> memref<64x128xf32, #tpu.memory_space<vmem>>
          %dma_start3A_221 = tpu.memref_slice %arg7[%add3A_217] : memref<7168xi32, #tpu.memory_space<vmem>> -> memref<64xi32, #tpu.memory_space<vmem>>
          %dma_start3A_222 = arith.constant 0 : i32
          %dma_start3A_223 = arith.constant 0 : i32
          %dma_start3A_224 = tpu.memref_slice %arg2[%dma_start3A_222, %dma_start3A_223] : memref<20480x128xf32, #tpu.memory_space<hbm>> -> memref<20480x128xf32, #tpu.memory_space<hbm>>
          tpu.enqueue_indirect_dma source(%dma_start3A_224 : memref<20480x128xf32, #tpu.memory_space<hbm>>) target(%dma_start3A_220 : memref<64x128xf32, #tpu.memory_space<vmem>>) offsets(%dma_start3A_221 : memref<64xi32, #tpu.memory_space<vmem>>) semaphore(%arg15 : memref<!tpu.dma_semaphore, #tpu.memory_space<semaphore_mem>>)
        } else {
        }
      }
      %scan3A_109 = arith.constant 28 : i32
      %dma_wait3A = arith.constant 54 : i32
      %dma_wait3A_110 = arith.constant 0 : i32
      %dma_wait3A_111 = tpu.memref_slice %arg8[%dma_wait3A, %dma_wait3A_110] : memref<56x128xi32, #tpu.memory_space<vmem>> -> memref<1x128xi32, #tpu.memory_space<vmem>>
      %dma_wait3A_112 = tpu.memref_squeeze %dma_wait3A_111 : memref<1x128xi32, #tpu.memory_space<vmem>> -> memref<128xi32, #tpu.memory_space<vmem>>
      %dma_wait3A_113 = arith.constant 0 : i32
      %dma_wait3A_114 = arith.constant 0 : i32
      %dma_wait3A_115 = tpu.memref_slice %arg11[%dma_wait3A_113, %dma_wait3A_114] : memref<10240x128xf32, #tpu.memory_space<vmem_shared>> -> memref<10240x128xf32, #tpu.memory_space<vmem_shared>>
      tpu.wait_indirect_dma semaphore(%arg16 : memref<!tpu.dma_semaphore, #tpu.memory_space<semaphore_mem>>) src(%arg9 : memref<128x128xf32, #tpu.memory_space<vmem>>) dst(%dma_wait3A_115 : memref<10240x128xf32, #tpu.memory_space<vmem_shared>>)
      %dma_wait3A_116 = arith.constant 55 : i32
      %dma_wait3A_117 = arith.constant 0 : i32
      %dma_wait3A_118 = tpu.memref_slice %arg8[%dma_wait3A_116, %dma_wait3A_117] : memref<56x128xi32, #tpu.memory_space<vmem>> -> memref<1x128xi32, #tpu.memory_space<vmem>>
      %dma_wait3A_119 = tpu.memref_squeeze %dma_wait3A_118 : memref<1x128xi32, #tpu.memory_space<vmem>> -> memref<128xi32, #tpu.memory_space<vmem>>
      %dma_wait3A_120 = arith.constant 0 : i32
      %dma_wait3A_121 = arith.constant 0 : i32
      %dma_wait3A_122 = tpu.memref_slice %arg11[%dma_wait3A_120, %dma_wait3A_121] : memref<10240x128xf32, #tpu.memory_space<vmem_shared>> -> memref<10240x128xf32, #tpu.memory_space<vmem_shared>>
      tpu.wait_indirect_dma semaphore(%arg17 : memref<!tpu.dma_semaphore, #tpu.memory_space<semaphore_mem>>) src(%arg10 : memref<128x128xf32, #tpu.memory_space<vmem>>) dst(%dma_wait3A_122 : memref<10240x128xf32, #tpu.memory_space<vmem_shared>>)
    }
    %scan3A_21 = arith.constant 3 : i32
    %barrier3A_22 = arith.constant 0 : index
    tpu.barrier barrier_id(%barrier3A_22)
    %mul3A_23 = arith.constant 640 : i32
    %mul3A_24 = arith.muli %arg1, %mul3A_23 : i32
    %add3A_25 = arith.constant 0 : i32
    %add3A_26 = arith.addi %mul3A_24, %add3A_25 : i32
    "tpu.region"() ({
      %run_scoped3A = tpu.sem_alloc : memref<!tpu.dma_semaphore, #tpu.memory_space<semaphore_mem>>
      %dma_start3A = arith.constant 0 : i32
      %dma_start3A_60 = tpu.memref_slice %arg11[%add3A_26, %dma_start3A] : memref<10240x128xf32, #tpu.memory_space<vmem_shared>> -> memref<128x128xf32, #tpu.memory_space<vmem_shared>>
      %dma_start3A_61 = arith.constant 0 : i32
      %dma_start3A_62 = tpu.memref_slice %arg11[%add3A_26, %dma_start3A_61] : memref<10240x128xf32, #tpu.memory_space<vmem_shared>> -> memref<128x128xf32, #tpu.memory_space<vmem_shared>>
      tpu.enqueue_dma source(%dma_start3A_62 : memref<128x128xf32, #tpu.memory_space<vmem_shared>>) target(%arg9 : memref<128x128xf32, #tpu.memory_space<vmem>>) target_semaphore(%run_scoped3A : memref<!tpu.dma_semaphore, #tpu.memory_space<semaphore_mem>>)
      %dma_wait3A = arith.constant 0 : i32
      %dma_wait3A_63 = tpu.memref_slice %arg11[%add3A_26, %dma_wait3A] : memref<10240x128xf32, #tpu.memory_space<vmem_shared>> -> memref<128x128xf32, #tpu.memory_space<vmem_shared>>
      %dma_wait3A_64 = arith.constant 0 : i32
      %dma_wait3A_65 = tpu.memref_slice %arg11[%add3A_26, %dma_wait3A_64] : memref<10240x128xf32, #tpu.memory_space<vmem_shared>> -> memref<128x128xf32, #tpu.memory_space<vmem_shared>>
      tpu.wait_dma2 semaphore(%run_scoped3A : memref<!tpu.dma_semaphore, #tpu.memory_space<semaphore_mem>>) src(%dma_wait3A_65 : memref<128x128xf32, #tpu.memory_space<vmem_shared>>) dst(%arg9 : memref<128x128xf32, #tpu.memory_space<vmem>>)
      tpu.yield
    }) : () -> ()
    %mul3A_27 = arith.constant 10240 : i32
    %mul3A_28 = arith.muli %arg0, %mul3A_27 : i32
    %add3A_29 = arith.addi %mul3A_28, %mul3A_24 : i32
    %add3A_30 = arith.constant 0 : i32
    %add3A_31 = arith.addi %add3A_29, %add3A_30 : i32
    "tpu.region"() ({
      %run_scoped3A = tpu.sem_alloc : memref<!tpu.dma_semaphore, #tpu.memory_space<semaphore_mem>>
      %dma_start3A = arith.constant 0 : i32
      %dma_start3A_60 = tpu.memref_slice %arg6[%add3A_31, %dma_start3A] : memref<20480x128xf32, #tpu.memory_space<hbm>> -> memref<128x128xf32, #tpu.memory_space<hbm>>
      %dma_start3A_61 = arith.constant 0 : i32
      %dma_start3A_62 = tpu.memref_slice %arg6[%add3A_31, %dma_start3A_61] : memref<20480x128xf32, #tpu.memory_space<hbm>> -> memref<128x128xf32, #tpu.memory_space<hbm>>
      tpu.enqueue_dma source(%arg9 : memref<128x128xf32, #tpu.memory_space<vmem>>) target(%dma_start3A_62 : memref<128x128xf32, #tpu.memory_space<hbm>>) target_semaphore(%run_scoped3A : memref<!tpu.dma_semaphore, #tpu.memory_space<semaphore_mem>>)
      %dma_wait3A = arith.constant 0 : i32
      %dma_wait3A_63 = tpu.memref_slice %arg6[%add3A_31, %dma_wait3A] : memref<20480x128xf32, #tpu.memory_space<hbm>> -> memref<128x128xf32, #tpu.memory_space<hbm>>
      %dma_wait3A_64 = arith.constant 0 : i32
      %dma_wait3A_65 = tpu.memref_slice %arg6[%add3A_31, %dma_wait3A_64] : memref<20480x128xf32, #tpu.memory_space<hbm>> -> memref<128x128xf32, #tpu.memory_space<hbm>>
      tpu.wait_dma2 semaphore(%run_scoped3A : memref<!tpu.dma_semaphore, #tpu.memory_space<semaphore_mem>>) src(%arg9 : memref<128x128xf32, #tpu.memory_space<vmem>>) dst(%dma_wait3A_65 : memref<128x128xf32, #tpu.memory_space<hbm>>)
      tpu.yield
    }) : () -> ()
    %add3A_32 = arith.constant 128 : i32
    %add3A_33 = arith.addi %mul3A_24, %add3A_32 : i32
    "tpu.region"() ({
      %run_scoped3A = tpu.sem_alloc : memref<!tpu.dma_semaphore, #tpu.memory_space<semaphore_mem>>
      %dma_start3A = arith.constant 0 : i32
      %dma_start3A_60 = tpu.memref_slice %arg11[%add3A_33, %dma_start3A] : memref<10240x128xf32, #tpu.memory_space<vmem_shared>> -> memref<128x128xf32, #tpu.memory_space<vmem_shared>>
      %dma_start3A_61 = arith.constant 0 : i32
      %dma_start3A_62 = tpu.memref_slice %arg11[%add3A_33, %dma_start3A_61] : memref<10240x128xf32, #tpu.memory_space<vmem_shared>> -> memref<128x128xf32, #tpu.memory_space<vmem_shared>>
      tpu.enqueue_dma source(%dma_start3A_62 : memref<128x128xf32, #tpu.memory_space<vmem_shared>>) target(%arg9 : memref<128x128xf32, #tpu.memory_space<vmem>>) target_semaphore(%run_scoped3A : memref<!tpu.dma_semaphore, #tpu.memory_space<semaphore_mem>>)
      %dma_wait3A = arith.constant 0 : i32
      %dma_wait3A_63 = tpu.memref_slice %arg11[%add3A_33, %dma_wait3A] : memref<10240x128xf32, #tpu.memory_space<vmem_shared>> -> memref<128x128xf32, #tpu.memory_space<vmem_shared>>
      %dma_wait3A_64 = arith.constant 0 : i32
      %dma_wait3A_65 = tpu.memref_slice %arg11[%add3A_33, %dma_wait3A_64] : memref<10240x128xf32, #tpu.memory_space<vmem_shared>> -> memref<128x128xf32, #tpu.memory_space<vmem_shared>>
      tpu.wait_dma2 semaphore(%run_scoped3A : memref<!tpu.dma_semaphore, #tpu.memory_space<semaphore_mem>>) src(%dma_wait3A_65 : memref<128x128xf32, #tpu.memory_space<vmem_shared>>) dst(%arg9 : memref<128x128xf32, #tpu.memory_space<vmem>>)
      tpu.yield
    }) : () -> ()
    %mul3A_34 = arith.constant 10240 : i32
    %mul3A_35 = arith.muli %arg0, %mul3A_34 : i32
    %add3A_36 = arith.addi %mul3A_35, %mul3A_24 : i32
    %add3A_37 = arith.constant 128 : i32
    %add3A_38 = arith.addi %add3A_36, %add3A_37 : i32
    "tpu.region"() ({
      %run_scoped3A = tpu.sem_alloc : memref<!tpu.dma_semaphore, #tpu.memory_space<semaphore_mem>>
      %dma_start3A = arith.constant 0 : i32
      %dma_start3A_60 = tpu.memref_slice %arg6[%add3A_38, %dma_start3A] : memref<20480x128xf32, #tpu.memory_space<hbm>> -> memref<128x128xf32, #tpu.memory_space<hbm>>
      %dma_start3A_61 = arith.constant 0 : i32
      %dma_start3A_62 = tpu.memref_slice %arg6[%add3A_38, %dma_start3A_61] : memref<20480x128xf32, #tpu.memory_space<hbm>> -> memref<128x128xf32, #tpu.memory_space<hbm>>
      tpu.enqueue_dma source(%arg9 : memref<128x128xf32, #tpu.memory_space<vmem>>) target(%dma_start3A_62 : memref<128x128xf32, #tpu.memory_space<hbm>>) target_semaphore(%run_scoped3A : memref<!tpu.dma_semaphore, #tpu.memory_space<semaphore_mem>>)
      %dma_wait3A = arith.constant 0 : i32
      %dma_wait3A_63 = tpu.memref_slice %arg6[%add3A_38, %dma_wait3A] : memref<20480x128xf32, #tpu.memory_space<hbm>> -> memref<128x128xf32, #tpu.memory_space<hbm>>
      %dma_wait3A_64 = arith.constant 0 : i32
      %dma_wait3A_65 = tpu.memref_slice %arg6[%add3A_38, %dma_wait3A_64] : memref<20480x128xf32, #tpu.memory_space<hbm>> -> memref<128x128xf32, #tpu.memory_space<hbm>>
      tpu.wait_dma2 semaphore(%run_scoped3A : memref<!tpu.dma_semaphore, #tpu.memory_space<semaphore_mem>>) src(%arg9 : memref<128x128xf32, #tpu.memory_space<vmem>>) dst(%dma_wait3A_65 : memref<128x128xf32, #tpu.memory_space<hbm>>)
      tpu.yield
    }) : () -> ()
    %add3A_39 = arith.constant 256 : i32
    %add3A_40 = arith.addi %mul3A_24, %add3A_39 : i32
    "tpu.region"() ({
      %run_scoped3A = tpu.sem_alloc : memref<!tpu.dma_semaphore, #tpu.memory_space<semaphore_mem>>
      %dma_start3A = arith.constant 0 : i32
      %dma_start3A_60 = tpu.memref_slice %arg11[%add3A_40, %dma_start3A] : memref<10240x128xf32, #tpu.memory_space<vmem_shared>> -> memref<128x128xf32, #tpu.memory_space<vmem_shared>>
      %dma_start3A_61 = arith.constant 0 : i32
      %dma_start3A_62 = tpu.memref_slice %arg11[%add3A_40, %dma_start3A_61] : memref<10240x128xf32, #tpu.memory_space<vmem_shared>> -> memref<128x128xf32, #tpu.memory_space<vmem_shared>>
      tpu.enqueue_dma source(%dma_start3A_62 : memref<128x128xf32, #tpu.memory_space<vmem_shared>>) target(%arg9 : memref<128x128xf32, #tpu.memory_space<vmem>>) target_semaphore(%run_scoped3A : memref<!tpu.dma_semaphore, #tpu.memory_space<semaphore_mem>>)
      %dma_wait3A = arith.constant 0 : i32
      %dma_wait3A_63 = tpu.memref_slice %arg11[%add3A_40, %dma_wait3A] : memref<10240x128xf32, #tpu.memory_space<vmem_shared>> -> memref<128x128xf32, #tpu.memory_space<vmem_shared>>
      %dma_wait3A_64 = arith.constant 0 : i32
      %dma_wait3A_65 = tpu.memref_slice %arg11[%add3A_40, %dma_wait3A_64] : memref<10240x128xf32, #tpu.memory_space<vmem_shared>> -> memref<128x128xf32, #tpu.memory_space<vmem_shared>>
      tpu.wait_dma2 semaphore(%run_scoped3A : memref<!tpu.dma_semaphore, #tpu.memory_space<semaphore_mem>>) src(%dma_wait3A_65 : memref<128x128xf32, #tpu.memory_space<vmem_shared>>) dst(%arg9 : memref<128x128xf32, #tpu.memory_space<vmem>>)
      tpu.yield
    }) : () -> ()
    %mul3A_41 = arith.constant 10240 : i32
    %mul3A_42 = arith.muli %arg0, %mul3A_41 : i32
    %add3A_43 = arith.addi %mul3A_42, %mul3A_24 : i32
    %add3A_44 = arith.constant 256 : i32
    %add3A_45 = arith.addi %add3A_43, %add3A_44 : i32
    "tpu.region"() ({
      %run_scoped3A = tpu.sem_alloc : memref<!tpu.dma_semaphore, #tpu.memory_space<semaphore_mem>>
      %dma_start3A = arith.constant 0 : i32
      %dma_start3A_60 = tpu.memref_slice %arg6[%add3A_45, %dma_start3A] : memref<20480x128xf32, #tpu.memory_space<hbm>> -> memref<128x128xf32, #tpu.memory_space<hbm>>
      %dma_start3A_61 = arith.constant 0 : i32
      %dma_start3A_62 = tpu.memref_slice %arg6[%add3A_45, %dma_start3A_61] : memref<20480x128xf32, #tpu.memory_space<hbm>> -> memref<128x128xf32, #tpu.memory_space<hbm>>
      tpu.enqueue_dma source(%arg9 : memref<128x128xf32, #tpu.memory_space<vmem>>) target(%dma_start3A_62 : memref<128x128xf32, #tpu.memory_space<hbm>>) target_semaphore(%run_scoped3A : memref<!tpu.dma_semaphore, #tpu.memory_space<semaphore_mem>>)
      %dma_wait3A = arith.constant 0 : i32
      %dma_wait3A_63 = tpu.memref_slice %arg6[%add3A_45, %dma_wait3A] : memref<20480x128xf32, #tpu.memory_space<hbm>> -> memref<128x128xf32, #tpu.memory_space<hbm>>
      %dma_wait3A_64 = arith.constant 0 : i32
      %dma_wait3A_65 = tpu.memref_slice %arg6[%add3A_45, %dma_wait3A_64] : memref<20480x128xf32, #tpu.memory_space<hbm>> -> memref<128x128xf32, #tpu.memory_space<hbm>>
      tpu.wait_dma2 semaphore(%run_scoped3A : memref<!tpu.dma_semaphore, #tpu.memory_space<semaphore_mem>>) src(%arg9 : memref<128x128xf32, #tpu.memory_space<vmem>>) dst(%dma_wait3A_65 : memref<128x128xf32, #tpu.memory_space<hbm>>)
      tpu.yield
    }) : () -> ()
    %add3A_46 = arith.constant 384 : i32
    %add3A_47 = arith.addi %mul3A_24, %add3A_46 : i32
    "tpu.region"() ({
      %run_scoped3A = tpu.sem_alloc : memref<!tpu.dma_semaphore, #tpu.memory_space<semaphore_mem>>
      %dma_start3A = arith.constant 0 : i32
      %dma_start3A_60 = tpu.memref_slice %arg11[%add3A_47, %dma_start3A] : memref<10240x128xf32, #tpu.memory_space<vmem_shared>> -> memref<128x128xf32, #tpu.memory_space<vmem_shared>>
      %dma_start3A_61 = arith.constant 0 : i32
      %dma_start3A_62 = tpu.memref_slice %arg11[%add3A_47, %dma_start3A_61] : memref<10240x128xf32, #tpu.memory_space<vmem_shared>> -> memref<128x128xf32, #tpu.memory_space<vmem_shared>>
      tpu.enqueue_dma source(%dma_start3A_62 : memref<128x128xf32, #tpu.memory_space<vmem_shared>>) target(%arg9 : memref<128x128xf32, #tpu.memory_space<vmem>>) target_semaphore(%run_scoped3A : memref<!tpu.dma_semaphore, #tpu.memory_space<semaphore_mem>>)
      %dma_wait3A = arith.constant 0 : i32
      %dma_wait3A_63 = tpu.memref_slice %arg11[%add3A_47, %dma_wait3A] : memref<10240x128xf32, #tpu.memory_space<vmem_shared>> -> memref<128x128xf32, #tpu.memory_space<vmem_shared>>
      %dma_wait3A_64 = arith.constant 0 : i32
      %dma_wait3A_65 = tpu.memref_slice %arg11[%add3A_47, %dma_wait3A_64] : memref<10240x128xf32, #tpu.memory_space<vmem_shared>> -> memref<128x128xf32, #tpu.memory_space<vmem_shared>>
      tpu.wait_dma2 semaphore(%run_scoped3A : memref<!tpu.dma_semaphore, #tpu.memory_space<semaphore_mem>>) src(%dma_wait3A_65 : memref<128x128xf32, #tpu.memory_space<vmem_shared>>) dst(%arg9 : memref<128x128xf32, #tpu.memory_space<vmem>>)
      tpu.yield
    }) : () -> ()
    %mul3A_48 = arith.constant 10240 : i32
    %mul3A_49 = arith.muli %arg0, %mul3A_48 : i32
    %add3A_50 = arith.addi %mul3A_49, %mul3A_24 : i32
    %add3A_51 = arith.constant 384 : i32
    %add3A_52 = arith.addi %add3A_50, %add3A_51 : i32
    "tpu.region"() ({
      %run_scoped3A = tpu.sem_alloc : memref<!tpu.dma_semaphore, #tpu.memory_space<semaphore_mem>>
      %dma_start3A = arith.constant 0 : i32
      %dma_start3A_60 = tpu.memref_slice %arg6[%add3A_52, %dma_start3A] : memref<20480x128xf32, #tpu.memory_space<hbm>> -> memref<128x128xf32, #tpu.memory_space<hbm>>
      %dma_start3A_61 = arith.constant 0 : i32
      %dma_start3A_62 = tpu.memref_slice %arg6[%add3A_52, %dma_start3A_61] : memref<20480x128xf32, #tpu.memory_space<hbm>> -> memref<128x128xf32, #tpu.memory_space<hbm>>
      tpu.enqueue_dma source(%arg9 : memref<128x128xf32, #tpu.memory_space<vmem>>) target(%dma_start3A_62 : memref<128x128xf32, #tpu.memory_space<hbm>>) target_semaphore(%run_scoped3A : memref<!tpu.dma_semaphore, #tpu.memory_space<semaphore_mem>>)
      %dma_wait3A = arith.constant 0 : i32
      %dma_wait3A_63 = tpu.memref_slice %arg6[%add3A_52, %dma_wait3A] : memref<20480x128xf32, #tpu.memory_space<hbm>> -> memref<128x128xf32, #tpu.memory_space<hbm>>
      %dma_wait3A_64 = arith.constant 0 : i32
      %dma_wait3A_65 = tpu.memref_slice %arg6[%add3A_52, %dma_wait3A_64] : memref<20480x128xf32, #tpu.memory_space<hbm>> -> memref<128x128xf32, #tpu.memory_space<hbm>>
      tpu.wait_dma2 semaphore(%run_scoped3A : memref<!tpu.dma_semaphore, #tpu.memory_space<semaphore_mem>>) src(%arg9 : memref<128x128xf32, #tpu.memory_space<vmem>>) dst(%dma_wait3A_65 : memref<128x128xf32, #tpu.memory_space<hbm>>)
      tpu.yield
    }) : () -> ()
    %add3A_53 = arith.constant 512 : i32
    %add3A_54 = arith.addi %mul3A_24, %add3A_53 : i32
    "tpu.region"() ({
      %run_scoped3A = tpu.sem_alloc : memref<!tpu.dma_semaphore, #tpu.memory_space<semaphore_mem>>
      %dma_start3A = arith.constant 0 : i32
      %dma_start3A_60 = tpu.memref_slice %arg11[%add3A_54, %dma_start3A] : memref<10240x128xf32, #tpu.memory_space<vmem_shared>> -> memref<128x128xf32, #tpu.memory_space<vmem_shared>>
      %dma_start3A_61 = arith.constant 0 : i32
      %dma_start3A_62 = tpu.memref_slice %arg11[%add3A_54, %dma_start3A_61] : memref<10240x128xf32, #tpu.memory_space<vmem_shared>> -> memref<128x128xf32, #tpu.memory_space<vmem_shared>>
      tpu.enqueue_dma source(%dma_start3A_62 : memref<128x128xf32, #tpu.memory_space<vmem_shared>>) target(%arg9 : memref<128x128xf32, #tpu.memory_space<vmem>>) target_semaphore(%run_scoped3A : memref<!tpu.dma_semaphore, #tpu.memory_space<semaphore_mem>>)
      %dma_wait3A = arith.constant 0 : i32
      %dma_wait3A_63 = tpu.memref_slice %arg11[%add3A_54, %dma_wait3A] : memref<10240x128xf32, #tpu.memory_space<vmem_shared>> -> memref<128x128xf32, #tpu.memory_space<vmem_shared>>
      %dma_wait3A_64 = arith.constant 0 : i32
      %dma_wait3A_65 = tpu.memref_slice %arg11[%add3A_54, %dma_wait3A_64] : memref<10240x128xf32, #tpu.memory_space<vmem_shared>> -> memref<128x128xf32, #tpu.memory_space<vmem_shared>>
      tpu.wait_dma2 semaphore(%run_scoped3A : memref<!tpu.dma_semaphore, #tpu.memory_space<semaphore_mem>>) src(%dma_wait3A_65 : memref<128x128xf32, #tpu.memory_space<vmem_shared>>) dst(%arg9 : memref<128x128xf32, #tpu.memory_space<vmem>>)
      tpu.yield
    }) : () -> ()
    %mul3A_55 = arith.constant 10240 : i32
    %mul3A_56 = arith.muli %arg0, %mul3A_55 : i32
    %add3A_57 = arith.addi %mul3A_56, %mul3A_24 : i32
    %add3A_58 = arith.constant 512 : i32
    %add3A_59 = arith.addi %add3A_57, %add3A_58 : i32
    "tpu.region"() ({
      %run_scoped3A = tpu.sem_alloc : memref<!tpu.dma_semaphore, #tpu.memory_space<semaphore_mem>>
      %dma_start3A = arith.constant 0 : i32
      %dma_start3A_60 = tpu.memref_slice %arg6[%add3A_59, %dma_start3A] : memref<20480x128xf32, #tpu.memory_space<hbm>> -> memref<128x128xf32, #tpu.memory_space<hbm>>
      %dma_start3A_61 = arith.constant 0 : i32
      %dma_start3A_62 = tpu.memref_slice %arg6[%add3A_59, %dma_start3A_61] : memref<20480x128xf32, #tpu.memory_space<hbm>> -> memref<128x128xf32, #tpu.memory_space<hbm>>
      tpu.enqueue_dma source(%arg9 : memref<128x128xf32, #tpu.memory_space<vmem>>) target(%dma_start3A_62 : memref<128x128xf32, #tpu.memory_space<hbm>>) target_semaphore(%run_scoped3A : memref<!tpu.dma_semaphore, #tpu.memory_space<semaphore_mem>>)
      %dma_wait3A = arith.constant 0 : i32
      %dma_wait3A_63 = tpu.memref_slice %arg6[%add3A_59, %dma_wait3A] : memref<20480x128xf32, #tpu.memory_space<hbm>> -> memref<128x128xf32, #tpu.memory_space<hbm>>
      %dma_wait3A_64 = arith.constant 0 : i32
      %dma_wait3A_65 = tpu.memref_slice %arg6[%add3A_59, %dma_wait3A_64] : memref<20480x128xf32, #tpu.memory_space<hbm>> -> memref<128x128xf32, #tpu.memory_space<hbm>>
      tpu.wait_dma2 semaphore(%run_scoped3A : memref<!tpu.dma_semaphore, #tpu.memory_space<semaphore_mem>>) src(%arg9 : memref<128x128xf32, #tpu.memory_space<vmem>>) dst(%dma_wait3A_65 : memref<128x128xf32, #tpu.memory_space<hbm>>)
      tpu.yield
    }) : () -> ()
    return
  }
}

#map = affine_map<(d0, d1) -> (0, 0)>
#map1 = affine_map<(d0, d1) -> (0)>
module attributes {stable_mosaic.version = 14 : i64} {
  func.func @_propagate(%arg0: i32, %arg1: i32, %arg2: memref<20480x128xf32, #tpu.memory_space<hbm>>, %arg3: memref<688128xi32, #tpu.memory_space<hbm>>, %arg4: memref<2688x128xi32, #tpu.memory_space<hbm>>, %arg5: memref<128x128xf32, #tpu.memory_space<hbm>>, %arg6: memref<20480x128xf32, #tpu.memory_space<hbm>>, %arg7: memref<7168xi32, #tpu.memory_space<vmem>>, %arg8: memref<56x128xi32, #tpu.memory_space<vmem>>, %arg9: memref<128x128xf32, #tpu.memory_space<vmem>>, %arg10: memref<128x128xf32, #tpu.memory_space<vmem>>, %arg11: memref<10240x128xf32, #tpu.memory_space<vmem_shared>>, %arg12: memref<!tpu.dma_semaphore, #tpu.memory_space<semaphore_mem>>, %arg13: memref<!tpu.dma_semaphore, #tpu.memory_space<semaphore_mem>>, %arg14: memref<!tpu.dma_semaphore, #tpu.memory_space<semaphore_mem>>, %arg15: memref<!tpu.dma_semaphore, #tpu.memory_space<semaphore_mem>>, %arg16: memref<!tpu.dma_semaphore, #tpu.memory_space<semaphore_mem>>, %arg17: memref<!tpu.dma_semaphore, #tpu.memory_space<semaphore_mem>>) attributes {dimension_semantics = [#tpu.dimension_semantics<core_parallel>, #tpu.dimension_semantics<subcore_parallel>], iteration_bounds = array<i64: 2, 16>, scalar_prefetch = 0 : i64, scratch_operands = 11 : i64, tpu.core_type = #tpu.core_type<sc_vector_subcore>, window_params = [{transform_indices = #map}, {transform_indices = #map1}, {transform_indices = #map}, {transform_indices = #map}, {transform_indices = #map}]} {
    "tpu.region"() ({
      %run_scoped3A = tpu.sem_alloc : memref<!tpu.dma_semaphore, #tpu.memory_space<semaphore_mem>>
      tpu.enqueue_dma source(%arg5 : memref<128x128xf32, #tpu.memory_space<hbm>>) target(%arg9 : memref<128x128xf32, #tpu.memory_space<vmem>>) target_semaphore(%run_scoped3A : memref<!tpu.dma_semaphore, #tpu.memory_space<semaphore_mem>>)
      tpu.wait_dma2 semaphore(%run_scoped3A : memref<!tpu.dma_semaphore, #tpu.memory_space<semaphore_mem>>) src(%arg5 : memref<128x128xf32, #tpu.memory_space<hbm>>) dst(%arg9 : memref<128x128xf32, #tpu.memory_space<vmem>>)
      tpu.yield
    }) : () -> ()
    %mul3A = arith.constant 640 : i32
    %mul3A_0 = arith.muli %arg1, %mul3A : i32
    %add3A = arith.constant 0 : i32
    %add3A_1 = arith.addi %mul3A_0, %add3A : i32
    "tpu.region"() ({
      %run_scoped3A = tpu.sem_alloc : memref<!tpu.dma_semaphore, #tpu.memory_space<semaphore_mem>>
      %dma_start3A = arith.constant 0 : i32
      %dma_start3A_60 = tpu.memref_slice %arg11[%add3A_1, %dma_start3A] : memref<10240x128xf32, #tpu.memory_space<vmem_shared>> -> memref<128x128xf32, #tpu.memory_space<vmem_shared>>
      %dma_start3A_61 = arith.constant 0 : i32
      %dma_start3A_62 = tpu.memref_slice %arg11[%add3A_1, %dma_start3A_61] : memref<10240x128xf32, #tpu.memory_space<vmem_shared>> -> memref<128x128xf32, #tpu.memory_space<vmem_shared>>
      tpu.enqueue_dma source(%arg9 : memref<128x128xf32, #tpu.memory_space<vmem>>) target(%dma_start3A_62 : memref<128x128xf32, #tpu.memory_space<vmem_shared>>) target_semaphore(%run_scoped3A : memref<!tpu.dma_semaphore, #tpu.memory_space<semaphore_mem>>)
      %dma_wait3A = arith.constant 0 : i32
      %dma_wait3A_63 = tpu.memref_slice %arg11[%add3A_1, %dma_wait3A] : memref<10240x128xf32, #tpu.memory_space<vmem_shared>> -> memref<128x128xf32, #tpu.memory_space<vmem_shared>>
      %dma_wait3A_64 = arith.constant 0 : i32
      %dma_wait3A_65 = tpu.memref_slice %arg11[%add3A_1, %dma_wait3A_64] : memref<10240x128xf32, #tpu.memory_space<vmem_shared>> -> memref<128x128xf32, #tpu.memory_space<vmem_shared>>
      tpu.wait_dma2 semaphore(%run_scoped3A : memref<!tpu.dma_semaphore, #tpu.memory_space<semaphore_mem>>) src(%arg9 : memref<128x128xf32, #tpu.memory_space<vmem>>) dst(%dma_wait3A_65 : memref<128x128xf32, #tpu.memory_space<vmem_shared>>)
      tpu.yield
    }) : () -> ()
    %mul3A_2 = arith.constant 640 : i32
    %mul3A_3 = arith.muli %arg1, %mul3A_2 : i32
    %add3A_4 = arith.constant 128 : i32
    %add3A_5 = arith.addi %mul3A_3, %add3A_4 : i32
    "tpu.region"() ({
      %run_scoped3A = tpu.sem_alloc : memref<!tpu.dma_semaphore, #tpu.memory_space<semaphore_mem>>
      %dma_start3A = arith.constant 0 : i32
      %dma_start3A_60 = tpu.memref_slice %arg11[%add3A_5, %dma_start3A] : memref<10240x128xf32, #tpu.memory_space<vmem_shared>> -> memref<128x128xf32, #tpu.memory_space<vmem_shared>>
      %dma_start3A_61 = arith.constant 0 : i32
      %dma_start3A_62 = tpu.memref_slice %arg11[%add3A_5, %dma_start3A_61] : memref<10240x128xf32, #tpu.memory_space<vmem_shared>> -> memref<128x128xf32, #tpu.memory_space<vmem_shared>>
      tpu.enqueue_dma source(%arg9 : memref<128x128xf32, #tpu.memory_space<vmem>>) target(%dma_start3A_62 : memref<128x128xf32, #tpu.memory_space<vmem_shared>>) target_semaphore(%run_scoped3A : memref<!tpu.dma_semaphore, #tpu.memory_space<semaphore_mem>>)
      %dma_wait3A = arith.constant 0 : i32
      %dma_wait3A_63 = tpu.memref_slice %arg11[%add3A_5, %dma_wait3A] : memref<10240x128xf32, #tpu.memory_space<vmem_shared>> -> memref<128x128xf32, #tpu.memory_space<vmem_shared>>
      %dma_wait3A_64 = arith.constant 0 : i32
      %dma_wait3A_65 = tpu.memref_slice %arg11[%add3A_5, %dma_wait3A_64] : memref<10240x128xf32, #tpu.memory_space<vmem_shared>> -> memref<128x128xf32, #tpu.memory_space<vmem_shared>>
      tpu.wait_dma2 semaphore(%run_scoped3A : memref<!tpu.dma_semaphore, #tpu.memory_space<semaphore_mem>>) src(%arg9 : memref<128x128xf32, #tpu.memory_space<vmem>>) dst(%dma_wait3A_65 : memref<128x128xf32, #tpu.memory_space<vmem_shared>>)
      tpu.yield
    }) : () -> ()
    %mul3A_6 = arith.constant 640 : i32
    %mul3A_7 = arith.muli %arg1, %mul3A_6 : i32
    %add3A_8 = arith.constant 256 : i32
    %add3A_9 = arith.addi %mul3A_7, %add3A_8 : i32
    "tpu.region"() ({
      %run_scoped3A = tpu.sem_alloc : memref<!tpu.dma_semaphore, #tpu.memory_space<semaphore_mem>>
      %dma_start3A = arith.constant 0 : i32
      %dma_start3A_60 = tpu.memref_slice %arg11[%add3A_9, %dma_start3A] : memref<10240x128xf32, #tpu.memory_space<vmem_shared>> -> memref<128x128xf32, #tpu.memory_space<vmem_shared>>
      %dma_start3A_61 = arith.constant 0 : i32
      %dma_start3A_62 = tpu.memref_slice %arg11[%add3A_9, %dma_start3A_61] : memref<10240x128xf32, #tpu.memory_space<vmem_shared>> -> memref<128x128xf32, #tpu.memory_space<vmem_shared>>
      tpu.enqueue_dma source(%arg9 : memref<128x128xf32, #tpu.memory_space<vmem>>) target(%dma_start3A_62 : memref<128x128xf32, #tpu.memory_space<vmem_shared>>) target_semaphore(%run_scoped3A : memref<!tpu.dma_semaphore, #tpu.memory_space<semaphore_mem>>)
      %dma_wait3A = arith.constant 0 : i32
      %dma_wait3A_63 = tpu.memref_slice %arg11[%add3A_9, %dma_wait3A] : memref<10240x128xf32, #tpu.memory_space<vmem_shared>> -> memref<128x128xf32, #tpu.memory_space<vmem_shared>>
      %dma_wait3A_64 = arith.constant 0 : i32
      %dma_wait3A_65 = tpu.memref_slice %arg11[%add3A_9, %dma_wait3A_64] : memref<10240x128xf32, #tpu.memory_space<vmem_shared>> -> memref<128x128xf32, #tpu.memory_space<vmem_shared>>
      tpu.wait_dma2 semaphore(%run_scoped3A : memref<!tpu.dma_semaphore, #tpu.memory_space<semaphore_mem>>) src(%arg9 : memref<128x128xf32, #tpu.memory_space<vmem>>) dst(%dma_wait3A_65 : memref<128x128xf32, #tpu.memory_space<vmem_shared>>)
      tpu.yield
    }) : () -> ()
    %mul3A_10 = arith.constant 640 : i32
    %mul3A_11 = arith.muli %arg1, %mul3A_10 : i32
    %add3A_12 = arith.constant 384 : i32
    %add3A_13 = arith.addi %mul3A_11, %add3A_12 : i32
    "tpu.region"() ({
      %run_scoped3A = tpu.sem_alloc : memref<!tpu.dma_semaphore, #tpu.memory_space<semaphore_mem>>
      %dma_start3A = arith.constant 0 : i32
      %dma_start3A_60 = tpu.memref_slice %arg11[%add3A_13, %dma_start3A] : memref<10240x128xf32, #tpu.memory_space<vmem_shared>> -> memref<128x128xf32, #tpu.memory_space<vmem_shared>>
      %dma_start3A_61 = arith.constant 0 : i32
      %dma_start3A_62 = tpu.memref_slice %arg11[%add3A_13, %dma_start3A_61] : memref<10240x128xf32, #tpu.memory_space<vmem_shared>> -> memref<128x128xf32, #tpu.memory_space<vmem_shared>>
      tpu.enqueue_dma source(%arg9 : memref<128x128xf32, #tpu.memory_space<vmem>>) target(%dma_start3A_62 : memref<128x128xf32, #tpu.memory_space<vmem_shared>>) target_semaphore(%run_scoped3A : memref<!tpu.dma_semaphore, #tpu.memory_space<semaphore_mem>>)
      %dma_wait3A = arith.constant 0 : i32
      %dma_wait3A_63 = tpu.memref_slice %arg11[%add3A_13, %dma_wait3A] : memref<10240x128xf32, #tpu.memory_space<vmem_shared>> -> memref<128x128xf32, #tpu.memory_space<vmem_shared>>
      %dma_wait3A_64 = arith.constant 0 : i32
      %dma_wait3A_65 = tpu.memref_slice %arg11[%add3A_13, %dma_wait3A_64] : memref<10240x128xf32, #tpu.memory_space<vmem_shared>> -> memref<128x128xf32, #tpu.memory_space<vmem_shared>>
      tpu.wait_dma2 semaphore(%run_scoped3A : memref<!tpu.dma_semaphore, #tpu.memory_space<semaphore_mem>>) src(%arg9 : memref<128x128xf32, #tpu.memory_space<vmem>>) dst(%dma_wait3A_65 : memref<128x128xf32, #tpu.memory_space<vmem_shared>>)
      tpu.yield
    }) : () -> ()
    %mul3A_14 = arith.constant 640 : i32
    %mul3A_15 = arith.muli %arg1, %mul3A_14 : i32
    %add3A_16 = arith.constant 512 : i32
    %add3A_17 = arith.addi %mul3A_15, %add3A_16 : i32
    "tpu.region"() ({
      %run_scoped3A = tpu.sem_alloc : memref<!tpu.dma_semaphore, #tpu.memory_space<semaphore_mem>>
      %dma_start3A = arith.constant 0 : i32
      %dma_start3A_60 = tpu.memref_slice %arg11[%add3A_17, %dma_start3A] : memref<10240x128xf32, #tpu.memory_space<vmem_shared>> -> memref<128x128xf32, #tpu.memory_space<vmem_shared>>
      %dma_start3A_61 = arith.constant 0 : i32
      %dma_start3A_62 = tpu.memref_slice %arg11[%add3A_17, %dma_start3A_61] : memref<10240x128xf32, #tpu.memory_space<vmem_shared>> -> memref<128x128xf32, #tpu.memory_space<vmem_shared>>
      tpu.enqueue_dma source(%arg9 : memref<128x128xf32, #tpu.memory_space<vmem>>) target(%dma_start3A_62 : memref<128x128xf32, #tpu.memory_space<vmem_shared>>) target_semaphore(%run_scoped3A : memref<!tpu.dma_semaphore, #tpu.memory_space<semaphore_mem>>)
      %dma_wait3A = arith.constant 0 : i32
      %dma_wait3A_63 = tpu.memref_slice %arg11[%add3A_17, %dma_wait3A] : memref<10240x128xf32, #tpu.memory_space<vmem_shared>> -> memref<128x128xf32, #tpu.memory_space<vmem_shared>>
      %dma_wait3A_64 = arith.constant 0 : i32
      %dma_wait3A_65 = tpu.memref_slice %arg11[%add3A_17, %dma_wait3A_64] : memref<10240x128xf32, #tpu.memory_space<vmem_shared>> -> memref<128x128xf32, #tpu.memory_space<vmem_shared>>
      tpu.wait_dma2 semaphore(%run_scoped3A : memref<!tpu.dma_semaphore, #tpu.memory_space<semaphore_mem>>) src(%arg9 : memref<128x128xf32, #tpu.memory_space<vmem>>) dst(%dma_wait3A_65 : memref<128x128xf32, #tpu.memory_space<vmem_shared>>)
      tpu.yield
    }) : () -> ()
    %barrier3A = arith.constant 0 : index
    tpu.barrier barrier_id(%barrier3A)
    %scan3A = arith.constant 0 : i32
    %scan3A_18 = arith.constant 3 : i32
    %scan3A_19 = arith.addi %scan3A, %scan3A_18 : i32
    %scan3A_20 = arith.constant 1 : i32
    scf.for %scan3A_60 = %scan3A to %scan3A_19 step %scan3A_20  : i32 {
      %mul3A_61 = arith.constant 344064 : i32
      %mul3A_62 = arith.muli %arg0, %mul3A_61 : i32
      %mul3A_63 = arith.constant 21504 : i32
      %mul3A_64 = arith.muli %arg1, %mul3A_63 : i32
      %add3A_65 = arith.addi %mul3A_62, %mul3A_64 : i32
      %mul3A_66 = arith.constant 7168 : i32
      %mul3A_67 = arith.muli %scan3A_60, %mul3A_66 : i32
      %add3A_68 = arith.addi %add3A_65, %mul3A_67 : i32
      "tpu.region"() ({
        %run_scoped3A = tpu.sem_alloc : memref<!tpu.dma_semaphore, #tpu.memory_space<semaphore_mem>>
        %dma_start3A_123 = tpu.memref_slice %arg3[%add3A_68] : memref<688128xi32, #tpu.memory_space<hbm>> -> memref<7168xi32, #tpu.memory_space<hbm>>
        %dma_start3A_124 = tpu.memref_slice %arg3[%add3A_68] : memref<688128xi32, #tpu.memory_space<hbm>> -> memref<7168xi32, #tpu.memory_space<hbm>>
        tpu.enqueue_dma source(%dma_start3A_124 : memref<7168xi32, #tpu.memory_space<hbm>>) target(%arg7 : memref<7168xi32, #tpu.memory_space<vmem>>) target_semaphore(%run_scoped3A : memref<!tpu.dma_semaphore, #tpu.memory_space<semaphore_mem>>)
        %dma_wait3A_125 = tpu.memref_slice %arg3[%add3A_68] : memref<688128xi32, #tpu.memory_space<hbm>> -> memref<7168xi32, #tpu.memory_space<hbm>>
        %dma_wait3A_126 = tpu.memref_slice %arg3[%add3A_68] : memref<688128xi32, #tpu.memory_space<hbm>> -> memref<7168xi32, #tpu.memory_space<hbm>>
        tpu.wait_dma2 semaphore(%run_scoped3A : memref<!tpu.dma_semaphore, #tpu.memory_space<semaphore_mem>>) src(%dma_wait3A_126 : memref<7168xi32, #tpu.memory_space<hbm>>) dst(%arg7 : memref<7168xi32, #tpu.memory_space<vmem>>)
        tpu.yield
      }) : () -> ()
      %mul3A_69 = arith.constant 168 : i32
      %mul3A_70 = arith.muli %arg1, %mul3A_69 : i32
      %mul3A_71 = arith.constant 56 : i32
      %mul3A_72 = arith.muli %scan3A_60, %mul3A_71 : i32
      %add3A_73 = arith.addi %mul3A_70, %mul3A_72 : i32
      "tpu.region"() ({
        %run_scoped3A = tpu.sem_alloc : memref<!tpu.dma_semaphore, #tpu.memory_space<semaphore_mem>>
        %dma_start3A_123 = arith.constant 0 : i32
        %dma_start3A_124 = tpu.memref_slice %arg4[%add3A_73, %dma_start3A_123] : memref<2688x128xi32, #tpu.memory_space<hbm>> -> memref<56x128xi32, #tpu.memory_space<hbm>>
        %dma_start3A_125 = arith.constant 0 : i32
        %dma_start3A_126 = tpu.memref_slice %arg4[%add3A_73, %dma_start3A_125] : memref<2688x128xi32, #tpu.memory_space<hbm>> -> memref<56x128xi32, #tpu.memory_space<hbm>>
        tpu.enqueue_dma source(%dma_start3A_126 : memref<56x128xi32, #tpu.memory_space<hbm>>) target(%arg8 : memref<56x128xi32, #tpu.memory_space<vmem>>) target_semaphore(%run_scoped3A : memref<!tpu.dma_semaphore, #tpu.memory_space<semaphore_mem>>)
        %dma_wait3A_127 = arith.constant 0 : i32
        %dma_wait3A_128 = tpu.memref_slice %arg4[%add3A_73, %dma_wait3A_127] : memref<2688x128xi32, #tpu.memory_space<hbm>> -> memref<56x128xi32, #tpu.memory_space<hbm>>
        %dma_wait3A_129 = arith.constant 0 : i32
        %dma_wait3A_130 = tpu.memref_slice %arg4[%add3A_73, %dma_wait3A_129] : memref<2688x128xi32, #tpu.memory_space<hbm>> -> memref<56x128xi32, #tpu.memory_space<hbm>>
        tpu.wait_dma2 semaphore(%run_scoped3A : memref<!tpu.dma_semaphore, #tpu.memory_space<semaphore_mem>>) src(%dma_wait3A_130 : memref<56x128xi32, #tpu.memory_space<hbm>>) dst(%arg8 : memref<56x128xi32, #tpu.memory_space<vmem>>)
        tpu.yield
      }) : () -> ()
      %dma_start3A = arith.constant 0 : i32
      %dma_start3A_74 = arith.constant 0 : i32
      %dma_start3A_75 = tpu.memref_slice %arg9[%dma_start3A, %dma_start3A_74] : memref<128x128xf32, #tpu.memory_space<vmem>> -> memref<64x128xf32, #tpu.memory_space<vmem>>
      %dma_start3A_76 = arith.constant 0 : i32
      %dma_start3A_77 = tpu.memref_slice %arg7[%dma_start3A_76] : memref<7168xi32, #tpu.memory_space<vmem>> -> memref<64xi32, #tpu.memory_space<vmem>>
      %dma_start3A_78 = arith.constant 0 : i32
      %dma_start3A_79 = arith.constant 0 : i32
      %dma_start3A_80 = tpu.memref_slice %arg2[%dma_start3A_78, %dma_start3A_79] : memref<20480x128xf32, #tpu.memory_space<hbm>> -> memref<20480x128xf32, #tpu.memory_space<hbm>>
      tpu.enqueue_indirect_dma source(%dma_start3A_80 : memref<20480x128xf32, #tpu.memory_space<hbm>>) target(%dma_start3A_75 : memref<64x128xf32, #tpu.memory_space<vmem>>) offsets(%dma_start3A_77 : memref<64xi32, #tpu.memory_space<vmem>>) semaphore(%arg12 : memref<!tpu.dma_semaphore, #tpu.memory_space<semaphore_mem>>)
      %dma_start3A_81 = arith.constant 64 : i32
      %dma_start3A_82 = arith.constant 0 : i32
      %dma_start3A_83 = tpu.memref_slice %arg9[%dma_start3A_81, %dma_start3A_82] : memref<128x128xf32, #tpu.memory_space<vmem>> -> memref<64x128xf32, #tpu.memory_space<vmem>>
      %dma_start3A_84 = arith.constant 64 : i32
      %dma_start3A_85 = tpu.memref_slice %arg7[%dma_start3A_84] : memref<7168xi32, #tpu.memory_space<vmem>> -> memref<64xi32, #tpu.memory_space<vmem>>
      %dma_start3A_86 = arith.constant 0 : i32
      %dma_start3A_87 = arith.constant 0 : i32
      %dma_start3A_88 = tpu.memref_slice %arg2[%dma_start3A_86, %dma_start3A_87] : memref<20480x128xf32, #tpu.memory_space<hbm>> -> memref<20480x128xf32, #tpu.memory_space<hbm>>
      tpu.enqueue_indirect_dma source(%dma_start3A_88 : memref<20480x128xf32, #tpu.memory_space<hbm>>) target(%dma_start3A_83 : memref<64x128xf32, #tpu.memory_space<vmem>>) offsets(%dma_start3A_85 : memref<64xi32, #tpu.memory_space<vmem>>) semaphore(%arg13 : memref<!tpu.dma_semaphore, #tpu.memory_space<semaphore_mem>>)
      %dma_start3A_89 = arith.constant 0 : i32
      %dma_start3A_90 = arith.constant 0 : i32
      %dma_start3A_91 = tpu.memref_slice %arg10[%dma_start3A_89, %dma_start3A_90] : memref<128x128xf32, #tpu.memory_space<vmem>> -> memref<64x128xf32, #tpu.memory_space<vmem>>
      %dma_start3A_92 = arith.constant 128 : i32
      %dma_start3A_93 = tpu.memref_slice %arg7[%dma_start3A_92] : memref<7168xi32, #tpu.memory_space<vmem>> -> memref<64xi32, #tpu.memory_space<vmem>>
      %dma_start3A_94 = arith.constant 0 : i32
      %dma_start3A_95 = arith.constant 0 : i32
      %dma_start3A_96 = tpu.memref_slice %arg2[%dma_start3A_94, %dma_start3A_95] : memref<20480x128xf32, #tpu.memory_space<hbm>> -> memref<20480x128xf32, #tpu.memory_space<hbm>>
      tpu.enqueue_indirect_dma source(%dma_start3A_96 : memref<20480x128xf32, #tpu.memory_space<hbm>>) target(%dma_start3A_91 : memref<64x128xf32, #tpu.memory_space<vmem>>) offsets(%dma_start3A_93 : memref<64xi32, #tpu.memory_space<vmem>>) semaphore(%arg14 : memref<!tpu.dma_semaphore, #tpu.memory_space<semaphore_mem>>)
      %dma_start3A_97 = arith.constant 64 : i32
      %dma_start3A_98 = arith.constant 0 : i32
      %dma_start3A_99 = tpu.memref_slice %arg10[%dma_start3A_97, %dma_start3A_98] : memref<128x128xf32, #tpu.memory_space<vmem>> -> memref<64x128xf32, #tpu.memory_space<vmem>>
      %dma_start3A_100 = arith.constant 192 : i32
      %dma_start3A_101 = tpu.memref_slice %arg7[%dma_start3A_100] : memref<7168xi32, #tpu.memory_space<vmem>> -> memref<64xi32, #tpu.memory_space<vmem>>
      %dma_start3A_102 = arith.constant 0 : i32
      %dma_start3A_103 = arith.constant 0 : i32
      %dma_start3A_104 = tpu.memref_slice %arg2[%dma_start3A_102, %dma_start3A_103] : memref<20480x128xf32, #tpu.memory_space<hbm>> -> memref<20480x128xf32, #tpu.memory_space<hbm>>
      tpu.enqueue_indirect_dma source(%dma_start3A_104 : memref<20480x128xf32, #tpu.memory_space<hbm>>) target(%dma_start3A_99 : memref<64x128xf32, #tpu.memory_space<vmem>>) offsets(%dma_start3A_101 : memref<64xi32, #tpu.memory_space<vmem>>) semaphore(%arg15 : memref<!tpu.dma_semaphore, #tpu.memory_space<semaphore_mem>>)
      %scan3A_105 = arith.constant 0 : i32
      %scan3A_106 = arith.constant 28 : i32
      %scan3A_107 = arith.addi %scan3A_105, %scan3A_106 : i32
      %scan3A_108 = arith.constant 1 : i32
      scf.for %scan3A_123 = %scan3A_105 to %scan3A_107 step %scan3A_108  : i32 {
        %mul3A_124 = arith.constant 2 : i32
        %mul3A_125 = arith.muli %mul3A_124, %scan3A_123 : i32
        %mul3A_126 = arith.constant 2 : i32
        %mul3A_127 = arith.muli %mul3A_126, %scan3A_123 : i32
        %add3A_128 = arith.constant 1 : i32
        %add3A_129 = arith.addi %mul3A_127, %add3A_128 : i32
        %dma_wait3A_130 = arith.constant 0 : i32
        %dma_wait3A_131 = arith.constant 0 : i32
        %dma_wait3A_132 = tpu.memref_slice %arg9[%dma_wait3A_130, %dma_wait3A_131] : memref<128x128xf32, #tpu.memory_space<vmem>> -> memref<64x128xf32, #tpu.memory_space<vmem>>
        %dma_wait3A_133 = arith.constant 0 : i32
        %dma_wait3A_134 = arith.constant 0 : i32
        %dma_wait3A_135 = tpu.memref_slice %arg2[%dma_wait3A_133, %dma_wait3A_134] : memref<20480x128xf32, #tpu.memory_space<hbm>> -> memref<64x128xf32, #tpu.memory_space<hbm>>
        %dma_wait3A_136 = arith.constant 0 : i32
        %dma_wait3A_137 = arith.constant 0 : i32
        %dma_wait3A_138 = tpu.memref_slice %arg9[%dma_wait3A_136, %dma_wait3A_137] : memref<128x128xf32, #tpu.memory_space<vmem>> -> memref<64x128xf32, #tpu.memory_space<vmem>>
        %dma_wait3A_139 = arith.constant 0 : i32
        %dma_wait3A_140 = arith.constant 0 : i32
        %dma_wait3A_141 = tpu.memref_slice %arg2[%dma_wait3A_139, %dma_wait3A_140] : memref<20480x128xf32, #tpu.memory_space<hbm>> -> memref<64x128xf32, #tpu.memory_space<hbm>>
        tpu.wait_dma2 semaphore(%arg12 : memref<!tpu.dma_semaphore, #tpu.memory_space<semaphore_mem>>) src(%dma_wait3A_141 : memref<64x128xf32, #tpu.memory_space<hbm>>) dst(%dma_wait3A_138 : memref<64x128xf32, #tpu.memory_space<vmem>>)
        %dma_wait3A_142 = arith.constant 64 : i32
        %dma_wait3A_143 = arith.constant 0 : i32
        %dma_wait3A_144 = tpu.memref_slice %arg9[%dma_wait3A_142, %dma_wait3A_143] : memref<128x128xf32, #tpu.memory_space<vmem>> -> memref<64x128xf32, #tpu.memory_space<vmem>>
        %dma_wait3A_145 = arith.constant 0 : i32
        %dma_wait3A_146 = arith.constant 0 : i32
        %dma_wait3A_147 = tpu.memref_slice %arg2[%dma_wait3A_145, %dma_wait3A_146] : memref<20480x128xf32, #tpu.memory_space<hbm>> -> memref<64x128xf32, #tpu.memory_space<hbm>>
        %dma_wait3A_148 = arith.constant 64 : i32
        %dma_wait3A_149 = arith.constant 0 : i32
        %dma_wait3A_150 = tpu.memref_slice %arg9[%dma_wait3A_148, %dma_wait3A_149] : memref<128x128xf32, #tpu.memory_space<vmem>> -> memref<64x128xf32, #tpu.memory_space<vmem>>
        %dma_wait3A_151 = arith.constant 0 : i32
        %dma_wait3A_152 = arith.constant 0 : i32
        %dma_wait3A_153 = tpu.memref_slice %arg2[%dma_wait3A_151, %dma_wait3A_152] : memref<20480x128xf32, #tpu.memory_space<hbm>> -> memref<64x128xf32, #tpu.memory_space<hbm>>
        tpu.wait_dma2 semaphore(%arg13 : memref<!tpu.dma_semaphore, #tpu.memory_space<semaphore_mem>>) src(%dma_wait3A_153 : memref<64x128xf32, #tpu.memory_space<hbm>>) dst(%dma_wait3A_150 : memref<64x128xf32, #tpu.memory_space<vmem>>)
        %dma_start3A_154 = arith.constant 0 : i32
        %dma_start3A_155 = tpu.memref_slice %arg8[%mul3A_125, %dma_start3A_154] : memref<56x128xi32, #tpu.memory_space<vmem>> -> memref<1x128xi32, #tpu.memory_space<vmem>>
        %dma_start3A_156 = tpu.memref_squeeze %dma_start3A_155 : memref<1x128xi32, #tpu.memory_space<vmem>> -> memref<128xi32, #tpu.memory_space<vmem>>
        %dma_start3A_157 = arith.constant 0 : i32
        %dma_start3A_158 = arith.constant 0 : i32
        %dma_start3A_159 = tpu.memref_slice %arg11[%dma_start3A_157, %dma_start3A_158] : memref<10240x128xf32, #tpu.memory_space<vmem_shared>> -> memref<10240x128xf32, #tpu.memory_space<vmem_shared>>
        tpu.enqueue_indirect_dma source(%arg9 : memref<128x128xf32, #tpu.memory_space<vmem>>) target(%dma_start3A_159 : memref<10240x128xf32, #tpu.memory_space<vmem_shared>>) offsets(%dma_start3A_156 : memref<128xi32, #tpu.memory_space<vmem>>) semaphore(%arg16 : memref<!tpu.dma_semaphore, #tpu.memory_space<semaphore_mem>>) {add = true}
        %lt3A = arith.constant 27 : i32
        %lt3A_160 = arith.cmpi slt, %scan3A_123, %lt3A : i32
        %convert_element_type3A = arith.extui %lt3A_160 : i1 to i32
        %cond3A = arith.constant 0 : i32
        %cond3A_161 = arith.cmpi ne, %convert_element_type3A, %cond3A : i32
        scf.if %cond3A_161 {
          %dma_wait3A_197 = arith.constant 0 : i32
          %dma_wait3A_198 = tpu.memref_slice %arg8[%mul3A_125, %dma_wait3A_197] : memref<56x128xi32, #tpu.memory_space<vmem>> -> memref<1x128xi32, #tpu.memory_space<vmem>>
          %dma_wait3A_199 = tpu.memref_squeeze %dma_wait3A_198 : memref<1x128xi32, #tpu.memory_space<vmem>> -> memref<128xi32, #tpu.memory_space<vmem>>
          %dma_wait3A_200 = arith.constant 0 : i32
          %dma_wait3A_201 = arith.constant 0 : i32
          %dma_wait3A_202 = tpu.memref_slice %arg11[%dma_wait3A_200, %dma_wait3A_201] : memref<10240x128xf32, #tpu.memory_space<vmem_shared>> -> memref<10240x128xf32, #tpu.memory_space<vmem_shared>>
          tpu.wait_indirect_dma semaphore(%arg16 : memref<!tpu.dma_semaphore, #tpu.memory_space<semaphore_mem>>) src(%arg9 : memref<128x128xf32, #tpu.memory_space<vmem>>) dst(%dma_wait3A_202 : memref<10240x128xf32, #tpu.memory_space<vmem_shared>>)
          %add3A_203 = arith.constant 2 : i32
          %add3A_204 = arith.addi %mul3A_125, %add3A_203 : i32
          %mul3A_205 = arith.constant 128 : i32
          %mul3A_206 = arith.muli %add3A_204, %mul3A_205 : i32
          %dma_start3A_207 = arith.constant 0 : i32
          %dma_start3A_208 = arith.constant 0 : i32
          %dma_start3A_209 = tpu.memref_slice %arg9[%dma_start3A_207, %dma_start3A_208] : memref<128x128xf32, #tpu.memory_space<vmem>> -> memref<64x128xf32, #tpu.memory_space<vmem>>
          %dma_start3A_210 = tpu.memref_slice %arg7[%mul3A_206] : memref<7168xi32, #tpu.memory_space<vmem>> -> memref<64xi32, #tpu.memory_space<vmem>>
          %dma_start3A_211 = arith.constant 0 : i32
          %dma_start3A_212 = arith.constant 0 : i32
          %dma_start3A_213 = tpu.memref_slice %arg2[%dma_start3A_211, %dma_start3A_212] : memref<20480x128xf32, #tpu.memory_space<hbm>> -> memref<20480x128xf32, #tpu.memory_space<hbm>>
          tpu.enqueue_indirect_dma source(%dma_start3A_213 : memref<20480x128xf32, #tpu.memory_space<hbm>>) target(%dma_start3A_209 : memref<64x128xf32, #tpu.memory_space<vmem>>) offsets(%dma_start3A_210 : memref<64xi32, #tpu.memory_space<vmem>>) semaphore(%arg12 : memref<!tpu.dma_semaphore, #tpu.memory_space<semaphore_mem>>)
          %mul3A_214 = arith.constant 128 : i32
          %mul3A_215 = arith.muli %add3A_204, %mul3A_214 : i32
          %add3A_216 = arith.constant 64 : i32
          %add3A_217 = arith.addi %mul3A_215, %add3A_216 : i32
          %dma_start3A_218 = arith.constant 64 : i32
          %dma_start3A_219 = arith.constant 0 : i32
          %dma_start3A_220 = tpu.memref_slice %arg9[%dma_start3A_218, %dma_start3A_219] : memref<128x128xf32, #tpu.memory_space<vmem>> -> memref<64x128xf32, #tpu.memory_space<vmem>>
          %dma_start3A_221 = tpu.memref_slice %arg7[%add3A_217] : memref<7168xi32, #tpu.memory_space<vmem>> -> memref<64xi32, #tpu.memory_space<vmem>>
          %dma_start3A_222 = arith.constant 0 : i32
          %dma_start3A_223 = arith.constant 0 : i32
          %dma_start3A_224 = tpu.memref_slice %arg2[%dma_start3A_222, %dma_start3A_223] : memref<20480x128xf32, #tpu.memory_space<hbm>> -> memref<20480x128xf32, #tpu.memory_space<hbm>>
          tpu.enqueue_indirect_dma source(%dma_start3A_224 : memref<20480x128xf32, #tpu.memory_space<hbm>>) target(%dma_start3A_220 : memref<64x128xf32, #tpu.memory_space<vmem>>) offsets(%dma_start3A_221 : memref<64xi32, #tpu.memory_space<vmem>>) semaphore(%arg13 : memref<!tpu.dma_semaphore, #tpu.memory_space<semaphore_mem>>)
        } else {
        }
        %dma_wait3A_162 = arith.constant 0 : i32
        %dma_wait3A_163 = arith.constant 0 : i32
        %dma_wait3A_164 = tpu.memref_slice %arg10[%dma_wait3A_162, %dma_wait3A_163] : memref<128x128xf32, #tpu.memory_space<vmem>> -> memref<64x128xf32, #tpu.memory_space<vmem>>
        %dma_wait3A_165 = arith.constant 0 : i32
        %dma_wait3A_166 = arith.constant 0 : i32
        %dma_wait3A_167 = tpu.memref_slice %arg2[%dma_wait3A_165, %dma_wait3A_166] : memref<20480x128xf32, #tpu.memory_space<hbm>> -> memref<64x128xf32, #tpu.memory_space<hbm>>
        %dma_wait3A_168 = arith.constant 0 : i32
        %dma_wait3A_169 = arith.constant 0 : i32
        %dma_wait3A_170 = tpu.memref_slice %arg10[%dma_wait3A_168, %dma_wait3A_169] : memref<128x128xf32, #tpu.memory_space<vmem>> -> memref<64x128xf32, #tpu.memory_space<vmem>>
        %dma_wait3A_171 = arith.constant 0 : i32
        %dma_wait3A_172 = arith.constant 0 : i32
        %dma_wait3A_173 = tpu.memref_slice %arg2[%dma_wait3A_171, %dma_wait3A_172] : memref<20480x128xf32, #tpu.memory_space<hbm>> -> memref<64x128xf32, #tpu.memory_space<hbm>>
        tpu.wait_dma2 semaphore(%arg14 : memref<!tpu.dma_semaphore, #tpu.memory_space<semaphore_mem>>) src(%dma_wait3A_173 : memref<64x128xf32, #tpu.memory_space<hbm>>) dst(%dma_wait3A_170 : memref<64x128xf32, #tpu.memory_space<vmem>>)
        %dma_wait3A_174 = arith.constant 64 : i32
        %dma_wait3A_175 = arith.constant 0 : i32
        %dma_wait3A_176 = tpu.memref_slice %arg10[%dma_wait3A_174, %dma_wait3A_175] : memref<128x128xf32, #tpu.memory_space<vmem>> -> memref<64x128xf32, #tpu.memory_space<vmem>>
        %dma_wait3A_177 = arith.constant 0 : i32
        %dma_wait3A_178 = arith.constant 0 : i32
        %dma_wait3A_179 = tpu.memref_slice %arg2[%dma_wait3A_177, %dma_wait3A_178] : memref<20480x128xf32, #tpu.memory_space<hbm>> -> memref<64x128xf32, #tpu.memory_space<hbm>>
        %dma_wait3A_180 = arith.constant 64 : i32
        %dma_wait3A_181 = arith.constant 0 : i32
        %dma_wait3A_182 = tpu.memref_slice %arg10[%dma_wait3A_180, %dma_wait3A_181] : memref<128x128xf32, #tpu.memory_space<vmem>> -> memref<64x128xf32, #tpu.memory_space<vmem>>
        %dma_wait3A_183 = arith.constant 0 : i32
        %dma_wait3A_184 = arith.constant 0 : i32
        %dma_wait3A_185 = tpu.memref_slice %arg2[%dma_wait3A_183, %dma_wait3A_184] : memref<20480x128xf32, #tpu.memory_space<hbm>> -> memref<64x128xf32, #tpu.memory_space<hbm>>
        tpu.wait_dma2 semaphore(%arg15 : memref<!tpu.dma_semaphore, #tpu.memory_space<semaphore_mem>>) src(%dma_wait3A_185 : memref<64x128xf32, #tpu.memory_space<hbm>>) dst(%dma_wait3A_182 : memref<64x128xf32, #tpu.memory_space<vmem>>)
        %dma_start3A_186 = arith.constant 0 : i32
        %dma_start3A_187 = tpu.memref_slice %arg8[%add3A_129, %dma_start3A_186] : memref<56x128xi32, #tpu.memory_space<vmem>> -> memref<1x128xi32, #tpu.memory_space<vmem>>
        %dma_start3A_188 = tpu.memref_squeeze %dma_start3A_187 : memref<1x128xi32, #tpu.memory_space<vmem>> -> memref<128xi32, #tpu.memory_space<vmem>>
        %dma_start3A_189 = arith.constant 0 : i32
        %dma_start3A_190 = arith.constant 0 : i32
        %dma_start3A_191 = tpu.memref_slice %arg11[%dma_start3A_189, %dma_start3A_190] : memref<10240x128xf32, #tpu.memory_space<vmem_shared>> -> memref<10240x128xf32, #tpu.memory_space<vmem_shared>>
        tpu.enqueue_indirect_dma source(%arg10 : memref<128x128xf32, #tpu.memory_space<vmem>>) target(%dma_start3A_191 : memref<10240x128xf32, #tpu.memory_space<vmem_shared>>) offsets(%dma_start3A_188 : memref<128xi32, #tpu.memory_space<vmem>>) semaphore(%arg17 : memref<!tpu.dma_semaphore, #tpu.memory_space<semaphore_mem>>) {add = true}
        %lt3A_192 = arith.constant 27 : i32
        %lt3A_193 = arith.cmpi slt, %scan3A_123, %lt3A_192 : i32
        %convert_element_type3A_194 = arith.extui %lt3A_193 : i1 to i32
        %cond3A_195 = arith.constant 0 : i32
        %cond3A_196 = arith.cmpi ne, %convert_element_type3A_194, %cond3A_195 : i32
        scf.if %cond3A_196 {
          %dma_wait3A_197 = arith.constant 0 : i32
          %dma_wait3A_198 = tpu.memref_slice %arg8[%add3A_129, %dma_wait3A_197] : memref<56x128xi32, #tpu.memory_space<vmem>> -> memref<1x128xi32, #tpu.memory_space<vmem>>
          %dma_wait3A_199 = tpu.memref_squeeze %dma_wait3A_198 : memref<1x128xi32, #tpu.memory_space<vmem>> -> memref<128xi32, #tpu.memory_space<vmem>>
          %dma_wait3A_200 = arith.constant 0 : i32
          %dma_wait3A_201 = arith.constant 0 : i32
          %dma_wait3A_202 = tpu.memref_slice %arg11[%dma_wait3A_200, %dma_wait3A_201] : memref<10240x128xf32, #tpu.memory_space<vmem_shared>> -> memref<10240x128xf32, #tpu.memory_space<vmem_shared>>
          tpu.wait_indirect_dma semaphore(%arg17 : memref<!tpu.dma_semaphore, #tpu.memory_space<semaphore_mem>>) src(%arg10 : memref<128x128xf32, #tpu.memory_space<vmem>>) dst(%dma_wait3A_202 : memref<10240x128xf32, #tpu.memory_space<vmem_shared>>)
          %add3A_203 = arith.constant 2 : i32
          %add3A_204 = arith.addi %add3A_129, %add3A_203 : i32
          %mul3A_205 = arith.constant 128 : i32
          %mul3A_206 = arith.muli %add3A_204, %mul3A_205 : i32
          %dma_start3A_207 = arith.constant 0 : i32
          %dma_start3A_208 = arith.constant 0 : i32
          %dma_start3A_209 = tpu.memref_slice %arg10[%dma_start3A_207, %dma_start3A_208] : memref<128x128xf32, #tpu.memory_space<vmem>> -> memref<64x128xf32, #tpu.memory_space<vmem>>
          %dma_start3A_210 = tpu.memref_slice %arg7[%mul3A_206] : memref<7168xi32, #tpu.memory_space<vmem>> -> memref<64xi32, #tpu.memory_space<vmem>>
          %dma_start3A_211 = arith.constant 0 : i32
          %dma_start3A_212 = arith.constant 0 : i32
          %dma_start3A_213 = tpu.memref_slice %arg2[%dma_start3A_211, %dma_start3A_212] : memref<20480x128xf32, #tpu.memory_space<hbm>> -> memref<20480x128xf32, #tpu.memory_space<hbm>>
          tpu.enqueue_indirect_dma source(%dma_start3A_213 : memref<20480x128xf32, #tpu.memory_space<hbm>>) target(%dma_start3A_209 : memref<64x128xf32, #tpu.memory_space<vmem>>) offsets(%dma_start3A_210 : memref<64xi32, #tpu.memory_space<vmem>>) semaphore(%arg14 : memref<!tpu.dma_semaphore, #tpu.memory_space<semaphore_mem>>)
          %mul3A_214 = arith.constant 128 : i32
          %mul3A_215 = arith.muli %add3A_204, %mul3A_214 : i32
          %add3A_216 = arith.constant 64 : i32
          %add3A_217 = arith.addi %mul3A_215, %add3A_216 : i32
          %dma_start3A_218 = arith.constant 64 : i32
          %dma_start3A_219 = arith.constant 0 : i32
          %dma_start3A_220 = tpu.memref_slice %arg10[%dma_start3A_218, %dma_start3A_219] : memref<128x128xf32, #tpu.memory_space<vmem>> -> memref<64x128xf32, #tpu.memory_space<vmem>>
          %dma_start3A_221 = tpu.memref_slice %arg7[%add3A_217] : memref<7168xi32, #tpu.memory_space<vmem>> -> memref<64xi32, #tpu.memory_space<vmem>>
          %dma_start3A_222 = arith.constant 0 : i32
          %dma_start3A_223 = arith.constant 0 : i32
          %dma_start3A_224 = tpu.memref_slice %arg2[%dma_start3A_222, %dma_start3A_223] : memref<20480x128xf32, #tpu.memory_space<hbm>> -> memref<20480x128xf32, #tpu.memory_space<hbm>>
          tpu.enqueue_indirect_dma source(%dma_start3A_224 : memref<20480x128xf32, #tpu.memory_space<hbm>>) target(%dma_start3A_220 : memref<64x128xf32, #tpu.memory_space<vmem>>) offsets(%dma_start3A_221 : memref<64xi32, #tpu.memory_space<vmem>>) semaphore(%arg15 : memref<!tpu.dma_semaphore, #tpu.memory_space<semaphore_mem>>)
        } else {
        }
      }
      %scan3A_109 = arith.constant 28 : i32
      %dma_wait3A = arith.constant 54 : i32
      %dma_wait3A_110 = arith.constant 0 : i32
      %dma_wait3A_111 = tpu.memref_slice %arg8[%dma_wait3A, %dma_wait3A_110] : memref<56x128xi32, #tpu.memory_space<vmem>> -> memref<1x128xi32, #tpu.memory_space<vmem>>
      %dma_wait3A_112 = tpu.memref_squeeze %dma_wait3A_111 : memref<1x128xi32, #tpu.memory_space<vmem>> -> memref<128xi32, #tpu.memory_space<vmem>>
      %dma_wait3A_113 = arith.constant 0 : i32
      %dma_wait3A_114 = arith.constant 0 : i32
      %dma_wait3A_115 = tpu.memref_slice %arg11[%dma_wait3A_113, %dma_wait3A_114] : memref<10240x128xf32, #tpu.memory_space<vmem_shared>> -> memref<10240x128xf32, #tpu.memory_space<vmem_shared>>
      tpu.wait_indirect_dma semaphore(%arg16 : memref<!tpu.dma_semaphore, #tpu.memory_space<semaphore_mem>>) src(%arg9 : memref<128x128xf32, #tpu.memory_space<vmem>>) dst(%dma_wait3A_115 : memref<10240x128xf32, #tpu.memory_space<vmem_shared>>)
      %dma_wait3A_116 = arith.constant 55 : i32
      %dma_wait3A_117 = arith.constant 0 : i32
      %dma_wait3A_118 = tpu.memref_slice %arg8[%dma_wait3A_116, %dma_wait3A_117] : memref<56x128xi32, #tpu.memory_space<vmem>> -> memref<1x128xi32, #tpu.memory_space<vmem>>
      %dma_wait3A_119 = tpu.memref_squeeze %dma_wait3A_118 : memref<1x128xi32, #tpu.memory_space<vmem>> -> memref<128xi32, #tpu.memory_space<vmem>>
      %dma_wait3A_120 = arith.constant 0 : i32
      %dma_wait3A_121 = arith.constant 0 : i32
      %dma_wait3A_122 = tpu.memref_slice %arg11[%dma_wait3A_120, %dma_wait3A_121] : memref<10240x128xf32, #tpu.memory_space<vmem_shared>> -> memref<10240x128xf32, #tpu.memory_space<vmem_shared>>
      tpu.wait_indirect_dma semaphore(%arg17 : memref<!tpu.dma_semaphore, #tpu.memory_space<semaphore_mem>>) src(%arg10 : memref<128x128xf32, #tpu.memory_space<vmem>>) dst(%dma_wait3A_122 : memref<10240x128xf32, #tpu.memory_space<vmem_shared>>)
    }
    %scan3A_21 = arith.constant 3 : i32
    %barrier3A_22 = arith.constant 0 : index
    tpu.barrier barrier_id(%barrier3A_22)
    %mul3A_23 = arith.constant 640 : i32
    %mul3A_24 = arith.muli %arg1, %mul3A_23 : i32
    %add3A_25 = arith.constant 0 : i32
    %add3A_26 = arith.addi %mul3A_24, %add3A_25 : i32
    "tpu.region"() ({
      %run_scoped3A = tpu.sem_alloc : memref<!tpu.dma_semaphore, #tpu.memory_space<semaphore_mem>>
      %dma_start3A = arith.constant 0 : i32
      %dma_start3A_60 = tpu.memref_slice %arg11[%add3A_26, %dma_start3A] : memref<10240x128xf32, #tpu.memory_space<vmem_shared>> -> memref<128x128xf32, #tpu.memory_space<vmem_shared>>
      %dma_start3A_61 = arith.constant 0 : i32
      %dma_start3A_62 = tpu.memref_slice %arg11[%add3A_26, %dma_start3A_61] : memref<10240x128xf32, #tpu.memory_space<vmem_shared>> -> memref<128x128xf32, #tpu.memory_space<vmem_shared>>
      tpu.enqueue_dma source(%dma_start3A_62 : memref<128x128xf32, #tpu.memory_space<vmem_shared>>) target(%arg9 : memref<128x128xf32, #tpu.memory_space<vmem>>) target_semaphore(%run_scoped3A : memref<!tpu.dma_semaphore, #tpu.memory_space<semaphore_mem>>)
      %dma_wait3A = arith.constant 0 : i32
      %dma_wait3A_63 = tpu.memref_slice %arg11[%add3A_26, %dma_wait3A] : memref<10240x128xf32, #tpu.memory_space<vmem_shared>> -> memref<128x128xf32, #tpu.memory_space<vmem_shared>>
      %dma_wait3A_64 = arith.constant 0 : i32
      %dma_wait3A_65 = tpu.memref_slice %arg11[%add3A_26, %dma_wait3A_64] : memref<10240x128xf32, #tpu.memory_space<vmem_shared>> -> memref<128x128xf32, #tpu.memory_space<vmem_shared>>
      tpu.wait_dma2 semaphore(%run_scoped3A : memref<!tpu.dma_semaphore, #tpu.memory_space<semaphore_mem>>) src(%dma_wait3A_65 : memref<128x128xf32, #tpu.memory_space<vmem_shared>>) dst(%arg9 : memref<128x128xf32, #tpu.memory_space<vmem>>)
      tpu.yield
    }) : () -> ()
    %mul3A_27 = arith.constant 10240 : i32
    %mul3A_28 = arith.muli %arg0, %mul3A_27 : i32
    %add3A_29 = arith.addi %mul3A_28, %mul3A_24 : i32
    %add3A_30 = arith.constant 0 : i32
    %add3A_31 = arith.addi %add3A_29, %add3A_30 : i32
    "tpu.region"() ({
      %run_scoped3A = tpu.sem_alloc : memref<!tpu.dma_semaphore, #tpu.memory_space<semaphore_mem>>
      %dma_start3A = arith.constant 0 : i32
      %dma_start3A_60 = tpu.memref_slice %arg6[%add3A_31, %dma_start3A] : memref<20480x128xf32, #tpu.memory_space<hbm>> -> memref<128x128xf32, #tpu.memory_space<hbm>>
      %dma_start3A_61 = arith.constant 0 : i32
      %dma_start3A_62 = tpu.memref_slice %arg6[%add3A_31, %dma_start3A_61] : memref<20480x128xf32, #tpu.memory_space<hbm>> -> memref<128x128xf32, #tpu.memory_space<hbm>>
      tpu.enqueue_dma source(%arg9 : memref<128x128xf32, #tpu.memory_space<vmem>>) target(%dma_start3A_62 : memref<128x128xf32, #tpu.memory_space<hbm>>) target_semaphore(%run_scoped3A : memref<!tpu.dma_semaphore, #tpu.memory_space<semaphore_mem>>)
      %dma_wait3A = arith.constant 0 : i32
      %dma_wait3A_63 = tpu.memref_slice %arg6[%add3A_31, %dma_wait3A] : memref<20480x128xf32, #tpu.memory_space<hbm>> -> memref<128x128xf32, #tpu.memory_space<hbm>>
      %dma_wait3A_64 = arith.constant 0 : i32
      %dma_wait3A_65 = tpu.memref_slice %arg6[%add3A_31, %dma_wait3A_64] : memref<20480x128xf32, #tpu.memory_space<hbm>> -> memref<128x128xf32, #tpu.memory_space<hbm>>
      tpu.wait_dma2 semaphore(%run_scoped3A : memref<!tpu.dma_semaphore, #tpu.memory_space<semaphore_mem>>) src(%arg9 : memref<128x128xf32, #tpu.memory_space<vmem>>) dst(%dma_wait3A_65 : memref<128x128xf32, #tpu.memory_space<hbm>>)
      tpu.yield
    }) : () -> ()
    %add3A_32 = arith.constant 128 : i32
    %add3A_33 = arith.addi %mul3A_24, %add3A_32 : i32
    "tpu.region"() ({
      %run_scoped3A = tpu.sem_alloc : memref<!tpu.dma_semaphore, #tpu.memory_space<semaphore_mem>>
      %dma_start3A = arith.constant 0 : i32
      %dma_start3A_60 = tpu.memref_slice %arg11[%add3A_33, %dma_start3A] : memref<10240x128xf32, #tpu.memory_space<vmem_shared>> -> memref<128x128xf32, #tpu.memory_space<vmem_shared>>
      %dma_start3A_61 = arith.constant 0 : i32
      %dma_start3A_62 = tpu.memref_slice %arg11[%add3A_33, %dma_start3A_61] : memref<10240x128xf32, #tpu.memory_space<vmem_shared>> -> memref<128x128xf32, #tpu.memory_space<vmem_shared>>
      tpu.enqueue_dma source(%dma_start3A_62 : memref<128x128xf32, #tpu.memory_space<vmem_shared>>) target(%arg9 : memref<128x128xf32, #tpu.memory_space<vmem>>) target_semaphore(%run_scoped3A : memref<!tpu.dma_semaphore, #tpu.memory_space<semaphore_mem>>)
      %dma_wait3A = arith.constant 0 : i32
      %dma_wait3A_63 = tpu.memref_slice %arg11[%add3A_33, %dma_wait3A] : memref<10240x128xf32, #tpu.memory_space<vmem_shared>> -> memref<128x128xf32, #tpu.memory_space<vmem_shared>>
      %dma_wait3A_64 = arith.constant 0 : i32
      %dma_wait3A_65 = tpu.memref_slice %arg11[%add3A_33, %dma_wait3A_64] : memref<10240x128xf32, #tpu.memory_space<vmem_shared>> -> memref<128x128xf32, #tpu.memory_space<vmem_shared>>
      tpu.wait_dma2 semaphore(%run_scoped3A : memref<!tpu.dma_semaphore, #tpu.memory_space<semaphore_mem>>) src(%dma_wait3A_65 : memref<128x128xf32, #tpu.memory_space<vmem_shared>>) dst(%arg9 : memref<128x128xf32, #tpu.memory_space<vmem>>)
      tpu.yield
    }) : () -> ()
    %mul3A_34 = arith.constant 10240 : i32
    %mul3A_35 = arith.muli %arg0, %mul3A_34 : i32
    %add3A_36 = arith.addi %mul3A_35, %mul3A_24 : i32
    %add3A_37 = arith.constant 128 : i32
    %add3A_38 = arith.addi %add3A_36, %add3A_37 : i32
    "tpu.region"() ({
      %run_scoped3A = tpu.sem_alloc : memref<!tpu.dma_semaphore, #tpu.memory_space<semaphore_mem>>
      %dma_start3A = arith.constant 0 : i32
      %dma_start3A_60 = tpu.memref_slice %arg6[%add3A_38, %dma_start3A] : memref<20480x128xf32, #tpu.memory_space<hbm>> -> memref<128x128xf32, #tpu.memory_space<hbm>>
      %dma_start3A_61 = arith.constant 0 : i32
      %dma_start3A_62 = tpu.memref_slice %arg6[%add3A_38, %dma_start3A_61] : memref<20480x128xf32, #tpu.memory_space<hbm>> -> memref<128x128xf32, #tpu.memory_space<hbm>>
      tpu.enqueue_dma source(%arg9 : memref<128x128xf32, #tpu.memory_space<vmem>>) target(%dma_start3A_62 : memref<128x128xf32, #tpu.memory_space<hbm>>) target_semaphore(%run_scoped3A : memref<!tpu.dma_semaphore, #tpu.memory_space<semaphore_mem>>)
      %dma_wait3A = arith.constant 0 : i32
      %dma_wait3A_63 = tpu.memref_slice %arg6[%add3A_38, %dma_wait3A] : memref<20480x128xf32, #tpu.memory_space<hbm>> -> memref<128x128xf32, #tpu.memory_space<hbm>>
      %dma_wait3A_64 = arith.constant 0 : i32
      %dma_wait3A_65 = tpu.memref_slice %arg6[%add3A_38, %dma_wait3A_64] : memref<20480x128xf32, #tpu.memory_space<hbm>> -> memref<128x128xf32, #tpu.memory_space<hbm>>
      tpu.wait_dma2 semaphore(%run_scoped3A : memref<!tpu.dma_semaphore, #tpu.memory_space<semaphore_mem>>) src(%arg9 : memref<128x128xf32, #tpu.memory_space<vmem>>) dst(%dma_wait3A_65 : memref<128x128xf32, #tpu.memory_space<hbm>>)
      tpu.yield
    }) : () -> ()
    %add3A_39 = arith.constant 256 : i32
    %add3A_40 = arith.addi %mul3A_24, %add3A_39 : i32
    "tpu.region"() ({
      %run_scoped3A = tpu.sem_alloc : memref<!tpu.dma_semaphore, #tpu.memory_space<semaphore_mem>>
      %dma_start3A = arith.constant 0 : i32
      %dma_start3A_60 = tpu.memref_slice %arg11[%add3A_40, %dma_start3A] : memref<10240x128xf32, #tpu.memory_space<vmem_shared>> -> memref<128x128xf32, #tpu.memory_space<vmem_shared>>
      %dma_start3A_61 = arith.constant 0 : i32
      %dma_start3A_62 = tpu.memref_slice %arg11[%add3A_40, %dma_start3A_61] : memref<10240x128xf32, #tpu.memory_space<vmem_shared>> -> memref<128x128xf32, #tpu.memory_space<vmem_shared>>
      tpu.enqueue_dma source(%dma_start3A_62 : memref<128x128xf32, #tpu.memory_space<vmem_shared>>) target(%arg9 : memref<128x128xf32, #tpu.memory_space<vmem>>) target_semaphore(%run_scoped3A : memref<!tpu.dma_semaphore, #tpu.memory_space<semaphore_mem>>)
      %dma_wait3A = arith.constant 0 : i32
      %dma_wait3A_63 = tpu.memref_slice %arg11[%add3A_40, %dma_wait3A] : memref<10240x128xf32, #tpu.memory_space<vmem_shared>> -> memref<128x128xf32, #tpu.memory_space<vmem_shared>>
      %dma_wait3A_64 = arith.constant 0 : i32
      %dma_wait3A_65 = tpu.memref_slice %arg11[%add3A_40, %dma_wait3A_64] : memref<10240x128xf32, #tpu.memory_space<vmem_shared>> -> memref<128x128xf32, #tpu.memory_space<vmem_shared>>
      tpu.wait_dma2 semaphore(%run_scoped3A : memref<!tpu.dma_semaphore, #tpu.memory_space<semaphore_mem>>) src(%dma_wait3A_65 : memref<128x128xf32, #tpu.memory_space<vmem_shared>>) dst(%arg9 : memref<128x128xf32, #tpu.memory_space<vmem>>)
      tpu.yield
    }) : () -> ()
    %mul3A_41 = arith.constant 10240 : i32
    %mul3A_42 = arith.muli %arg0, %mul3A_41 : i32
    %add3A_43 = arith.addi %mul3A_42, %mul3A_24 : i32
    %add3A_44 = arith.constant 256 : i32
    %add3A_45 = arith.addi %add3A_43, %add3A_44 : i32
    "tpu.region"() ({
      %run_scoped3A = tpu.sem_alloc : memref<!tpu.dma_semaphore, #tpu.memory_space<semaphore_mem>>
      %dma_start3A = arith.constant 0 : i32
      %dma_start3A_60 = tpu.memref_slice %arg6[%add3A_45, %dma_start3A] : memref<20480x128xf32, #tpu.memory_space<hbm>> -> memref<128x128xf32, #tpu.memory_space<hbm>>
      %dma_start3A_61 = arith.constant 0 : i32
      %dma_start3A_62 = tpu.memref_slice %arg6[%add3A_45, %dma_start3A_61] : memref<20480x128xf32, #tpu.memory_space<hbm>> -> memref<128x128xf32, #tpu.memory_space<hbm>>
      tpu.enqueue_dma source(%arg9 : memref<128x128xf32, #tpu.memory_space<vmem>>) target(%dma_start3A_62 : memref<128x128xf32, #tpu.memory_space<hbm>>) target_semaphore(%run_scoped3A : memref<!tpu.dma_semaphore, #tpu.memory_space<semaphore_mem>>)
      %dma_wait3A = arith.constant 0 : i32
      %dma_wait3A_63 = tpu.memref_slice %arg6[%add3A_45, %dma_wait3A] : memref<20480x128xf32, #tpu.memory_space<hbm>> -> memref<128x128xf32, #tpu.memory_space<hbm>>
      %dma_wait3A_64 = arith.constant 0 : i32
      %dma_wait3A_65 = tpu.memref_slice %arg6[%add3A_45, %dma_wait3A_64] : memref<20480x128xf32, #tpu.memory_space<hbm>> -> memref<128x128xf32, #tpu.memory_space<hbm>>
      tpu.wait_dma2 semaphore(%run_scoped3A : memref<!tpu.dma_semaphore, #tpu.memory_space<semaphore_mem>>) src(%arg9 : memref<128x128xf32, #tpu.memory_space<vmem>>) dst(%dma_wait3A_65 : memref<128x128xf32, #tpu.memory_space<hbm>>)
      tpu.yield
    }) : () -> ()
    %add3A_46 = arith.constant 384 : i32
    %add3A_47 = arith.addi %mul3A_24, %add3A_46 : i32
    "tpu.region"() ({
      %run_scoped3A = tpu.sem_alloc : memref<!tpu.dma_semaphore, #tpu.memory_space<semaphore_mem>>
      %dma_start3A = arith.constant 0 : i32
      %dma_start3A_60 = tpu.memref_slice %arg11[%add3A_47, %dma_start3A] : memref<10240x128xf32, #tpu.memory_space<vmem_shared>> -> memref<128x128xf32, #tpu.memory_space<vmem_shared>>
      %dma_start3A_61 = arith.constant 0 : i32
      %dma_start3A_62 = tpu.memref_slice %arg11[%add3A_47, %dma_start3A_61] : memref<10240x128xf32, #tpu.memory_space<vmem_shared>> -> memref<128x128xf32, #tpu.memory_space<vmem_shared>>
      tpu.enqueue_dma source(%dma_start3A_62 : memref<128x128xf32, #tpu.memory_space<vmem_shared>>) target(%arg9 : memref<128x128xf32, #tpu.memory_space<vmem>>) target_semaphore(%run_scoped3A : memref<!tpu.dma_semaphore, #tpu.memory_space<semaphore_mem>>)
      %dma_wait3A = arith.constant 0 : i32
      %dma_wait3A_63 = tpu.memref_slice %arg11[%add3A_47, %dma_wait3A] : memref<10240x128xf32, #tpu.memory_space<vmem_shared>> -> memref<128x128xf32, #tpu.memory_space<vmem_shared>>
      %dma_wait3A_64 = arith.constant 0 : i32
      %dma_wait3A_65 = tpu.memref_slice %arg11[%add3A_47, %dma_wait3A_64] : memref<10240x128xf32, #tpu.memory_space<vmem_shared>> -> memref<128x128xf32, #tpu.memory_space<vmem_shared>>
      tpu.wait_dma2 semaphore(%run_scoped3A : memref<!tpu.dma_semaphore, #tpu.memory_space<semaphore_mem>>) src(%dma_wait3A_65 : memref<128x128xf32, #tpu.memory_space<vmem_shared>>) dst(%arg9 : memref<128x128xf32, #tpu.memory_space<vmem>>)
      tpu.yield
    }) : () -> ()
    %mul3A_48 = arith.constant 10240 : i32
    %mul3A_49 = arith.muli %arg0, %mul3A_48 : i32
    %add3A_50 = arith.addi %mul3A_49, %mul3A_24 : i32
    %add3A_51 = arith.constant 384 : i32
    %add3A_52 = arith.addi %add3A_50, %add3A_51 : i32
    "tpu.region"() ({
      %run_scoped3A = tpu.sem_alloc : memref<!tpu.dma_semaphore, #tpu.memory_space<semaphore_mem>>
      %dma_start3A = arith.constant 0 : i32
      %dma_start3A_60 = tpu.memref_slice %arg6[%add3A_52, %dma_start3A] : memref<20480x128xf32, #tpu.memory_space<hbm>> -> memref<128x128xf32, #tpu.memory_space<hbm>>
      %dma_start3A_61 = arith.constant 0 : i32
      %dma_start3A_62 = tpu.memref_slice %arg6[%add3A_52, %dma_start3A_61] : memref<20480x128xf32, #tpu.memory_space<hbm>> -> memref<128x128xf32, #tpu.memory_space<hbm>>
      tpu.enqueue_dma source(%arg9 : memref<128x128xf32, #tpu.memory_space<vmem>>) target(%dma_start3A_62 : memref<128x128xf32, #tpu.memory_space<hbm>>) target_semaphore(%run_scoped3A : memref<!tpu.dma_semaphore, #tpu.memory_space<semaphore_mem>>)
      %dma_wait3A = arith.constant 0 : i32
      %dma_wait3A_63 = tpu.memref_slice %arg6[%add3A_52, %dma_wait3A] : memref<20480x128xf32, #tpu.memory_space<hbm>> -> memref<128x128xf32, #tpu.memory_space<hbm>>
      %dma_wait3A_64 = arith.constant 0 : i32
      %dma_wait3A_65 = tpu.memref_slice %arg6[%add3A_52, %dma_wait3A_64] : memref<20480x128xf32, #tpu.memory_space<hbm>> -> memref<128x128xf32, #tpu.memory_space<hbm>>
      tpu.wait_dma2 semaphore(%run_scoped3A : memref<!tpu.dma_semaphore, #tpu.memory_space<semaphore_mem>>) src(%arg9 : memref<128x128xf32, #tpu.memory_space<vmem>>) dst(%dma_wait3A_65 : memref<128x128xf32, #tpu.memory_space<hbm>>)
      tpu.yield
    }) : () -> ()
    %add3A_53 = arith.constant 512 : i32
    %add3A_54 = arith.addi %mul3A_24, %add3A_53 : i32
    "tpu.region"() ({
      %run_scoped3A = tpu.sem_alloc : memref<!tpu.dma_semaphore, #tpu.memory_space<semaphore_mem>>
      %dma_start3A = arith.constant 0 : i32
      %dma_start3A_60 = tpu.memref_slice %arg11[%add3A_54, %dma_start3A] : memref<10240x128xf32, #tpu.memory_space<vmem_shared>> -> memref<128x128xf32, #tpu.memory_space<vmem_shared>>
      %dma_start3A_61 = arith.constant 0 : i32
      %dma_start3A_62 = tpu.memref_slice %arg11[%add3A_54, %dma_start3A_61] : memref<10240x128xf32, #tpu.memory_space<vmem_shared>> -> memref<128x128xf32, #tpu.memory_space<vmem_shared>>
      tpu.enqueue_dma source(%dma_start3A_62 : memref<128x128xf32, #tpu.memory_space<vmem_shared>>) target(%arg9 : memref<128x128xf32, #tpu.memory_space<vmem>>) target_semaphore(%run_scoped3A : memref<!tpu.dma_semaphore, #tpu.memory_space<semaphore_mem>>)
      %dma_wait3A = arith.constant 0 : i32
      %dma_wait3A_63 = tpu.memref_slice %arg11[%add3A_54, %dma_wait3A] : memref<10240x128xf32, #tpu.memory_space<vmem_shared>> -> memref<128x128xf32, #tpu.memory_space<vmem_shared>>
      %dma_wait3A_64 = arith.constant 0 : i32
      %dma_wait3A_65 = tpu.memref_slice %arg11[%add3A_54, %dma_wait3A_64] : memref<10240x128xf32, #tpu.memory_space<vmem_shared>> -> memref<128x128xf32, #tpu.memory_space<vmem_shared>>
      tpu.wait_dma2 semaphore(%run_scoped3A : memref<!tpu.dma_semaphore, #tpu.memory_space<semaphore_mem>>) src(%dma_wait3A_65 : memref<128x128xf32, #tpu.memory_space<vmem_shared>>) dst(%arg9 : memref<128x128xf32, #tpu.memory_space<vmem>>)
      tpu.yield
    }) : () -> ()
    %mul3A_55 = arith.constant 10240 : i32
    %mul3A_56 = arith.muli %arg0, %mul3A_55 : i32
    %add3A_57 = arith.addi %mul3A_56, %mul3A_24 : i32
    %add3A_58 = arith.constant 512 : i32
    %add3A_59 = arith.addi %add3A_57, %add3A_58 : i32
    "tpu.region"() ({
      %run_scoped3A = tpu.sem_alloc : memref<!tpu.dma_semaphore, #tpu.memory_space<semaphore_mem>>
      %dma_start3A = arith.constant 0 : i32
      %dma_start3A_60 = tpu.memref_slice %arg6[%add3A_59, %dma_start3A] : memref<20480x128xf32, #tpu.memory_space<hbm>> -> memref<128x128xf32, #tpu.memory_space<hbm>>
      %dma_start3A_61 = arith.constant 0 : i32
      %dma_start3A_62 = tpu.memref_slice %arg6[%add3A_59, %dma_start3A_61] : memref<20480x128xf32, #tpu.memory_space<hbm>> -> memref<128x128xf32, #tpu.memory_space<hbm>>
      tpu.enqueue_dma source(%arg9 : memref<128x128xf32, #tpu.memory_space<vmem>>) target(%dma_start3A_62 : memref<128x128xf32, #tpu.memory_space<hbm>>) target_semaphore(%run_scoped3A : memref<!tpu.dma_semaphore, #tpu.memory_space<semaphore_mem>>)
      %dma_wait3A = arith.constant 0 : i32
      %dma_wait3A_63 = tpu.memref_slice %arg6[%add3A_59, %dma_wait3A] : memref<20480x128xf32, #tpu.memory_space<hbm>> -> memref<128x128xf32, #tpu.memory_space<hbm>>
      %dma_wait3A_64 = arith.constant 0 : i32
      %dma_wait3A_65 = tpu.memref_slice %arg6[%add3A_59, %dma_wait3A_64] : memref<20480x128xf32, #tpu.memory_space<hbm>> -> memref<128x128xf32, #tpu.memory_space<hbm>>
      tpu.wait_dma2 semaphore(%run_scoped3A : memref<!tpu.dma_semaphore, #tpu.memory_space<semaphore_mem>>) src(%arg9 : memref<128x128xf32, #tpu.memory_space<vmem>>) dst(%dma_wait3A_65 : memref<128x128xf32, #tpu.memory_space<hbm>>)
      tpu.yield
    }) : () -> ()
    return
  }
}

#map = affine_map<(d0, d1) -> (0, 0)>
#map1 = affine_map<(d0, d1) -> (0)>
module attributes {stable_mosaic.version = 14 : i64} {
  func.func @_propagate(%arg0: i32, %arg1: i32, %arg2: memref<20480x128xf32, #tpu.memory_space<hbm>>, %arg3: memref<688128xi32, #tpu.memory_space<hbm>>, %arg4: memref<2688x128xi32, #tpu.memory_space<hbm>>, %arg5: memref<128x128xf32, #tpu.memory_space<hbm>>, %arg6: memref<20480x128xf32, #tpu.memory_space<hbm>>, %arg7: memref<7168xi32, #tpu.memory_space<vmem>>, %arg8: memref<56x128xi32, #tpu.memory_space<vmem>>, %arg9: memref<128x128xf32, #tpu.memory_space<vmem>>, %arg10: memref<128x128xf32, #tpu.memory_space<vmem>>, %arg11: memref<10240x128xf32, #tpu.memory_space<vmem_shared>>, %arg12: memref<!tpu.dma_semaphore, #tpu.memory_space<semaphore_mem>>, %arg13: memref<!tpu.dma_semaphore, #tpu.memory_space<semaphore_mem>>, %arg14: memref<!tpu.dma_semaphore, #tpu.memory_space<semaphore_mem>>, %arg15: memref<!tpu.dma_semaphore, #tpu.memory_space<semaphore_mem>>, %arg16: memref<!tpu.dma_semaphore, #tpu.memory_space<semaphore_mem>>, %arg17: memref<!tpu.dma_semaphore, #tpu.memory_space<semaphore_mem>>) attributes {dimension_semantics = [#tpu.dimension_semantics<core_parallel>, #tpu.dimension_semantics<subcore_parallel>], iteration_bounds = array<i64: 2, 16>, scalar_prefetch = 0 : i64, scratch_operands = 11 : i64, tpu.core_type = #tpu.core_type<sc_vector_subcore>, window_params = [{transform_indices = #map}, {transform_indices = #map1}, {transform_indices = #map}, {transform_indices = #map}, {transform_indices = #map}]} {
    "tpu.region"() ({
      %run_scoped3A = tpu.sem_alloc : memref<!tpu.dma_semaphore, #tpu.memory_space<semaphore_mem>>
      tpu.enqueue_dma source(%arg5 : memref<128x128xf32, #tpu.memory_space<hbm>>) target(%arg9 : memref<128x128xf32, #tpu.memory_space<vmem>>) target_semaphore(%run_scoped3A : memref<!tpu.dma_semaphore, #tpu.memory_space<semaphore_mem>>)
      tpu.wait_dma2 semaphore(%run_scoped3A : memref<!tpu.dma_semaphore, #tpu.memory_space<semaphore_mem>>) src(%arg5 : memref<128x128xf32, #tpu.memory_space<hbm>>) dst(%arg9 : memref<128x128xf32, #tpu.memory_space<vmem>>)
      tpu.yield
    }) : () -> ()
    %mul3A = arith.constant 640 : i32
    %mul3A_0 = arith.muli %arg1, %mul3A : i32
    %add3A = arith.constant 0 : i32
    %add3A_1 = arith.addi %mul3A_0, %add3A : i32
    "tpu.region"() ({
      %run_scoped3A = tpu.sem_alloc : memref<!tpu.dma_semaphore, #tpu.memory_space<semaphore_mem>>
      %dma_start3A = arith.constant 0 : i32
      %dma_start3A_60 = tpu.memref_slice %arg11[%add3A_1, %dma_start3A] : memref<10240x128xf32, #tpu.memory_space<vmem_shared>> -> memref<128x128xf32, #tpu.memory_space<vmem_shared>>
      %dma_start3A_61 = arith.constant 0 : i32
      %dma_start3A_62 = tpu.memref_slice %arg11[%add3A_1, %dma_start3A_61] : memref<10240x128xf32, #tpu.memory_space<vmem_shared>> -> memref<128x128xf32, #tpu.memory_space<vmem_shared>>
      tpu.enqueue_dma source(%arg9 : memref<128x128xf32, #tpu.memory_space<vmem>>) target(%dma_start3A_62 : memref<128x128xf32, #tpu.memory_space<vmem_shared>>) target_semaphore(%run_scoped3A : memref<!tpu.dma_semaphore, #tpu.memory_space<semaphore_mem>>)
      %dma_wait3A = arith.constant 0 : i32
      %dma_wait3A_63 = tpu.memref_slice %arg11[%add3A_1, %dma_wait3A] : memref<10240x128xf32, #tpu.memory_space<vmem_shared>> -> memref<128x128xf32, #tpu.memory_space<vmem_shared>>
      %dma_wait3A_64 = arith.constant 0 : i32
      %dma_wait3A_65 = tpu.memref_slice %arg11[%add3A_1, %dma_wait3A_64] : memref<10240x128xf32, #tpu.memory_space<vmem_shared>> -> memref<128x128xf32, #tpu.memory_space<vmem_shared>>
      tpu.wait_dma2 semaphore(%run_scoped3A : memref<!tpu.dma_semaphore, #tpu.memory_space<semaphore_mem>>) src(%arg9 : memref<128x128xf32, #tpu.memory_space<vmem>>) dst(%dma_wait3A_65 : memref<128x128xf32, #tpu.memory_space<vmem_shared>>)
      tpu.yield
    }) : () -> ()
    %mul3A_2 = arith.constant 640 : i32
    %mul3A_3 = arith.muli %arg1, %mul3A_2 : i32
    %add3A_4 = arith.constant 128 : i32
    %add3A_5 = arith.addi %mul3A_3, %add3A_4 : i32
    "tpu.region"() ({
      %run_scoped3A = tpu.sem_alloc : memref<!tpu.dma_semaphore, #tpu.memory_space<semaphore_mem>>
      %dma_start3A = arith.constant 0 : i32
      %dma_start3A_60 = tpu.memref_slice %arg11[%add3A_5, %dma_start3A] : memref<10240x128xf32, #tpu.memory_space<vmem_shared>> -> memref<128x128xf32, #tpu.memory_space<vmem_shared>>
      %dma_start3A_61 = arith.constant 0 : i32
      %dma_start3A_62 = tpu.memref_slice %arg11[%add3A_5, %dma_start3A_61] : memref<10240x128xf32, #tpu.memory_space<vmem_shared>> -> memref<128x128xf32, #tpu.memory_space<vmem_shared>>
      tpu.enqueue_dma source(%arg9 : memref<128x128xf32, #tpu.memory_space<vmem>>) target(%dma_start3A_62 : memref<128x128xf32, #tpu.memory_space<vmem_shared>>) target_semaphore(%run_scoped3A : memref<!tpu.dma_semaphore, #tpu.memory_space<semaphore_mem>>)
      %dma_wait3A = arith.constant 0 : i32
      %dma_wait3A_63 = tpu.memref_slice %arg11[%add3A_5, %dma_wait3A] : memref<10240x128xf32, #tpu.memory_space<vmem_shared>> -> memref<128x128xf32, #tpu.memory_space<vmem_shared>>
      %dma_wait3A_64 = arith.constant 0 : i32
      %dma_wait3A_65 = tpu.memref_slice %arg11[%add3A_5, %dma_wait3A_64] : memref<10240x128xf32, #tpu.memory_space<vmem_shared>> -> memref<128x128xf32, #tpu.memory_space<vmem_shared>>
      tpu.wait_dma2 semaphore(%run_scoped3A : memref<!tpu.dma_semaphore, #tpu.memory_space<semaphore_mem>>) src(%arg9 : memref<128x128xf32, #tpu.memory_space<vmem>>) dst(%dma_wait3A_65 : memref<128x128xf32, #tpu.memory_space<vmem_shared>>)
      tpu.yield
    }) : () -> ()
    %mul3A_6 = arith.constant 640 : i32
    %mul3A_7 = arith.muli %arg1, %mul3A_6 : i32
    %add3A_8 = arith.constant 256 : i32
    %add3A_9 = arith.addi %mul3A_7, %add3A_8 : i32
    "tpu.region"() ({
      %run_scoped3A = tpu.sem_alloc : memref<!tpu.dma_semaphore, #tpu.memory_space<semaphore_mem>>
      %dma_start3A = arith.constant 0 : i32
      %dma_start3A_60 = tpu.memref_slice %arg11[%add3A_9, %dma_start3A] : memref<10240x128xf32, #tpu.memory_space<vmem_shared>> -> memref<128x128xf32, #tpu.memory_space<vmem_shared>>
      %dma_start3A_61 = arith.constant 0 : i32
      %dma_start3A_62 = tpu.memref_slice %arg11[%add3A_9, %dma_start3A_61] : memref<10240x128xf32, #tpu.memory_space<vmem_shared>> -> memref<128x128xf32, #tpu.memory_space<vmem_shared>>
      tpu.enqueue_dma source(%arg9 : memref<128x128xf32, #tpu.memory_space<vmem>>) target(%dma_start3A_62 : memref<128x128xf32, #tpu.memory_space<vmem_shared>>) target_semaphore(%run_scoped3A : memref<!tpu.dma_semaphore, #tpu.memory_space<semaphore_mem>>)
      %dma_wait3A = arith.constant 0 : i32
      %dma_wait3A_63 = tpu.memref_slice %arg11[%add3A_9, %dma_wait3A] : memref<10240x128xf32, #tpu.memory_space<vmem_shared>> -> memref<128x128xf32, #tpu.memory_space<vmem_shared>>
      %dma_wait3A_64 = arith.constant 0 : i32
      %dma_wait3A_65 = tpu.memref_slice %arg11[%add3A_9, %dma_wait3A_64] : memref<10240x128xf32, #tpu.memory_space<vmem_shared>> -> memref<128x128xf32, #tpu.memory_space<vmem_shared>>
      tpu.wait_dma2 semaphore(%run_scoped3A : memref<!tpu.dma_semaphore, #tpu.memory_space<semaphore_mem>>) src(%arg9 : memref<128x128xf32, #tpu.memory_space<vmem>>) dst(%dma_wait3A_65 : memref<128x128xf32, #tpu.memory_space<vmem_shared>>)
      tpu.yield
    }) : () -> ()
    %mul3A_10 = arith.constant 640 : i32
    %mul3A_11 = arith.muli %arg1, %mul3A_10 : i32
    %add3A_12 = arith.constant 384 : i32
    %add3A_13 = arith.addi %mul3A_11, %add3A_12 : i32
    "tpu.region"() ({
      %run_scoped3A = tpu.sem_alloc : memref<!tpu.dma_semaphore, #tpu.memory_space<semaphore_mem>>
      %dma_start3A = arith.constant 0 : i32
      %dma_start3A_60 = tpu.memref_slice %arg11[%add3A_13, %dma_start3A] : memref<10240x128xf32, #tpu.memory_space<vmem_shared>> -> memref<128x128xf32, #tpu.memory_space<vmem_shared>>
      %dma_start3A_61 = arith.constant 0 : i32
      %dma_start3A_62 = tpu.memref_slice %arg11[%add3A_13, %dma_start3A_61] : memref<10240x128xf32, #tpu.memory_space<vmem_shared>> -> memref<128x128xf32, #tpu.memory_space<vmem_shared>>
      tpu.enqueue_dma source(%arg9 : memref<128x128xf32, #tpu.memory_space<vmem>>) target(%dma_start3A_62 : memref<128x128xf32, #tpu.memory_space<vmem_shared>>) target_semaphore(%run_scoped3A : memref<!tpu.dma_semaphore, #tpu.memory_space<semaphore_mem>>)
      %dma_wait3A = arith.constant 0 : i32
      %dma_wait3A_63 = tpu.memref_slice %arg11[%add3A_13, %dma_wait3A] : memref<10240x128xf32, #tpu.memory_space<vmem_shared>> -> memref<128x128xf32, #tpu.memory_space<vmem_shared>>
      %dma_wait3A_64 = arith.constant 0 : i32
      %dma_wait3A_65 = tpu.memref_slice %arg11[%add3A_13, %dma_wait3A_64] : memref<10240x128xf32, #tpu.memory_space<vmem_shared>> -> memref<128x128xf32, #tpu.memory_space<vmem_shared>>
      tpu.wait_dma2 semaphore(%run_scoped3A : memref<!tpu.dma_semaphore, #tpu.memory_space<semaphore_mem>>) src(%arg9 : memref<128x128xf32, #tpu.memory_space<vmem>>) dst(%dma_wait3A_65 : memref<128x128xf32, #tpu.memory_space<vmem_shared>>)
      tpu.yield
    }) : () -> ()
    %mul3A_14 = arith.constant 640 : i32
    %mul3A_15 = arith.muli %arg1, %mul3A_14 : i32
    %add3A_16 = arith.constant 512 : i32
    %add3A_17 = arith.addi %mul3A_15, %add3A_16 : i32
    "tpu.region"() ({
      %run_scoped3A = tpu.sem_alloc : memref<!tpu.dma_semaphore, #tpu.memory_space<semaphore_mem>>
      %dma_start3A = arith.constant 0 : i32
      %dma_start3A_60 = tpu.memref_slice %arg11[%add3A_17, %dma_start3A] : memref<10240x128xf32, #tpu.memory_space<vmem_shared>> -> memref<128x128xf32, #tpu.memory_space<vmem_shared>>
      %dma_start3A_61 = arith.constant 0 : i32
      %dma_start3A_62 = tpu.memref_slice %arg11[%add3A_17, %dma_start3A_61] : memref<10240x128xf32, #tpu.memory_space<vmem_shared>> -> memref<128x128xf32, #tpu.memory_space<vmem_shared>>
      tpu.enqueue_dma source(%arg9 : memref<128x128xf32, #tpu.memory_space<vmem>>) target(%dma_start3A_62 : memref<128x128xf32, #tpu.memory_space<vmem_shared>>) target_semaphore(%run_scoped3A : memref<!tpu.dma_semaphore, #tpu.memory_space<semaphore_mem>>)
      %dma_wait3A = arith.constant 0 : i32
      %dma_wait3A_63 = tpu.memref_slice %arg11[%add3A_17, %dma_wait3A] : memref<10240x128xf32, #tpu.memory_space<vmem_shared>> -> memref<128x128xf32, #tpu.memory_space<vmem_shared>>
      %dma_wait3A_64 = arith.constant 0 : i32
      %dma_wait3A_65 = tpu.memref_slice %arg11[%add3A_17, %dma_wait3A_64] : memref<10240x128xf32, #tpu.memory_space<vmem_shared>> -> memref<128x128xf32, #tpu.memory_space<vmem_shared>>
      tpu.wait_dma2 semaphore(%run_scoped3A : memref<!tpu.dma_semaphore, #tpu.memory_space<semaphore_mem>>) src(%arg9 : memref<128x128xf32, #tpu.memory_space<vmem>>) dst(%dma_wait3A_65 : memref<128x128xf32, #tpu.memory_space<vmem_shared>>)
      tpu.yield
    }) : () -> ()
    %barrier3A = arith.constant 0 : index
    tpu.barrier barrier_id(%barrier3A)
    %scan3A = arith.constant 0 : i32
    %scan3A_18 = arith.constant 3 : i32
    %scan3A_19 = arith.addi %scan3A, %scan3A_18 : i32
    %scan3A_20 = arith.constant 1 : i32
    scf.for %scan3A_60 = %scan3A to %scan3A_19 step %scan3A_20  : i32 {
      %mul3A_61 = arith.constant 344064 : i32
      %mul3A_62 = arith.muli %arg0, %mul3A_61 : i32
      %mul3A_63 = arith.constant 21504 : i32
      %mul3A_64 = arith.muli %arg1, %mul3A_63 : i32
      %add3A_65 = arith.addi %mul3A_62, %mul3A_64 : i32
      %mul3A_66 = arith.constant 7168 : i32
      %mul3A_67 = arith.muli %scan3A_60, %mul3A_66 : i32
      %add3A_68 = arith.addi %add3A_65, %mul3A_67 : i32
      "tpu.region"() ({
        %run_scoped3A = tpu.sem_alloc : memref<!tpu.dma_semaphore, #tpu.memory_space<semaphore_mem>>
        %dma_start3A_123 = tpu.memref_slice %arg3[%add3A_68] : memref<688128xi32, #tpu.memory_space<hbm>> -> memref<7168xi32, #tpu.memory_space<hbm>>
        %dma_start3A_124 = tpu.memref_slice %arg3[%add3A_68] : memref<688128xi32, #tpu.memory_space<hbm>> -> memref<7168xi32, #tpu.memory_space<hbm>>
        tpu.enqueue_dma source(%dma_start3A_124 : memref<7168xi32, #tpu.memory_space<hbm>>) target(%arg7 : memref<7168xi32, #tpu.memory_space<vmem>>) target_semaphore(%run_scoped3A : memref<!tpu.dma_semaphore, #tpu.memory_space<semaphore_mem>>)
        %dma_wait3A_125 = tpu.memref_slice %arg3[%add3A_68] : memref<688128xi32, #tpu.memory_space<hbm>> -> memref<7168xi32, #tpu.memory_space<hbm>>
        %dma_wait3A_126 = tpu.memref_slice %arg3[%add3A_68] : memref<688128xi32, #tpu.memory_space<hbm>> -> memref<7168xi32, #tpu.memory_space<hbm>>
        tpu.wait_dma2 semaphore(%run_scoped3A : memref<!tpu.dma_semaphore, #tpu.memory_space<semaphore_mem>>) src(%dma_wait3A_126 : memref<7168xi32, #tpu.memory_space<hbm>>) dst(%arg7 : memref<7168xi32, #tpu.memory_space<vmem>>)
        tpu.yield
      }) : () -> ()
      %mul3A_69 = arith.constant 168 : i32
      %mul3A_70 = arith.muli %arg1, %mul3A_69 : i32
      %mul3A_71 = arith.constant 56 : i32
      %mul3A_72 = arith.muli %scan3A_60, %mul3A_71 : i32
      %add3A_73 = arith.addi %mul3A_70, %mul3A_72 : i32
      "tpu.region"() ({
        %run_scoped3A = tpu.sem_alloc : memref<!tpu.dma_semaphore, #tpu.memory_space<semaphore_mem>>
        %dma_start3A_123 = arith.constant 0 : i32
        %dma_start3A_124 = tpu.memref_slice %arg4[%add3A_73, %dma_start3A_123] : memref<2688x128xi32, #tpu.memory_space<hbm>> -> memref<56x128xi32, #tpu.memory_space<hbm>>
        %dma_start3A_125 = arith.constant 0 : i32
        %dma_start3A_126 = tpu.memref_slice %arg4[%add3A_73, %dma_start3A_125] : memref<2688x128xi32, #tpu.memory_space<hbm>> -> memref<56x128xi32, #tpu.memory_space<hbm>>
        tpu.enqueue_dma source(%dma_start3A_126 : memref<56x128xi32, #tpu.memory_space<hbm>>) target(%arg8 : memref<56x128xi32, #tpu.memory_space<vmem>>) target_semaphore(%run_scoped3A : memref<!tpu.dma_semaphore, #tpu.memory_space<semaphore_mem>>)
        %dma_wait3A_127 = arith.constant 0 : i32
        %dma_wait3A_128 = tpu.memref_slice %arg4[%add3A_73, %dma_wait3A_127] : memref<2688x128xi32, #tpu.memory_space<hbm>> -> memref<56x128xi32, #tpu.memory_space<hbm>>
        %dma_wait3A_129 = arith.constant 0 : i32
        %dma_wait3A_130 = tpu.memref_slice %arg4[%add3A_73, %dma_wait3A_129] : memref<2688x128xi32, #tpu.memory_space<hbm>> -> memref<56x128xi32, #tpu.memory_space<hbm>>
        tpu.wait_dma2 semaphore(%run_scoped3A : memref<!tpu.dma_semaphore, #tpu.memory_space<semaphore_mem>>) src(%dma_wait3A_130 : memref<56x128xi32, #tpu.memory_space<hbm>>) dst(%arg8 : memref<56x128xi32, #tpu.memory_space<vmem>>)
        tpu.yield
      }) : () -> ()
      %dma_start3A = arith.constant 0 : i32
      %dma_start3A_74 = arith.constant 0 : i32
      %dma_start3A_75 = tpu.memref_slice %arg9[%dma_start3A, %dma_start3A_74] : memref<128x128xf32, #tpu.memory_space<vmem>> -> memref<64x128xf32, #tpu.memory_space<vmem>>
      %dma_start3A_76 = arith.constant 0 : i32
      %dma_start3A_77 = tpu.memref_slice %arg7[%dma_start3A_76] : memref<7168xi32, #tpu.memory_space<vmem>> -> memref<64xi32, #tpu.memory_space<vmem>>
      %dma_start3A_78 = arith.constant 0 : i32
      %dma_start3A_79 = arith.constant 0 : i32
      %dma_start3A_80 = tpu.memref_slice %arg2[%dma_start3A_78, %dma_start3A_79] : memref<20480x128xf32, #tpu.memory_space<hbm>> -> memref<20480x128xf32, #tpu.memory_space<hbm>>
      tpu.enqueue_indirect_dma source(%dma_start3A_80 : memref<20480x128xf32, #tpu.memory_space<hbm>>) target(%dma_start3A_75 : memref<64x128xf32, #tpu.memory_space<vmem>>) offsets(%dma_start3A_77 : memref<64xi32, #tpu.memory_space<vmem>>) semaphore(%arg12 : memref<!tpu.dma_semaphore, #tpu.memory_space<semaphore_mem>>)
      %dma_start3A_81 = arith.constant 64 : i32
      %dma_start3A_82 = arith.constant 0 : i32
      %dma_start3A_83 = tpu.memref_slice %arg9[%dma_start3A_81, %dma_start3A_82] : memref<128x128xf32, #tpu.memory_space<vmem>> -> memref<64x128xf32, #tpu.memory_space<vmem>>
      %dma_start3A_84 = arith.constant 64 : i32
      %dma_start3A_85 = tpu.memref_slice %arg7[%dma_start3A_84] : memref<7168xi32, #tpu.memory_space<vmem>> -> memref<64xi32, #tpu.memory_space<vmem>>
      %dma_start3A_86 = arith.constant 0 : i32
      %dma_start3A_87 = arith.constant 0 : i32
      %dma_start3A_88 = tpu.memref_slice %arg2[%dma_start3A_86, %dma_start3A_87] : memref<20480x128xf32, #tpu.memory_space<hbm>> -> memref<20480x128xf32, #tpu.memory_space<hbm>>
      tpu.enqueue_indirect_dma source(%dma_start3A_88 : memref<20480x128xf32, #tpu.memory_space<hbm>>) target(%dma_start3A_83 : memref<64x128xf32, #tpu.memory_space<vmem>>) offsets(%dma_start3A_85 : memref<64xi32, #tpu.memory_space<vmem>>) semaphore(%arg13 : memref<!tpu.dma_semaphore, #tpu.memory_space<semaphore_mem>>)
      %dma_start3A_89 = arith.constant 0 : i32
      %dma_start3A_90 = arith.constant 0 : i32
      %dma_start3A_91 = tpu.memref_slice %arg10[%dma_start3A_89, %dma_start3A_90] : memref<128x128xf32, #tpu.memory_space<vmem>> -> memref<64x128xf32, #tpu.memory_space<vmem>>
      %dma_start3A_92 = arith.constant 128 : i32
      %dma_start3A_93 = tpu.memref_slice %arg7[%dma_start3A_92] : memref<7168xi32, #tpu.memory_space<vmem>> -> memref<64xi32, #tpu.memory_space<vmem>>
      %dma_start3A_94 = arith.constant 0 : i32
      %dma_start3A_95 = arith.constant 0 : i32
      %dma_start3A_96 = tpu.memref_slice %arg2[%dma_start3A_94, %dma_start3A_95] : memref<20480x128xf32, #tpu.memory_space<hbm>> -> memref<20480x128xf32, #tpu.memory_space<hbm>>
      tpu.enqueue_indirect_dma source(%dma_start3A_96 : memref<20480x128xf32, #tpu.memory_space<hbm>>) target(%dma_start3A_91 : memref<64x128xf32, #tpu.memory_space<vmem>>) offsets(%dma_start3A_93 : memref<64xi32, #tpu.memory_space<vmem>>) semaphore(%arg14 : memref<!tpu.dma_semaphore, #tpu.memory_space<semaphore_mem>>)
      %dma_start3A_97 = arith.constant 64 : i32
      %dma_start3A_98 = arith.constant 0 : i32
      %dma_start3A_99 = tpu.memref_slice %arg10[%dma_start3A_97, %dma_start3A_98] : memref<128x128xf32, #tpu.memory_space<vmem>> -> memref<64x128xf32, #tpu.memory_space<vmem>>
      %dma_start3A_100 = arith.constant 192 : i32
      %dma_start3A_101 = tpu.memref_slice %arg7[%dma_start3A_100] : memref<7168xi32, #tpu.memory_space<vmem>> -> memref<64xi32, #tpu.memory_space<vmem>>
      %dma_start3A_102 = arith.constant 0 : i32
      %dma_start3A_103 = arith.constant 0 : i32
      %dma_start3A_104 = tpu.memref_slice %arg2[%dma_start3A_102, %dma_start3A_103] : memref<20480x128xf32, #tpu.memory_space<hbm>> -> memref<20480x128xf32, #tpu.memory_space<hbm>>
      tpu.enqueue_indirect_dma source(%dma_start3A_104 : memref<20480x128xf32, #tpu.memory_space<hbm>>) target(%dma_start3A_99 : memref<64x128xf32, #tpu.memory_space<vmem>>) offsets(%dma_start3A_101 : memref<64xi32, #tpu.memory_space<vmem>>) semaphore(%arg15 : memref<!tpu.dma_semaphore, #tpu.memory_space<semaphore_mem>>)
      %scan3A_105 = arith.constant 0 : i32
      %scan3A_106 = arith.constant 28 : i32
      %scan3A_107 = arith.addi %scan3A_105, %scan3A_106 : i32
      %scan3A_108 = arith.constant 1 : i32
      scf.for %scan3A_123 = %scan3A_105 to %scan3A_107 step %scan3A_108  : i32 {
        %mul3A_124 = arith.constant 2 : i32
        %mul3A_125 = arith.muli %mul3A_124, %scan3A_123 : i32
        %mul3A_126 = arith.constant 2 : i32
        %mul3A_127 = arith.muli %mul3A_126, %scan3A_123 : i32
        %add3A_128 = arith.constant 1 : i32
        %add3A_129 = arith.addi %mul3A_127, %add3A_128 : i32
        %dma_wait3A_130 = arith.constant 0 : i32
        %dma_wait3A_131 = arith.constant 0 : i32
        %dma_wait3A_132 = tpu.memref_slice %arg9[%dma_wait3A_130, %dma_wait3A_131] : memref<128x128xf32, #tpu.memory_space<vmem>> -> memref<64x128xf32, #tpu.memory_space<vmem>>
        %dma_wait3A_133 = arith.constant 0 : i32
        %dma_wait3A_134 = arith.constant 0 : i32
        %dma_wait3A_135 = tpu.memref_slice %arg2[%dma_wait3A_133, %dma_wait3A_134] : memref<20480x128xf32, #tpu.memory_space<hbm>> -> memref<64x128xf32, #tpu.memory_space<hbm>>
        %dma_wait3A_136 = arith.constant 0 : i32
        %dma_wait3A_137 = arith.constant 0 : i32
        %dma_wait3A_138 = tpu.memref_slice %arg9[%dma_wait3A_136, %dma_wait3A_137] : memref<128x128xf32, #tpu.memory_space<vmem>> -> memref<64x128xf32, #tpu.memory_space<vmem>>
        %dma_wait3A_139 = arith.constant 0 : i32
        %dma_wait3A_140 = arith.constant 0 : i32
        %dma_wait3A_141 = tpu.memref_slice %arg2[%dma_wait3A_139, %dma_wait3A_140] : memref<20480x128xf32, #tpu.memory_space<hbm>> -> memref<64x128xf32, #tpu.memory_space<hbm>>
        tpu.wait_dma2 semaphore(%arg12 : memref<!tpu.dma_semaphore, #tpu.memory_space<semaphore_mem>>) src(%dma_wait3A_141 : memref<64x128xf32, #tpu.memory_space<hbm>>) dst(%dma_wait3A_138 : memref<64x128xf32, #tpu.memory_space<vmem>>)
        %dma_wait3A_142 = arith.constant 64 : i32
        %dma_wait3A_143 = arith.constant 0 : i32
        %dma_wait3A_144 = tpu.memref_slice %arg9[%dma_wait3A_142, %dma_wait3A_143] : memref<128x128xf32, #tpu.memory_space<vmem>> -> memref<64x128xf32, #tpu.memory_space<vmem>>
        %dma_wait3A_145 = arith.constant 0 : i32
        %dma_wait3A_146 = arith.constant 0 : i32
        %dma_wait3A_147 = tpu.memref_slice %arg2[%dma_wait3A_145, %dma_wait3A_146] : memref<20480x128xf32, #tpu.memory_space<hbm>> -> memref<64x128xf32, #tpu.memory_space<hbm>>
        %dma_wait3A_148 = arith.constant 64 : i32
        %dma_wait3A_149 = arith.constant 0 : i32
        %dma_wait3A_150 = tpu.memref_slice %arg9[%dma_wait3A_148, %dma_wait3A_149] : memref<128x128xf32, #tpu.memory_space<vmem>> -> memref<64x128xf32, #tpu.memory_space<vmem>>
        %dma_wait3A_151 = arith.constant 0 : i32
        %dma_wait3A_152 = arith.constant 0 : i32
        %dma_wait3A_153 = tpu.memref_slice %arg2[%dma_wait3A_151, %dma_wait3A_152] : memref<20480x128xf32, #tpu.memory_space<hbm>> -> memref<64x128xf32, #tpu.memory_space<hbm>>
        tpu.wait_dma2 semaphore(%arg13 : memref<!tpu.dma_semaphore, #tpu.memory_space<semaphore_mem>>) src(%dma_wait3A_153 : memref<64x128xf32, #tpu.memory_space<hbm>>) dst(%dma_wait3A_150 : memref<64x128xf32, #tpu.memory_space<vmem>>)
        %dma_start3A_154 = arith.constant 0 : i32
        %dma_start3A_155 = tpu.memref_slice %arg8[%mul3A_125, %dma_start3A_154] : memref<56x128xi32, #tpu.memory_space<vmem>> -> memref<1x128xi32, #tpu.memory_space<vmem>>
        %dma_start3A_156 = tpu.memref_squeeze %dma_start3A_155 : memref<1x128xi32, #tpu.memory_space<vmem>> -> memref<128xi32, #tpu.memory_space<vmem>>
        %dma_start3A_157 = arith.constant 0 : i32
        %dma_start3A_158 = arith.constant 0 : i32
        %dma_start3A_159 = tpu.memref_slice %arg11[%dma_start3A_157, %dma_start3A_158] : memref<10240x128xf32, #tpu.memory_space<vmem_shared>> -> memref<10240x128xf32, #tpu.memory_space<vmem_shared>>
        tpu.enqueue_indirect_dma source(%arg9 : memref<128x128xf32, #tpu.memory_space<vmem>>) target(%dma_start3A_159 : memref<10240x128xf32, #tpu.memory_space<vmem_shared>>) offsets(%dma_start3A_156 : memref<128xi32, #tpu.memory_space<vmem>>) semaphore(%arg16 : memref<!tpu.dma_semaphore, #tpu.memory_space<semaphore_mem>>) {add = true}
        %lt3A = arith.constant 27 : i32
        %lt3A_160 = arith.cmpi slt, %scan3A_123, %lt3A : i32
        %convert_element_type3A = arith.extui %lt3A_160 : i1 to i32
        %cond3A = arith.constant 0 : i32
        %cond3A_161 = arith.cmpi ne, %convert_element_type3A, %cond3A : i32
        scf.if %cond3A_161 {
          %dma_wait3A_197 = arith.constant 0 : i32
          %dma_wait3A_198 = tpu.memref_slice %arg8[%mul3A_125, %dma_wait3A_197] : memref<56x128xi32, #tpu.memory_space<vmem>> -> memref<1x128xi32, #tpu.memory_space<vmem>>
          %dma_wait3A_199 = tpu.memref_squeeze %dma_wait3A_198 : memref<1x128xi32, #tpu.memory_space<vmem>> -> memref<128xi32, #tpu.memory_space<vmem>>
          %dma_wait3A_200 = arith.constant 0 : i32
          %dma_wait3A_201 = arith.constant 0 : i32
          %dma_wait3A_202 = tpu.memref_slice %arg11[%dma_wait3A_200, %dma_wait3A_201] : memref<10240x128xf32, #tpu.memory_space<vmem_shared>> -> memref<10240x128xf32, #tpu.memory_space<vmem_shared>>
          tpu.wait_indirect_dma semaphore(%arg16 : memref<!tpu.dma_semaphore, #tpu.memory_space<semaphore_mem>>) src(%arg9 : memref<128x128xf32, #tpu.memory_space<vmem>>) dst(%dma_wait3A_202 : memref<10240x128xf32, #tpu.memory_space<vmem_shared>>)
          %add3A_203 = arith.constant 2 : i32
          %add3A_204 = arith.addi %mul3A_125, %add3A_203 : i32
          %mul3A_205 = arith.constant 128 : i32
          %mul3A_206 = arith.muli %add3A_204, %mul3A_205 : i32
          %dma_start3A_207 = arith.constant 0 : i32
          %dma_start3A_208 = arith.constant 0 : i32
          %dma_start3A_209 = tpu.memref_slice %arg9[%dma_start3A_207, %dma_start3A_208] : memref<128x128xf32, #tpu.memory_space<vmem>> -> memref<64x128xf32, #tpu.memory_space<vmem>>
          %dma_start3A_210 = tpu.memref_slice %arg7[%mul3A_206] : memref<7168xi32, #tpu.memory_space<vmem>> -> memref<64xi32, #tpu.memory_space<vmem>>
          %dma_start3A_211 = arith.constant 0 : i32
          %dma_start3A_212 = arith.constant 0 : i32
          %dma_start3A_213 = tpu.memref_slice %arg2[%dma_start3A_211, %dma_start3A_212] : memref<20480x128xf32, #tpu.memory_space<hbm>> -> memref<20480x128xf32, #tpu.memory_space<hbm>>
          tpu.enqueue_indirect_dma source(%dma_start3A_213 : memref<20480x128xf32, #tpu.memory_space<hbm>>) target(%dma_start3A_209 : memref<64x128xf32, #tpu.memory_space<vmem>>) offsets(%dma_start3A_210 : memref<64xi32, #tpu.memory_space<vmem>>) semaphore(%arg12 : memref<!tpu.dma_semaphore, #tpu.memory_space<semaphore_mem>>)
          %mul3A_214 = arith.constant 128 : i32
          %mul3A_215 = arith.muli %add3A_204, %mul3A_214 : i32
          %add3A_216 = arith.constant 64 : i32
          %add3A_217 = arith.addi %mul3A_215, %add3A_216 : i32
          %dma_start3A_218 = arith.constant 64 : i32
          %dma_start3A_219 = arith.constant 0 : i32
          %dma_start3A_220 = tpu.memref_slice %arg9[%dma_start3A_218, %dma_start3A_219] : memref<128x128xf32, #tpu.memory_space<vmem>> -> memref<64x128xf32, #tpu.memory_space<vmem>>
          %dma_start3A_221 = tpu.memref_slice %arg7[%add3A_217] : memref<7168xi32, #tpu.memory_space<vmem>> -> memref<64xi32, #tpu.memory_space<vmem>>
          %dma_start3A_222 = arith.constant 0 : i32
          %dma_start3A_223 = arith.constant 0 : i32
          %dma_start3A_224 = tpu.memref_slice %arg2[%dma_start3A_222, %dma_start3A_223] : memref<20480x128xf32, #tpu.memory_space<hbm>> -> memref<20480x128xf32, #tpu.memory_space<hbm>>
          tpu.enqueue_indirect_dma source(%dma_start3A_224 : memref<20480x128xf32, #tpu.memory_space<hbm>>) target(%dma_start3A_220 : memref<64x128xf32, #tpu.memory_space<vmem>>) offsets(%dma_start3A_221 : memref<64xi32, #tpu.memory_space<vmem>>) semaphore(%arg13 : memref<!tpu.dma_semaphore, #tpu.memory_space<semaphore_mem>>)
        } else {
        }
        %dma_wait3A_162 = arith.constant 0 : i32
        %dma_wait3A_163 = arith.constant 0 : i32
        %dma_wait3A_164 = tpu.memref_slice %arg10[%dma_wait3A_162, %dma_wait3A_163] : memref<128x128xf32, #tpu.memory_space<vmem>> -> memref<64x128xf32, #tpu.memory_space<vmem>>
        %dma_wait3A_165 = arith.constant 0 : i32
        %dma_wait3A_166 = arith.constant 0 : i32
        %dma_wait3A_167 = tpu.memref_slice %arg2[%dma_wait3A_165, %dma_wait3A_166] : memref<20480x128xf32, #tpu.memory_space<hbm>> -> memref<64x128xf32, #tpu.memory_space<hbm>>
        %dma_wait3A_168 = arith.constant 0 : i32
        %dma_wait3A_169 = arith.constant 0 : i32
        %dma_wait3A_170 = tpu.memref_slice %arg10[%dma_wait3A_168, %dma_wait3A_169] : memref<128x128xf32, #tpu.memory_space<vmem>> -> memref<64x128xf32, #tpu.memory_space<vmem>>
        %dma_wait3A_171 = arith.constant 0 : i32
        %dma_wait3A_172 = arith.constant 0 : i32
        %dma_wait3A_173 = tpu.memref_slice %arg2[%dma_wait3A_171, %dma_wait3A_172] : memref<20480x128xf32, #tpu.memory_space<hbm>> -> memref<64x128xf32, #tpu.memory_space<hbm>>
        tpu.wait_dma2 semaphore(%arg14 : memref<!tpu.dma_semaphore, #tpu.memory_space<semaphore_mem>>) src(%dma_wait3A_173 : memref<64x128xf32, #tpu.memory_space<hbm>>) dst(%dma_wait3A_170 : memref<64x128xf32, #tpu.memory_space<vmem>>)
        %dma_wait3A_174 = arith.constant 64 : i32
        %dma_wait3A_175 = arith.constant 0 : i32
        %dma_wait3A_176 = tpu.memref_slice %arg10[%dma_wait3A_174, %dma_wait3A_175] : memref<128x128xf32, #tpu.memory_space<vmem>> -> memref<64x128xf32, #tpu.memory_space<vmem>>
        %dma_wait3A_177 = arith.constant 0 : i32
        %dma_wait3A_178 = arith.constant 0 : i32
        %dma_wait3A_179 = tpu.memref_slice %arg2[%dma_wait3A_177, %dma_wait3A_178] : memref<20480x128xf32, #tpu.memory_space<hbm>> -> memref<64x128xf32, #tpu.memory_space<hbm>>
        %dma_wait3A_180 = arith.constant 64 : i32
        %dma_wait3A_181 = arith.constant 0 : i32
        %dma_wait3A_182 = tpu.memref_slice %arg10[%dma_wait3A_180, %dma_wait3A_181] : memref<128x128xf32, #tpu.memory_space<vmem>> -> memref<64x128xf32, #tpu.memory_space<vmem>>
        %dma_wait3A_183 = arith.constant 0 : i32
        %dma_wait3A_184 = arith.constant 0 : i32
        %dma_wait3A_185 = tpu.memref_slice %arg2[%dma_wait3A_183, %dma_wait3A_184] : memref<20480x128xf32, #tpu.memory_space<hbm>> -> memref<64x128xf32, #tpu.memory_space<hbm>>
        tpu.wait_dma2 semaphore(%arg15 : memref<!tpu.dma_semaphore, #tpu.memory_space<semaphore_mem>>) src(%dma_wait3A_185 : memref<64x128xf32, #tpu.memory_space<hbm>>) dst(%dma_wait3A_182 : memref<64x128xf32, #tpu.memory_space<vmem>>)
        %dma_start3A_186 = arith.constant 0 : i32
        %dma_start3A_187 = tpu.memref_slice %arg8[%add3A_129, %dma_start3A_186] : memref<56x128xi32, #tpu.memory_space<vmem>> -> memref<1x128xi32, #tpu.memory_space<vmem>>
        %dma_start3A_188 = tpu.memref_squeeze %dma_start3A_187 : memref<1x128xi32, #tpu.memory_space<vmem>> -> memref<128xi32, #tpu.memory_space<vmem>>
        %dma_start3A_189 = arith.constant 0 : i32
        %dma_start3A_190 = arith.constant 0 : i32
        %dma_start3A_191 = tpu.memref_slice %arg11[%dma_start3A_189, %dma_start3A_190] : memref<10240x128xf32, #tpu.memory_space<vmem_shared>> -> memref<10240x128xf32, #tpu.memory_space<vmem_shared>>
        tpu.enqueue_indirect_dma source(%arg10 : memref<128x128xf32, #tpu.memory_space<vmem>>) target(%dma_start3A_191 : memref<10240x128xf32, #tpu.memory_space<vmem_shared>>) offsets(%dma_start3A_188 : memref<128xi32, #tpu.memory_space<vmem>>) semaphore(%arg17 : memref<!tpu.dma_semaphore, #tpu.memory_space<semaphore_mem>>) {add = true}
        %lt3A_192 = arith.constant 27 : i32
        %lt3A_193 = arith.cmpi slt, %scan3A_123, %lt3A_192 : i32
        %convert_element_type3A_194 = arith.extui %lt3A_193 : i1 to i32
        %cond3A_195 = arith.constant 0 : i32
        %cond3A_196 = arith.cmpi ne, %convert_element_type3A_194, %cond3A_195 : i32
        scf.if %cond3A_196 {
          %dma_wait3A_197 = arith.constant 0 : i32
          %dma_wait3A_198 = tpu.memref_slice %arg8[%add3A_129, %dma_wait3A_197] : memref<56x128xi32, #tpu.memory_space<vmem>> -> memref<1x128xi32, #tpu.memory_space<vmem>>
          %dma_wait3A_199 = tpu.memref_squeeze %dma_wait3A_198 : memref<1x128xi32, #tpu.memory_space<vmem>> -> memref<128xi32, #tpu.memory_space<vmem>>
          %dma_wait3A_200 = arith.constant 0 : i32
          %dma_wait3A_201 = arith.constant 0 : i32
          %dma_wait3A_202 = tpu.memref_slice %arg11[%dma_wait3A_200, %dma_wait3A_201] : memref<10240x128xf32, #tpu.memory_space<vmem_shared>> -> memref<10240x128xf32, #tpu.memory_space<vmem_shared>>
          tpu.wait_indirect_dma semaphore(%arg17 : memref<!tpu.dma_semaphore, #tpu.memory_space<semaphore_mem>>) src(%arg10 : memref<128x128xf32, #tpu.memory_space<vmem>>) dst(%dma_wait3A_202 : memref<10240x128xf32, #tpu.memory_space<vmem_shared>>)
          %add3A_203 = arith.constant 2 : i32
          %add3A_204 = arith.addi %add3A_129, %add3A_203 : i32
          %mul3A_205 = arith.constant 128 : i32
          %mul3A_206 = arith.muli %add3A_204, %mul3A_205 : i32
          %dma_start3A_207 = arith.constant 0 : i32
          %dma_start3A_208 = arith.constant 0 : i32
          %dma_start3A_209 = tpu.memref_slice %arg10[%dma_start3A_207, %dma_start3A_208] : memref<128x128xf32, #tpu.memory_space<vmem>> -> memref<64x128xf32, #tpu.memory_space<vmem>>
          %dma_start3A_210 = tpu.memref_slice %arg7[%mul3A_206] : memref<7168xi32, #tpu.memory_space<vmem>> -> memref<64xi32, #tpu.memory_space<vmem>>
          %dma_start3A_211 = arith.constant 0 : i32
          %dma_start3A_212 = arith.constant 0 : i32
          %dma_start3A_213 = tpu.memref_slice %arg2[%dma_start3A_211, %dma_start3A_212] : memref<20480x128xf32, #tpu.memory_space<hbm>> -> memref<20480x128xf32, #tpu.memory_space<hbm>>
          tpu.enqueue_indirect_dma source(%dma_start3A_213 : memref<20480x128xf32, #tpu.memory_space<hbm>>) target(%dma_start3A_209 : memref<64x128xf32, #tpu.memory_space<vmem>>) offsets(%dma_start3A_210 : memref<64xi32, #tpu.memory_space<vmem>>) semaphore(%arg14 : memref<!tpu.dma_semaphore, #tpu.memory_space<semaphore_mem>>)
          %mul3A_214 = arith.constant 128 : i32
          %mul3A_215 = arith.muli %add3A_204, %mul3A_214 : i32
          %add3A_216 = arith.constant 64 : i32
          %add3A_217 = arith.addi %mul3A_215, %add3A_216 : i32
          %dma_start3A_218 = arith.constant 64 : i32
          %dma_start3A_219 = arith.constant 0 : i32
          %dma_start3A_220 = tpu.memref_slice %arg10[%dma_start3A_218, %dma_start3A_219] : memref<128x128xf32, #tpu.memory_space<vmem>> -> memref<64x128xf32, #tpu.memory_space<vmem>>
          %dma_start3A_221 = tpu.memref_slice %arg7[%add3A_217] : memref<7168xi32, #tpu.memory_space<vmem>> -> memref<64xi32, #tpu.memory_space<vmem>>
          %dma_start3A_222 = arith.constant 0 : i32
          %dma_start3A_223 = arith.constant 0 : i32
          %dma_start3A_224 = tpu.memref_slice %arg2[%dma_start3A_222, %dma_start3A_223] : memref<20480x128xf32, #tpu.memory_space<hbm>> -> memref<20480x128xf32, #tpu.memory_space<hbm>>
          tpu.enqueue_indirect_dma source(%dma_start3A_224 : memref<20480x128xf32, #tpu.memory_space<hbm>>) target(%dma_start3A_220 : memref<64x128xf32, #tpu.memory_space<vmem>>) offsets(%dma_start3A_221 : memref<64xi32, #tpu.memory_space<vmem>>) semaphore(%arg15 : memref<!tpu.dma_semaphore, #tpu.memory_space<semaphore_mem>>)
        } else {
        }
      }
      %scan3A_109 = arith.constant 28 : i32
      %dma_wait3A = arith.constant 54 : i32
      %dma_wait3A_110 = arith.constant 0 : i32
      %dma_wait3A_111 = tpu.memref_slice %arg8[%dma_wait3A, %dma_wait3A_110] : memref<56x128xi32, #tpu.memory_space<vmem>> -> memref<1x128xi32, #tpu.memory_space<vmem>>
      %dma_wait3A_112 = tpu.memref_squeeze %dma_wait3A_111 : memref<1x128xi32, #tpu.memory_space<vmem>> -> memref<128xi32, #tpu.memory_space<vmem>>
      %dma_wait3A_113 = arith.constant 0 : i32
      %dma_wait3A_114 = arith.constant 0 : i32
      %dma_wait3A_115 = tpu.memref_slice %arg11[%dma_wait3A_113, %dma_wait3A_114] : memref<10240x128xf32, #tpu.memory_space<vmem_shared>> -> memref<10240x128xf32, #tpu.memory_space<vmem_shared>>
      tpu.wait_indirect_dma semaphore(%arg16 : memref<!tpu.dma_semaphore, #tpu.memory_space<semaphore_mem>>) src(%arg9 : memref<128x128xf32, #tpu.memory_space<vmem>>) dst(%dma_wait3A_115 : memref<10240x128xf32, #tpu.memory_space<vmem_shared>>)
      %dma_wait3A_116 = arith.constant 55 : i32
      %dma_wait3A_117 = arith.constant 0 : i32
      %dma_wait3A_118 = tpu.memref_slice %arg8[%dma_wait3A_116, %dma_wait3A_117] : memref<56x128xi32, #tpu.memory_space<vmem>> -> memref<1x128xi32, #tpu.memory_space<vmem>>
      %dma_wait3A_119 = tpu.memref_squeeze %dma_wait3A_118 : memref<1x128xi32, #tpu.memory_space<vmem>> -> memref<128xi32, #tpu.memory_space<vmem>>
      %dma_wait3A_120 = arith.constant 0 : i32
      %dma_wait3A_121 = arith.constant 0 : i32
      %dma_wait3A_122 = tpu.memref_slice %arg11[%dma_wait3A_120, %dma_wait3A_121] : memref<10240x128xf32, #tpu.memory_space<vmem_shared>> -> memref<10240x128xf32, #tpu.memory_space<vmem_shared>>
      tpu.wait_indirect_dma semaphore(%arg17 : memref<!tpu.dma_semaphore, #tpu.memory_space<semaphore_mem>>) src(%arg10 : memref<128x128xf32, #tpu.memory_space<vmem>>) dst(%dma_wait3A_122 : memref<10240x128xf32, #tpu.memory_space<vmem_shared>>)
    }
    %scan3A_21 = arith.constant 3 : i32
    %barrier3A_22 = arith.constant 0 : index
    tpu.barrier barrier_id(%barrier3A_22)
    %mul3A_23 = arith.constant 640 : i32
    %mul3A_24 = arith.muli %arg1, %mul3A_23 : i32
    %add3A_25 = arith.constant 0 : i32
    %add3A_26 = arith.addi %mul3A_24, %add3A_25 : i32
    "tpu.region"() ({
      %run_scoped3A = tpu.sem_alloc : memref<!tpu.dma_semaphore, #tpu.memory_space<semaphore_mem>>
      %dma_start3A = arith.constant 0 : i32
      %dma_start3A_60 = tpu.memref_slice %arg11[%add3A_26, %dma_start3A] : memref<10240x128xf32, #tpu.memory_space<vmem_shared>> -> memref<128x128xf32, #tpu.memory_space<vmem_shared>>
      %dma_start3A_61 = arith.constant 0 : i32
      %dma_start3A_62 = tpu.memref_slice %arg11[%add3A_26, %dma_start3A_61] : memref<10240x128xf32, #tpu.memory_space<vmem_shared>> -> memref<128x128xf32, #tpu.memory_space<vmem_shared>>
      tpu.enqueue_dma source(%dma_start3A_62 : memref<128x128xf32, #tpu.memory_space<vmem_shared>>) target(%arg9 : memref<128x128xf32, #tpu.memory_space<vmem>>) target_semaphore(%run_scoped3A : memref<!tpu.dma_semaphore, #tpu.memory_space<semaphore_mem>>)
      %dma_wait3A = arith.constant 0 : i32
      %dma_wait3A_63 = tpu.memref_slice %arg11[%add3A_26, %dma_wait3A] : memref<10240x128xf32, #tpu.memory_space<vmem_shared>> -> memref<128x128xf32, #tpu.memory_space<vmem_shared>>
      %dma_wait3A_64 = arith.constant 0 : i32
      %dma_wait3A_65 = tpu.memref_slice %arg11[%add3A_26, %dma_wait3A_64] : memref<10240x128xf32, #tpu.memory_space<vmem_shared>> -> memref<128x128xf32, #tpu.memory_space<vmem_shared>>
      tpu.wait_dma2 semaphore(%run_scoped3A : memref<!tpu.dma_semaphore, #tpu.memory_space<semaphore_mem>>) src(%dma_wait3A_65 : memref<128x128xf32, #tpu.memory_space<vmem_shared>>) dst(%arg9 : memref<128x128xf32, #tpu.memory_space<vmem>>)
      tpu.yield
    }) : () -> ()
    %mul3A_27 = arith.constant 10240 : i32
    %mul3A_28 = arith.muli %arg0, %mul3A_27 : i32
    %add3A_29 = arith.addi %mul3A_28, %mul3A_24 : i32
    %add3A_30 = arith.constant 0 : i32
    %add3A_31 = arith.addi %add3A_29, %add3A_30 : i32
    "tpu.region"() ({
      %run_scoped3A = tpu.sem_alloc : memref<!tpu.dma_semaphore, #tpu.memory_space<semaphore_mem>>
      %dma_start3A = arith.constant 0 : i32
      %dma_start3A_60 = tpu.memref_slice %arg6[%add3A_31, %dma_start3A] : memref<20480x128xf32, #tpu.memory_space<hbm>> -> memref<128x128xf32, #tpu.memory_space<hbm>>
      %dma_start3A_61 = arith.constant 0 : i32
      %dma_start3A_62 = tpu.memref_slice %arg6[%add3A_31, %dma_start3A_61] : memref<20480x128xf32, #tpu.memory_space<hbm>> -> memref<128x128xf32, #tpu.memory_space<hbm>>
      tpu.enqueue_dma source(%arg9 : memref<128x128xf32, #tpu.memory_space<vmem>>) target(%dma_start3A_62 : memref<128x128xf32, #tpu.memory_space<hbm>>) target_semaphore(%run_scoped3A : memref<!tpu.dma_semaphore, #tpu.memory_space<semaphore_mem>>)
      %dma_wait3A = arith.constant 0 : i32
      %dma_wait3A_63 = tpu.memref_slice %arg6[%add3A_31, %dma_wait3A] : memref<20480x128xf32, #tpu.memory_space<hbm>> -> memref<128x128xf32, #tpu.memory_space<hbm>>
      %dma_wait3A_64 = arith.constant 0 : i32
      %dma_wait3A_65 = tpu.memref_slice %arg6[%add3A_31, %dma_wait3A_64] : memref<20480x128xf32, #tpu.memory_space<hbm>> -> memref<128x128xf32, #tpu.memory_space<hbm>>
      tpu.wait_dma2 semaphore(%run_scoped3A : memref<!tpu.dma_semaphore, #tpu.memory_space<semaphore_mem>>) src(%arg9 : memref<128x128xf32, #tpu.memory_space<vmem>>) dst(%dma_wait3A_65 : memref<128x128xf32, #tpu.memory_space<hbm>>)
      tpu.yield
    }) : () -> ()
    %add3A_32 = arith.constant 128 : i32
    %add3A_33 = arith.addi %mul3A_24, %add3A_32 : i32
    "tpu.region"() ({
      %run_scoped3A = tpu.sem_alloc : memref<!tpu.dma_semaphore, #tpu.memory_space<semaphore_mem>>
      %dma_start3A = arith.constant 0 : i32
      %dma_start3A_60 = tpu.memref_slice %arg11[%add3A_33, %dma_start3A] : memref<10240x128xf32, #tpu.memory_space<vmem_shared>> -> memref<128x128xf32, #tpu.memory_space<vmem_shared>>
      %dma_start3A_61 = arith.constant 0 : i32
      %dma_start3A_62 = tpu.memref_slice %arg11[%add3A_33, %dma_start3A_61] : memref<10240x128xf32, #tpu.memory_space<vmem_shared>> -> memref<128x128xf32, #tpu.memory_space<vmem_shared>>
      tpu.enqueue_dma source(%dma_start3A_62 : memref<128x128xf32, #tpu.memory_space<vmem_shared>>) target(%arg9 : memref<128x128xf32, #tpu.memory_space<vmem>>) target_semaphore(%run_scoped3A : memref<!tpu.dma_semaphore, #tpu.memory_space<semaphore_mem>>)
      %dma_wait3A = arith.constant 0 : i32
      %dma_wait3A_63 = tpu.memref_slice %arg11[%add3A_33, %dma_wait3A] : memref<10240x128xf32, #tpu.memory_space<vmem_shared>> -> memref<128x128xf32, #tpu.memory_space<vmem_shared>>
      %dma_wait3A_64 = arith.constant 0 : i32
      %dma_wait3A_65 = tpu.memref_slice %arg11[%add3A_33, %dma_wait3A_64] : memref<10240x128xf32, #tpu.memory_space<vmem_shared>> -> memref<128x128xf32, #tpu.memory_space<vmem_shared>>
      tpu.wait_dma2 semaphore(%run_scoped3A : memref<!tpu.dma_semaphore, #tpu.memory_space<semaphore_mem>>) src(%dma_wait3A_65 : memref<128x128xf32, #tpu.memory_space<vmem_shared>>) dst(%arg9 : memref<128x128xf32, #tpu.memory_space<vmem>>)
      tpu.yield
    }) : () -> ()
    %mul3A_34 = arith.constant 10240 : i32
    %mul3A_35 = arith.muli %arg0, %mul3A_34 : i32
    %add3A_36 = arith.addi %mul3A_35, %mul3A_24 : i32
    %add3A_37 = arith.constant 128 : i32
    %add3A_38 = arith.addi %add3A_36, %add3A_37 : i32
    "tpu.region"() ({
      %run_scoped3A = tpu.sem_alloc : memref<!tpu.dma_semaphore, #tpu.memory_space<semaphore_mem>>
      %dma_start3A = arith.constant 0 : i32
      %dma_start3A_60 = tpu.memref_slice %arg6[%add3A_38, %dma_start3A] : memref<20480x128xf32, #tpu.memory_space<hbm>> -> memref<128x128xf32, #tpu.memory_space<hbm>>
      %dma_start3A_61 = arith.constant 0 : i32
      %dma_start3A_62 = tpu.memref_slice %arg6[%add3A_38, %dma_start3A_61] : memref<20480x128xf32, #tpu.memory_space<hbm>> -> memref<128x128xf32, #tpu.memory_space<hbm>>
      tpu.enqueue_dma source(%arg9 : memref<128x128xf32, #tpu.memory_space<vmem>>) target(%dma_start3A_62 : memref<128x128xf32, #tpu.memory_space<hbm>>) target_semaphore(%run_scoped3A : memref<!tpu.dma_semaphore, #tpu.memory_space<semaphore_mem>>)
      %dma_wait3A = arith.constant 0 : i32
      %dma_wait3A_63 = tpu.memref_slice %arg6[%add3A_38, %dma_wait3A] : memref<20480x128xf32, #tpu.memory_space<hbm>> -> memref<128x128xf32, #tpu.memory_space<hbm>>
      %dma_wait3A_64 = arith.constant 0 : i32
      %dma_wait3A_65 = tpu.memref_slice %arg6[%add3A_38, %dma_wait3A_64] : memref<20480x128xf32, #tpu.memory_space<hbm>> -> memref<128x128xf32, #tpu.memory_space<hbm>>
      tpu.wait_dma2 semaphore(%run_scoped3A : memref<!tpu.dma_semaphore, #tpu.memory_space<semaphore_mem>>) src(%arg9 : memref<128x128xf32, #tpu.memory_space<vmem>>) dst(%dma_wait3A_65 : memref<128x128xf32, #tpu.memory_space<hbm>>)
      tpu.yield
    }) : () -> ()
    %add3A_39 = arith.constant 256 : i32
    %add3A_40 = arith.addi %mul3A_24, %add3A_39 : i32
    "tpu.region"() ({
      %run_scoped3A = tpu.sem_alloc : memref<!tpu.dma_semaphore, #tpu.memory_space<semaphore_mem>>
      %dma_start3A = arith.constant 0 : i32
      %dma_start3A_60 = tpu.memref_slice %arg11[%add3A_40, %dma_start3A] : memref<10240x128xf32, #tpu.memory_space<vmem_shared>> -> memref<128x128xf32, #tpu.memory_space<vmem_shared>>
      %dma_start3A_61 = arith.constant 0 : i32
      %dma_start3A_62 = tpu.memref_slice %arg11[%add3A_40, %dma_start3A_61] : memref<10240x128xf32, #tpu.memory_space<vmem_shared>> -> memref<128x128xf32, #tpu.memory_space<vmem_shared>>
      tpu.enqueue_dma source(%dma_start3A_62 : memref<128x128xf32, #tpu.memory_space<vmem_shared>>) target(%arg9 : memref<128x128xf32, #tpu.memory_space<vmem>>) target_semaphore(%run_scoped3A : memref<!tpu.dma_semaphore, #tpu.memory_space<semaphore_mem>>)
      %dma_wait3A = arith.constant 0 : i32
      %dma_wait3A_63 = tpu.memref_slice %arg11[%add3A_40, %dma_wait3A] : memref<10240x128xf32, #tpu.memory_space<vmem_shared>> -> memref<128x128xf32, #tpu.memory_space<vmem_shared>>
      %dma_wait3A_64 = arith.constant 0 : i32
      %dma_wait3A_65 = tpu.memref_slice %arg11[%add3A_40, %dma_wait3A_64] : memref<10240x128xf32, #tpu.memory_space<vmem_shared>> -> memref<128x128xf32, #tpu.memory_space<vmem_shared>>
      tpu.wait_dma2 semaphore(%run_scoped3A : memref<!tpu.dma_semaphore, #tpu.memory_space<semaphore_mem>>) src(%dma_wait3A_65 : memref<128x128xf32, #tpu.memory_space<vmem_shared>>) dst(%arg9 : memref<128x128xf32, #tpu.memory_space<vmem>>)
      tpu.yield
    }) : () -> ()
    %mul3A_41 = arith.constant 10240 : i32
    %mul3A_42 = arith.muli %arg0, %mul3A_41 : i32
    %add3A_43 = arith.addi %mul3A_42, %mul3A_24 : i32
    %add3A_44 = arith.constant 256 : i32
    %add3A_45 = arith.addi %add3A_43, %add3A_44 : i32
    "tpu.region"() ({
      %run_scoped3A = tpu.sem_alloc : memref<!tpu.dma_semaphore, #tpu.memory_space<semaphore_mem>>
      %dma_start3A = arith.constant 0 : i32
      %dma_start3A_60 = tpu.memref_slice %arg6[%add3A_45, %dma_start3A] : memref<20480x128xf32, #tpu.memory_space<hbm>> -> memref<128x128xf32, #tpu.memory_space<hbm>>
      %dma_start3A_61 = arith.constant 0 : i32
      %dma_start3A_62 = tpu.memref_slice %arg6[%add3A_45, %dma_start3A_61] : memref<20480x128xf32, #tpu.memory_space<hbm>> -> memref<128x128xf32, #tpu.memory_space<hbm>>
      tpu.enqueue_dma source(%arg9 : memref<128x128xf32, #tpu.memory_space<vmem>>) target(%dma_start3A_62 : memref<128x128xf32, #tpu.memory_space<hbm>>) target_semaphore(%run_scoped3A : memref<!tpu.dma_semaphore, #tpu.memory_space<semaphore_mem>>)
      %dma_wait3A = arith.constant 0 : i32
      %dma_wait3A_63 = tpu.memref_slice %arg6[%add3A_45, %dma_wait3A] : memref<20480x128xf32, #tpu.memory_space<hbm>> -> memref<128x128xf32, #tpu.memory_space<hbm>>
      %dma_wait3A_64 = arith.constant 0 : i32
      %dma_wait3A_65 = tpu.memref_slice %arg6[%add3A_45, %dma_wait3A_64] : memref<20480x128xf32, #tpu.memory_space<hbm>> -> memref<128x128xf32, #tpu.memory_space<hbm>>
      tpu.wait_dma2 semaphore(%run_scoped3A : memref<!tpu.dma_semaphore, #tpu.memory_space<semaphore_mem>>) src(%arg9 : memref<128x128xf32, #tpu.memory_space<vmem>>) dst(%dma_wait3A_65 : memref<128x128xf32, #tpu.memory_space<hbm>>)
      tpu.yield
    }) : () -> ()
    %add3A_46 = arith.constant 384 : i32
    %add3A_47 = arith.addi %mul3A_24, %add3A_46 : i32
    "tpu.region"() ({
      %run_scoped3A = tpu.sem_alloc : memref<!tpu.dma_semaphore, #tpu.memory_space<semaphore_mem>>
      %dma_start3A = arith.constant 0 : i32
      %dma_start3A_60 = tpu.memref_slice %arg11[%add3A_47, %dma_start3A] : memref<10240x128xf32, #tpu.memory_space<vmem_shared>> -> memref<128x128xf32, #tpu.memory_space<vmem_shared>>
      %dma_start3A_61 = arith.constant 0 : i32
      %dma_start3A_62 = tpu.memref_slice %arg11[%add3A_47, %dma_start3A_61] : memref<10240x128xf32, #tpu.memory_space<vmem_shared>> -> memref<128x128xf32, #tpu.memory_space<vmem_shared>>
      tpu.enqueue_dma source(%dma_start3A_62 : memref<128x128xf32, #tpu.memory_space<vmem_shared>>) target(%arg9 : memref<128x128xf32, #tpu.memory_space<vmem>>) target_semaphore(%run_scoped3A : memref<!tpu.dma_semaphore, #tpu.memory_space<semaphore_mem>>)
      %dma_wait3A = arith.constant 0 : i32
      %dma_wait3A_63 = tpu.memref_slice %arg11[%add3A_47, %dma_wait3A] : memref<10240x128xf32, #tpu.memory_space<vmem_shared>> -> memref<128x128xf32, #tpu.memory_space<vmem_shared>>
      %dma_wait3A_64 = arith.constant 0 : i32
      %dma_wait3A_65 = tpu.memref_slice %arg11[%add3A_47, %dma_wait3A_64] : memref<10240x128xf32, #tpu.memory_space<vmem_shared>> -> memref<128x128xf32, #tpu.memory_space<vmem_shared>>
      tpu.wait_dma2 semaphore(%run_scoped3A : memref<!tpu.dma_semaphore, #tpu.memory_space<semaphore_mem>>) src(%dma_wait3A_65 : memref<128x128xf32, #tpu.memory_space<vmem_shared>>) dst(%arg9 : memref<128x128xf32, #tpu.memory_space<vmem>>)
      tpu.yield
    }) : () -> ()
    %mul3A_48 = arith.constant 10240 : i32
    %mul3A_49 = arith.muli %arg0, %mul3A_48 : i32
    %add3A_50 = arith.addi %mul3A_49, %mul3A_24 : i32
    %add3A_51 = arith.constant 384 : i32
    %add3A_52 = arith.addi %add3A_50, %add3A_51 : i32
    "tpu.region"() ({
      %run_scoped3A = tpu.sem_alloc : memref<!tpu.dma_semaphore, #tpu.memory_space<semaphore_mem>>
      %dma_start3A = arith.constant 0 : i32
      %dma_start3A_60 = tpu.memref_slice %arg6[%add3A_52, %dma_start3A] : memref<20480x128xf32, #tpu.memory_space<hbm>> -> memref<128x128xf32, #tpu.memory_space<hbm>>
      %dma_start3A_61 = arith.constant 0 : i32
      %dma_start3A_62 = tpu.memref_slice %arg6[%add3A_52, %dma_start3A_61] : memref<20480x128xf32, #tpu.memory_space<hbm>> -> memref<128x128xf32, #tpu.memory_space<hbm>>
      tpu.enqueue_dma source(%arg9 : memref<128x128xf32, #tpu.memory_space<vmem>>) target(%dma_start3A_62 : memref<128x128xf32, #tpu.memory_space<hbm>>) target_semaphore(%run_scoped3A : memref<!tpu.dma_semaphore, #tpu.memory_space<semaphore_mem>>)
      %dma_wait3A = arith.constant 0 : i32
      %dma_wait3A_63 = tpu.memref_slice %arg6[%add3A_52, %dma_wait3A] : memref<20480x128xf32, #tpu.memory_space<hbm>> -> memref<128x128xf32, #tpu.memory_space<hbm>>
      %dma_wait3A_64 = arith.constant 0 : i32
      %dma_wait3A_65 = tpu.memref_slice %arg6[%add3A_52, %dma_wait3A_64] : memref<20480x128xf32, #tpu.memory_space<hbm>> -> memref<128x128xf32, #tpu.memory_space<hbm>>
      tpu.wait_dma2 semaphore(%run_scoped3A : memref<!tpu.dma_semaphore, #tpu.memory_space<semaphore_mem>>) src(%arg9 : memref<128x128xf32, #tpu.memory_space<vmem>>) dst(%dma_wait3A_65 : memref<128x128xf32, #tpu.memory_space<hbm>>)
      tpu.yield
    }) : () -> ()
    %add3A_53 = arith.constant 512 : i32
    %add3A_54 = arith.addi %mul3A_24, %add3A_53 : i32
    "tpu.region"() ({
      %run_scoped3A = tpu.sem_alloc : memref<!tpu.dma_semaphore, #tpu.memory_space<semaphore_mem>>
      %dma_start3A = arith.constant 0 : i32
      %dma_start3A_60 = tpu.memref_slice %arg11[%add3A_54, %dma_start3A] : memref<10240x128xf32, #tpu.memory_space<vmem_shared>> -> memref<128x128xf32, #tpu.memory_space<vmem_shared>>
      %dma_start3A_61 = arith.constant 0 : i32
      %dma_start3A_62 = tpu.memref_slice %arg11[%add3A_54, %dma_start3A_61] : memref<10240x128xf32, #tpu.memory_space<vmem_shared>> -> memref<128x128xf32, #tpu.memory_space<vmem_shared>>
      tpu.enqueue_dma source(%dma_start3A_62 : memref<128x128xf32, #tpu.memory_space<vmem_shared>>) target(%arg9 : memref<128x128xf32, #tpu.memory_space<vmem>>) target_semaphore(%run_scoped3A : memref<!tpu.dma_semaphore, #tpu.memory_space<semaphore_mem>>)
      %dma_wait3A = arith.constant 0 : i32
      %dma_wait3A_63 = tpu.memref_slice %arg11[%add3A_54, %dma_wait3A] : memref<10240x128xf32, #tpu.memory_space<vmem_shared>> -> memref<128x128xf32, #tpu.memory_space<vmem_shared>>
      %dma_wait3A_64 = arith.constant 0 : i32
      %dma_wait3A_65 = tpu.memref_slice %arg11[%add3A_54, %dma_wait3A_64] : memref<10240x128xf32, #tpu.memory_space<vmem_shared>> -> memref<128x128xf32, #tpu.memory_space<vmem_shared>>
      tpu.wait_dma2 semaphore(%run_scoped3A : memref<!tpu.dma_semaphore, #tpu.memory_space<semaphore_mem>>) src(%dma_wait3A_65 : memref<128x128xf32, #tpu.memory_space<vmem_shared>>) dst(%arg9 : memref<128x128xf32, #tpu.memory_space<vmem>>)
      tpu.yield
    }) : () -> ()
    %mul3A_55 = arith.constant 10240 : i32
    %mul3A_56 = arith.muli %arg0, %mul3A_55 : i32
    %add3A_57 = arith.addi %mul3A_56, %mul3A_24 : i32
    %add3A_58 = arith.constant 512 : i32
    %add3A_59 = arith.addi %add3A_57, %add3A_58 : i32
    "tpu.region"() ({
      %run_scoped3A = tpu.sem_alloc : memref<!tpu.dma_semaphore, #tpu.memory_space<semaphore_mem>>
      %dma_start3A = arith.constant 0 : i32
      %dma_start3A_60 = tpu.memref_slice %arg6[%add3A_59, %dma_start3A] : memref<20480x128xf32, #tpu.memory_space<hbm>> -> memref<128x128xf32, #tpu.memory_space<hbm>>
      %dma_start3A_61 = arith.constant 0 : i32
      %dma_start3A_62 = tpu.memref_slice %arg6[%add3A_59, %dma_start3A_61] : memref<20480x128xf32, #tpu.memory_space<hbm>> -> memref<128x128xf32, #tpu.memory_space<hbm>>
      tpu.enqueue_dma source(%arg9 : memref<128x128xf32, #tpu.memory_space<vmem>>) target(%dma_start3A_62 : memref<128x128xf32, #tpu.memory_space<hbm>>) target_semaphore(%run_scoped3A : memref<!tpu.dma_semaphore, #tpu.memory_space<semaphore_mem>>)
      %dma_wait3A = arith.constant 0 : i32
      %dma_wait3A_63 = tpu.memref_slice %arg6[%add3A_59, %dma_wait3A] : memref<20480x128xf32, #tpu.memory_space<hbm>> -> memref<128x128xf32, #tpu.memory_space<hbm>>
      %dma_wait3A_64 = arith.constant 0 : i32
      %dma_wait3A_65 = tpu.memref_slice %arg6[%add3A_59, %dma_wait3A_64] : memref<20480x128xf32, #tpu.memory_space<hbm>> -> memref<128x128xf32, #tpu.memory_space<hbm>>
      tpu.wait_dma2 semaphore(%run_scoped3A : memref<!tpu.dma_semaphore, #tpu.memory_space<semaphore_mem>>) src(%arg9 : memref<128x128xf32, #tpu.memory_space<vmem>>) dst(%dma_wait3A_65 : memref<128x128xf32, #tpu.memory_space<hbm>>)
      tpu.yield
    }) : () -> ()
    return
  }
}

module attributes {stable_mosaic.version = 14 : i64} {
  func.func @_mm1_body(%arg0: i32, %arg1: i32, %arg2: memref<512x128xf32, #tpu.memory_space<vmem>>, %arg3: memref<128x128xf32, #tpu.memory_space<vmem>>, %arg4: memref<512x1xf32, #tpu.memory_space<vmem>>, %arg5: memref<512x128xf32, #tpu.memory_space<vmem>>) attributes {dimension_semantics = [#tpu.dimension_semantics<arbitrary>, #tpu.dimension_semantics<arbitrary>], iteration_bounds = array<i64: 20, 2>, scalar_prefetch = 0 : i64, scratch_operands = 0 : i64, tpu.core_type = #tpu.core_type<tc>, window_params = [{transform_indices = @transform_0, window_bounds = array<i64: 512, 128>}, {transform_indices = @transform_1, window_bounds = array<i64: 128, 128>}, {transform_indices = @transform_2, window_bounds = array<i64: 512, 1>}, {transform_indices = @transform_3, window_bounds = array<i64: 512, 128>}]} {
    %get3A = arith.constant 0 : index
    %get3A_0 = arith.constant 0 : index
    %get3A_1 = vector.load %arg2[%get3A, %get3A_0] : memref<512x128xf32, #tpu.memory_space<vmem>>, vector<512x128xf32>
    %get3A_2 = arith.constant 0 : index
    %get3A_3 = arith.constant 0 : index
    %get3A_4 = vector.load %arg3[%get3A_2, %get3A_3] : memref<128x128xf32, #tpu.memory_space<vmem>>, vector<128x128xf32>
    %dot_general3A = arith.constant dense<0.000000e+00> : vector<512x128xf32>
    %dot_general3A_5 = tpu.matmul %get3A_1, %get3A_4, %dot_general3A {dimension_numbers = #tpu.dot_dimension_numbers<[1], [0], [0], [1], [0, 0, 1, 1], [], []>, transpose_lhs_hint = false} : vector<512x128xf32>, vector<128x128xf32>, vector<512x128xf32> -> vector<512x128xf32>
    %get3A_6 = arith.constant 0 : index
    %get3A_7 = arith.constant 0 : index
    %get3A_8 = vector.load %arg4[%get3A_6, %get3A_7] : memref<512x1xf32, #tpu.memory_space<vmem>>, vector<512x1xf32>
    %max3A = arith.constant 1.000000e+00 : f32
    %max3A_9 = vector.broadcast %max3A : f32 to vector<512x1xf32>
    %max3A_10 = arith.maximumf %get3A_8, %max3A_9 : vector<512x1xf32>
    %rsqrt3A = math.rsqrt %max3A_10 : vector<512x1xf32>
    %mul3A = vector.broadcast %rsqrt3A : vector<512x1xf32> to vector<512x128xf32>
    %mul3A_11 = arith.mulf %mul3A, %dot_general3A_5 : vector<512x128xf32>
    %swap3A = arith.constant 0 : index
    %swap3A_12 = arith.constant 0 : index
    %swap3A_13 = vector.load %arg5[%swap3A, %swap3A_12] : memref<512x128xf32, #tpu.memory_space<vmem>>, vector<512x128xf32>
    tpu.vector_store %arg5[%swap3A, %swap3A_12], %mul3A_11 {strides = array<i32>} : memref<512x128xf32, #tpu.memory_space<vmem>>, vector<512x128xf32>,
    return
  }
  func.func @transform_0(%arg0: i32, %arg1: i32) -> (i32, i32) {
    %c0_i32 = arith.constant 0 : i32
    %c0_i32_0 = arith.constant 0 : i32
    return %arg0, %c0_i32 : i32, i32
  }
  func.func @transform_1(%arg0: i32, %arg1: i32) -> (i32, i32) {
    %c0_i32 = arith.constant 0 : i32
    %c0_i32_0 = arith.constant 0 : i32
    return %c0_i32, %arg1 : i32, i32
  }
  func.func @transform_2(%arg0: i32, %arg1: i32) -> (i32, i32) {
    %c0_i32 = arith.constant 0 : i32
    %c0_i32_0 = arith.constant 0 : i32
    return %arg0, %c0_i32 : i32, i32
  }
  func.func @transform_3(%arg0: i32, %arg1: i32) -> (i32, i32) {
    %mul3A = arith.constant 20 : i32
    %mul3A_0 = arith.muli %arg1, %mul3A : i32
    %add3A = arith.addi %arg0, %mul3A_0 : i32
    %c0_i32 = arith.constant 0 : i32
    %c0_i32_1 = arith.constant 0 : i32
    return %add3A, %c0_i32 : i32, i32
  }
}

module attributes {stable_mosaic.version = 14 : i64} {
  func.func @_mm23_body(%arg0: i32, %arg1: i32, %arg2: memref<512x128xf32, #tpu.memory_space<vmem>>, %arg3: memref<512x128xf32, #tpu.memory_space<vmem>>, %arg4: memref<512x1xf32, #tpu.memory_space<vmem>>, %arg5: memref<1x256xf32, #tpu.memory_space<vmem>>, %arg6: memref<256x256xf32, #tpu.memory_space<vmem>>, %arg7: memref<512x128xf32, #tpu.memory_space<vmem>>) attributes {dimension_semantics = [#tpu.dimension_semantics<arbitrary>, #tpu.dimension_semantics<arbitrary>], iteration_bounds = array<i64: 20, 2>, scalar_prefetch = 0 : i64, scratch_operands = 0 : i64, tpu.core_type = #tpu.core_type<tc>, window_params = [{transform_indices = @transform_0, window_bounds = array<i64: 512, 128>}, {transform_indices = @transform_1, window_bounds = array<i64: 512, 128>}, {transform_indices = @transform_2, window_bounds = array<i64: 512, 1>}, {pipeline_mode = #tpu.pipeline_mode<synchronous>, transform_indices = @transform_3, window_bounds = array<i64: 1, 256>}, {pipeline_mode = #tpu.pipeline_mode<synchronous>, transform_indices = @transform_4, window_bounds = array<i64: 256, 256>}, {transform_indices = @transform_5, window_bounds = array<i64: 512, 128>}]} {
    %get3A = arith.constant 0 : index
    %get3A_0 = arith.constant 0 : index
    %get3A_1 = vector.load %arg4[%get3A, %get3A_0] : memref<512x1xf32, #tpu.memory_space<vmem>>, vector<512x1xf32>
    %max3A = arith.constant 1.000000e+00 : f32
    %max3A_2 = vector.broadcast %max3A : f32 to vector<512x1xf32>
    %max3A_3 = arith.maximumf %get3A_1, %max3A_2 : vector<512x1xf32>
    %rsqrt3A = math.rsqrt %max3A_3 : vector<512x1xf32>
    %get3A_4 = arith.constant 0 : index
    %get3A_5 = arith.constant 0 : index
    %get3A_6 = vector.load %arg2[%get3A_4, %get3A_5] : memref<512x128xf32, #tpu.memory_space<vmem>>, vector<512x128xf32>
    %get3A_7 = arith.constant 0 : index
    %get3A_8 = arith.constant 0 : index
    %get3A_9 = vector.load %arg3[%get3A_7, %get3A_8] : memref<512x128xf32, #tpu.memory_space<vmem>>, vector<512x128xf32>
    %concatenate3A = tpu.concatenate %get3A_6, %get3A_9 in 1 : vector<512x128xf32>, vector<512x128xf32> -> vector<512x256xf32>
    %mul3A = vector.broadcast %rsqrt3A : vector<512x1xf32> to vector<512x256xf32>
    %mul3A_10 = arith.mulf %mul3A, %concatenate3A : vector<512x256xf32>
    %get3A_11 = arith.constant 0 : index
    %get3A_12 = arith.constant 0 : index
    %get3A_13 = vector.load %arg5[%get3A_11, %get3A_12] : memref<1x256xf32, #tpu.memory_space<vmem>>, vector<1x256xf32>
    %add3A = vector.broadcast %get3A_13 : vector<1x256xf32> to vector<512x256xf32>
    %add3A_14 = arith.addf %mul3A_10, %add3A : vector<512x256xf32>
    %max3A_15 = arith.constant 0.000000e+00 : f32
    %max3A_16 = vector.broadcast %max3A_15 : f32 to vector<512x256xf32>
    %max3A_17 = arith.maximumf %add3A_14, %max3A_16 : vector<512x256xf32>
    %get3A_18 = arith.constant 0 : index
    %get3A_19 = arith.constant 0 : index
    %get3A_20 = vector.load %arg6[%get3A_18, %get3A_19] : memref<256x256xf32, #tpu.memory_space<vmem>>, vector<256x256xf32>
    %dot_general3A = arith.constant dense<0.000000e+00> : vector<512x256xf32>
    %dot_general3A_21 = tpu.matmul %max3A_17, %get3A_20, %dot_general3A {dimension_numbers = #tpu.dot_dimension_numbers<[1], [0], [0], [1], [0, 0, 1, 1], [], []>, transpose_lhs_hint = false} : vector<512x256xf32>, vector<256x256xf32>, vector<512x256xf32> -> vector<512x256xf32>
    %eq3A = arith.constant 0 : i32
    %eq3A_22 = arith.cmpi eq, %arg1, %eq3A : i32
    %slice3A = vector.extract_strided_slice %dot_general3A_21 {offsets = [0, 0], sizes = [512, 128], strides = [1, 1]} : vector<512x256xf32> to vector<512x128xf32>
    %slice3A_23 = vector.extract_strided_slice %dot_general3A_21 {offsets = [0, 128], sizes = [512, 128], strides = [1, 1]} : vector<512x256xf32> to vector<512x128xf32>
    %select_n3A = arith.select %eq3A_22, %slice3A, %slice3A_23 : vector<512x128xf32>
    %mul3A_24 = vector.broadcast %rsqrt3A : vector<512x1xf32> to vector<512x128xf32>
    %mul3A_25 = arith.mulf %mul3A_24, %select_n3A : vector<512x128xf32>
    %swap3A = arith.constant 0 : index
    %swap3A_26 = arith.constant 0 : index
    %swap3A_27 = vector.load %arg7[%swap3A, %swap3A_26] : memref<512x128xf32, #tpu.memory_space<vmem>>, vector<512x128xf32>
    tpu.vector_store %arg7[%swap3A, %swap3A_26], %mul3A_25 {strides = array<i32>} : memref<512x128xf32, #tpu.memory_space<vmem>>, vector<512x128xf32>,
    return
  }
  func.func @transform_0(%arg0: i32, %arg1: i32) -> (i32, i32) {
    %c0_i32 = arith.constant 0 : i32
    %c0_i32_0 = arith.constant 0 : i32
    return %arg0, %c0_i32 : i32, i32
  }
  func.func @transform_1(%arg0: i32, %arg1: i32) -> (i32, i32) {
    %add3A = arith.constant 20 : i32
    %add3A_0 = arith.addi %arg0, %add3A : i32
    %c0_i32 = arith.constant 0 : i32
    %c0_i32_1 = arith.constant 0 : i32
    return %add3A_0, %c0_i32 : i32, i32
  }
  func.func @transform_2(%arg0: i32, %arg1: i32) -> (i32, i32) {
    %c0_i32 = arith.constant 0 : i32
    %c0_i32_0 = arith.constant 0 : i32
    return %arg0, %c0_i32 : i32, i32
  }
  func.func @transform_3(%arg0: i32, %arg1: i32) -> (i32, i32) {
    %c0_i32 = arith.constant 0 : i32
    %c0_i32_0 = arith.constant 0 : i32
    %c0_i32_1 = arith.constant 0 : i32
    return %c0_i32, %c0_i32_0 : i32, i32
  }
  func.func @transform_4(%arg0: i32, %arg1: i32) -> (i32, i32) {
    %c0_i32 = arith.constant 0 : i32
    %c0_i32_0 = arith.constant 0 : i32
    %c0_i32_1 = arith.constant 0 : i32
    return %c0_i32, %c0_i32_0 : i32, i32
  }
  func.func @transform_5(%arg0: i32, %arg1: i32) -> (i32, i32) {
    %mul3A = arith.constant 20 : i32
    %mul3A_0 = arith.muli %arg1, %mul3A : i32
    %add3A = arith.addi %arg0, %mul3A_0 : i32
    %c0_i32 = arith.constant 0 : i32
    %c0_i32_1 = arith.constant 0 : i32
    return %add3A, %c0_i32 : i32, i32
  }
}

module attributes {stable_mosaic.version = 14 : i64} {
  func.func @_pool_body(%arg0: i32, %arg1: memref<1024x128xf32, #tpu.memory_space<vmem>>, %arg2: memref<1024x128xf32, #tpu.memory_space<vmem>>, %arg3: memref<1024x1xf32, #tpu.memory_space<vmem>>, %arg4: memref<1x256xf32, #tpu.memory_space<vmem>>, %arg5: memref<1024x1xi32, #tpu.memory_space<vmem>>, %arg6: memref<256x1xf32, #tpu.memory_space<vmem>>, %arg7: memref<1x1xf32, #tpu.memory_space<vmem>>, %arg8: memref<64x1xf32, #tpu.memory_space<vmem>>, %arg9: memref<64x256xf32, #tpu.memory_space<vmem>>, %arg10: memref<64x1xf32, #tpu.memory_space<vmem>>) attributes {dimension_semantics = [#tpu.dimension_semantics<arbitrary>], iteration_bounds = array<i64: 10>, scalar_prefetch = 0 : i64, scratch_operands = 2 : i64, tpu.core_type = #tpu.core_type<tc>, window_params = [{transform_indices = @transform_0, window_bounds = array<i64: 1024, 128>}, {transform_indices = @transform_1, window_bounds = array<i64: 1024, 128>}, {transform_indices = @transform_2, window_bounds = array<i64: 1024, 1>}, {pipeline_mode = #tpu.pipeline_mode<synchronous>, transform_indices = @transform_3, window_bounds = array<i64: 1, 256>}, {transform_indices = @transform_4, window_bounds = array<i64: 1024, 1>}, {pipeline_mode = #tpu.pipeline_mode<synchronous>, transform_indices = @transform_5, window_bounds = array<i64: 256, 1>}, {pipeline_mode = #tpu.pipeline_mode<synchronous>, transform_indices = @transform_6, window_bounds = array<i64: 1, 1>}, {pipeline_mode = #tpu.pipeline_mode<synchronous>, transform_indices = @transform_7, window_bounds = array<i64: 64, 1>}]} {
    %eq3A = arith.constant 0 : i32
    %eq3A_0 = arith.cmpi eq, %arg0, %eq3A : i32
    %convert_element_type3A = arith.extui %eq3A_0 : i1 to i32
    %cond3A = arith.constant 0 : i32
    %cond3A_1 = arith.cmpi ne, %convert_element_type3A, %cond3A : i32
    scf.if %cond3A_1 {
      %broadcast_in_dim3A_81 = arith.constant 0.000000e+00 : f32
      %broadcast_in_dim3A_82 = vector.broadcast %broadcast_in_dim3A_81 : f32 to vector<64x256xf32>
      %swap3A_83 = arith.constant 0 : index
      %swap3A_84 = arith.constant 0 : index
      %swap3A_85 = vector.load %arg9[%swap3A_83, %swap3A_84] : memref<64x256xf32, #tpu.memory_space<vmem>>, vector<64x256xf32>
      tpu.vector_store %arg9[%swap3A_83, %swap3A_84], %broadcast_in_dim3A_82 {strides = array<i32>} : memref<64x256xf32, #tpu.memory_space<vmem>>, vector<64x256xf32>,
      %broadcast_in_dim3A_86 = arith.constant 0.000000e+00 : f32
      %broadcast_in_dim3A_87 = vector.broadcast %broadcast_in_dim3A_86 : f32 to vector<64x1xf32>
      %swap3A_88 = arith.constant 0 : index
      %swap3A_89 = arith.constant 0 : index
      %swap3A_90 = vector.load %arg10[%swap3A_88, %swap3A_89] : memref<64x1xf32, #tpu.memory_space<vmem>>, vector<64x1xf32>
      tpu.vector_store %arg10[%swap3A_88, %swap3A_89], %broadcast_in_dim3A_87 {strides = array<i32>} : memref<64x1xf32, #tpu.memory_space<vmem>>, vector<64x1xf32>,
    } else {
    }
    %get3A = arith.constant 0 : index
    %get3A_2 = arith.constant 0 : index
    %get3A_3 = vector.load %arg3[%get3A, %get3A_2] : memref<1024x1xf32, #tpu.memory_space<vmem>>, vector<1024x1xf32>
    %max3A = arith.constant 1.000000e+00 : f32
    %max3A_4 = vector.broadcast %max3A : f32 to vector<1024x1xf32>
    %max3A_5 = arith.maximumf %get3A_3, %max3A_4 : vector<1024x1xf32>
    %rsqrt3A = math.rsqrt %max3A_5 : vector<1024x1xf32>
    %get3A_6 = arith.constant 0 : index
    %get3A_7 = arith.constant 0 : index
    %get3A_8 = vector.load %arg1[%get3A_6, %get3A_7] : memref<1024x128xf32, #tpu.memory_space<vmem>>, vector<1024x128xf32>
    %mul3A = vector.broadcast %rsqrt3A : vector<1024x1xf32> to vector<1024x128xf32>
    %mul3A_9 = arith.mulf %mul3A, %get3A_8 : vector<1024x128xf32>
    %get3A_10 = arith.constant 0 : index
    %get3A_11 = arith.constant 0 : index
    %get3A_12 = vector.load %arg4[%get3A_10, %get3A_11] : memref<1x256xf32, #tpu.memory_space<vmem>>, vector<1x128xf32>
    %add3A = vector.broadcast %get3A_12 : vector<1x128xf32> to vector<1024x128xf32>
    %add3A_13 = arith.addf %mul3A_9, %add3A : vector<1024x128xf32>
    %get3A_14 = arith.constant 0 : index
    %get3A_15 = arith.constant 0 : index
    %get3A_16 = vector.load %arg2[%get3A_14, %get3A_15] : memref<1024x128xf32, #tpu.memory_space<vmem>>, vector<1024x128xf32>
    %mul3A_17 = vector.broadcast %rsqrt3A : vector<1024x1xf32> to vector<1024x128xf32>
    %mul3A_18 = arith.mulf %mul3A_17, %get3A_16 : vector<1024x128xf32>
    %get3A_19 = arith.constant 0 : index
    %get3A_20 = arith.constant 128 : index
    %get3A_21 = vector.load %arg4[%get3A_19, %get3A_20] : memref<1x256xf32, #tpu.memory_space<vmem>>, vector<1x128xf32>
    %add3A_22 = vector.broadcast %get3A_21 : vector<1x128xf32> to vector<1024x128xf32>
    %add3A_23 = arith.addf %mul3A_18, %add3A_22 : vector<1024x128xf32>
    %iota3A = tpu.iota {dimensions = array<i32: 1>} : vector<1x64xi32>
    %get3A_24 = arith.constant 0 : index
    %get3A_25 = arith.constant 0 : index
    %get3A_26 = vector.load %arg5[%get3A_24, %get3A_25] : memref<1024x1xi32, #tpu.memory_space<vmem>>, vector<1024x1xi32>
    %eq3A_27 = vector.broadcast %get3A_26 : vector<1024x1xi32> to vector<1024x64xi32>
    %eq3A_28 = vector.broadcast %iota3A : vector<1x64xi32> to vector<1024x64xi32>
    %eq3A_29 = arith.cmpi eq, %eq3A_27, %eq3A_28 : vector<1024x64xi32>
    %convert_element_type3A_30 = arith.extui %eq3A_29 : vector<1024x64xi1> to vector<1024x64xi32>
    %convert_element_type3A_31 = arith.sitofp %convert_element_type3A_30 : vector<1024x64xi32> to vector<1024x64xf32>
    %get3A_32 = arith.constant 0 : index
    %get3A_33 = arith.constant 0 : index
    %get3A_34 = vector.load %arg9[%get3A_32, %get3A_33] : memref<64x256xf32, #tpu.memory_space<vmem>>, vector<64x128xf32>
    %dot_general3A = arith.constant dense<0.000000e+00> : vector<64x128xf32>
    %dot_general3A_35 = tpu.matmul %convert_element_type3A_31, %add3A_13, %dot_general3A {dimension_numbers = #tpu.dot_dimension_numbers<[0], [0], [1], [1], [0, 1, 1, 1], [], []>, transpose_lhs_hint = false} : vector<1024x64xf32>, vector<1024x128xf32>, vector<64x128xf32> -> vector<64x128xf32>
    %add3A_36 = arith.addf %get3A_34, %dot_general3A_35 : vector<64x128xf32>
    %swap3A = arith.constant 0 : index
    %swap3A_37 = arith.constant 0 : index
    %swap3A_38 = vector.load %arg9[%swap3A, %swap3A_37] : memref<64x256xf32, #tpu.memory_space<vmem>>, vector<64x128xf32>
    tpu.vector_store %arg9[%swap3A, %swap3A_37], %add3A_36 {strides = array<i32>} : memref<64x256xf32, #tpu.memory_space<vmem>>, vector<64x128xf32>,
    %get3A_39 = arith.constant 0 : index
    %get3A_40 = arith.constant 128 : index
    %get3A_41 = vector.load %arg9[%get3A_39, %get3A_40] : memref<64x256xf32, #tpu.memory_space<vmem>>, vector<64x128xf32>
    %dot_general3A_42 = arith.constant dense<0.000000e+00> : vector<64x128xf32>
    %dot_general3A_43 = tpu.matmul %convert_element_type3A_31, %add3A_23, %dot_general3A_42 {dimension_numbers = #tpu.dot_dimension_numbers<[0], [0], [1], [1], [0, 1, 1, 1], [], []>, transpose_lhs_hint = false} : vector<1024x64xf32>, vector<1024x128xf32>, vector<64x128xf32> -> vector<64x128xf32>
    %add3A_44 = arith.addf %get3A_41, %dot_general3A_43 : vector<64x128xf32>
    %swap3A_45 = arith.constant 0 : index
    %swap3A_46 = arith.constant 128 : index
    %swap3A_47 = vector.load %arg9[%swap3A_45, %swap3A_46] : memref<64x256xf32, #tpu.memory_space<vmem>>, vector<64x128xf32>
    tpu.vector_store %arg9[%swap3A_45, %swap3A_46], %add3A_44 {strides = array<i32>} : memref<64x256xf32, #tpu.memory_space<vmem>>, vector<64x128xf32>,
    %broadcast_in_dim3A = arith.constant 1.000000e+00 : f32
    %broadcast_in_dim3A_48 = vector.broadcast %broadcast_in_dim3A : f32 to vector<1024x1xf32>
    %get3A_49 = arith.constant 0 : index
    %get3A_50 = arith.constant 0 : index
    %get3A_51 = vector.load %arg10[%get3A_49, %get3A_50] : memref<64x1xf32, #tpu.memory_space<vmem>>, vector<64x1xf32>
    %dot_general3A_52 = arith.constant dense<0.000000e+00> : vector<64x1xf32>
    %dot_general3A_53 = tpu.matmul %convert_element_type3A_31, %broadcast_in_dim3A_48, %dot_general3A_52 {dimension_numbers = #tpu.dot_dimension_numbers<[0], [0], [1], [1], [0, 1, 1, 1], [], []>, transpose_lhs_hint = false} : vector<1024x64xf32>, vector<1024x1xf32>, vector<64x1xf32> -> vector<64x1xf32>
    %add3A_54 = arith.addf %get3A_51, %dot_general3A_53 : vector<64x1xf32>
    %swap3A_55 = arith.constant 0 : index
    %swap3A_56 = arith.constant 0 : index
    %swap3A_57 = vector.load %arg10[%swap3A_55, %swap3A_56] : memref<64x1xf32, #tpu.memory_space<vmem>>, vector<64x1xf32>
    tpu.vector_store %arg10[%swap3A_55, %swap3A_56], %add3A_54 {strides = array<i32>} : memref<64x1xf32, #tpu.memory_space<vmem>>, vector<64x1xf32>,
    %get3A_58 = arith.constant 0 : index
    %get3A_59 = arith.constant 0 : index
    %get3A_60 = vector.load %arg9[%get3A_58, %get3A_59] : memref<64x256xf32, #tpu.memory_space<vmem>>, vector<64x256xf32>
    %get3A_61 = arith.constant 0 : index
    %get3A_62 = arith.constant 0 : index
    %get3A_63 = vector.load %arg10[%get3A_61, %get3A_62] : memref<64x1xf32, #tpu.memory_space<vmem>>, vector<64x1xf32>
    %max3A_64 = arith.constant 1.000000e+00 : f32
    %max3A_65 = vector.broadcast %max3A_64 : f32 to vector<64x1xf32>
    %max3A_66 = arith.maximumf %get3A_63, %max3A_65 : vector<64x1xf32>
    %div3A = vector.broadcast %max3A_66 : vector<64x1xf32> to vector<64x256xf32>
    %div3A_67 = arith.divf %get3A_60, %div3A : vector<64x256xf32>
    %get3A_68 = arith.constant 0 : index
    %get3A_69 = arith.constant 0 : index
    %get3A_70 = vector.load %arg6[%get3A_68, %get3A_69] : memref<256x1xf32, #tpu.memory_space<vmem>>, vector<256x1xf32>
    %dot_general3A_71 = arith.constant dense<0.000000e+00> : vector<64x1xf32>
    %dot_general3A_72 = tpu.matmul %div3A_67, %get3A_70, %dot_general3A_71 {dimension_numbers = #tpu.dot_dimension_numbers<[1], [0], [0], [1], [0, 0, 1, 1], [], []>, transpose_lhs_hint = false} : vector<64x256xf32>, vector<256x1xf32>, vector<64x1xf32> -> vector<64x1xf32>
    %get3A_73 = arith.constant 0 : index
    %get3A_74 = arith.constant 0 : index
    %get3A_75 = vector.load %arg7[%get3A_73, %get3A_74] : memref<1x1xf32, #tpu.memory_space<vmem>>, vector<1x1xf32>
    %add3A_76 = vector.broadcast %get3A_75 : vector<1x1xf32> to vector<64x1xf32>
    %add3A_77 = arith.addf %dot_general3A_72, %add3A_76 : vector<64x1xf32>
    %swap3A_78 = arith.constant 0 : index
    %swap3A_79 = arith.constant 0 : index
    %swap3A_80 = vector.load %arg8[%swap3A_78, %swap3A_79] : memref<64x1xf32, #tpu.memory_space<vmem>>, vector<64x1xf32>
    tpu.vector_store %arg8[%swap3A_78, %swap3A_79], %add3A_77 {strides = array<i32>} : memref<64x1xf32, #tpu.memory_space<vmem>>, vector<64x1xf32>,
    return
  }
  func.func @transform_0(%arg0: i32) -> (i32, i32) {
    %c0_i32 = arith.constant 0 : i32
    %c0_i32_0 = arith.constant 0 : i32
    return %arg0, %c0_i32 : i32, i32
  }
  func.func @transform_1(%arg0: i32) -> (i32, i32) {
    %add3A = arith.constant 10 : i32
    %add3A_0 = arith.addi %arg0, %add3A : i32
    %c0_i32 = arith.constant 0 : i32
    %c0_i32_1 = arith.constant 0 : i32
    return %add3A_0, %c0_i32 : i32, i32
  }
  func.func @transform_2(%arg0: i32) -> (i32, i32) {
    %c0_i32 = arith.constant 0 : i32
    %c0_i32_0 = arith.constant 0 : i32
    return %arg0, %c0_i32 : i32, i32
  }
  func.func @transform_3(%arg0: i32) -> (i32, i32) {
    %c0_i32 = arith.constant 0 : i32
    %c0_i32_0 = arith.constant 0 : i32
    %c0_i32_1 = arith.constant 0 : i32
    return %c0_i32, %c0_i32_0 : i32, i32
  }
  func.func @transform_4(%arg0: i32) -> (i32, i32) {
    %c0_i32 = arith.constant 0 : i32
    %c0_i32_0 = arith.constant 0 : i32
    return %arg0, %c0_i32 : i32, i32
  }
  func.func @transform_5(%arg0: i32) -> (i32, i32) {
    %c0_i32 = arith.constant 0 : i32
    %c0_i32_0 = arith.constant 0 : i32
    %c0_i32_1 = arith.constant 0 : i32
    return %c0_i32, %c0_i32_0 : i32, i32
  }
  func.func @transform_6(%arg0: i32) -> (i32, i32) {
    %c0_i32 = arith.constant 0 : i32
    %c0_i32_0 = arith.constant 0 : i32
    %c0_i32_1 = arith.constant 0 : i32
    return %c0_i32, %c0_i32_0 : i32, i32
  }
  func.func @transform_7(%arg0: i32) -> (i32, i32) {
    %c0_i32 = arith.constant 0 : i32
    %c0_i32_0 = arith.constant 0 : i32
    %c0_i32_1 = arith.constant 0 : i32
    return %c0_i32, %c0_i32_0 : i32, i32
  }
}

</mosaic_0001>

<sc_bundles>
// kernel: kernel.10.cloned.1.call-start
scs
__scs_entry_jumppad:
0x0: {  	(pc) =	sbr.rel $0x88, $3  }
0x1: {  	(tag) =	ssettag $0x0;
	lr =	simm.s32 $0x1  }
0x2: {  	[smem:$0x3F96] =	sst lr;
	_ =	strace $0xD0000000  }
0x3: {  	_ = 	snop  }
0x4: {  	_ = 	snop  }
0x5: {  	_ = 	snop  }
0x6: {  	_ = 	snop  }
0x7: {  	_ = 	snop  }
__scs_overlays_trampoline_lowered:
0x8: {  	[smem:$0x3FA5] =	sst s0  }
0x9: {  	[smem:$0x3FA6] =	sst s1  }
0xa: {  	[smem:$0x3FA7] =	sst s2  }
0xb: {  	[smem:$0x3FA8] =	sst s3  }
0xc: {  	[smem:$0x3FA9] =	sst s4  }
0xd: {  	[smem:$0x3FAA] =	sst s5  }
0xe: {  	[smem:$0x3FAB] =	sst s6  }
0xf: {  	[smem:$0x3FAC] =	sst s7  }
0x10: {  	[smem:$0x3FAD] =	sst s8  }
0x11: {  	[smem:$0x3FAE] =	sst s9;
	s0 =	simm.s32 @!p0 $0x0  }
0x12: {  	s1 =	sld [smem:$0x3F94];
	s0 =	simm.s32 @p0 $0x1  }
0x13: {  	[smem:$0x3FAF] =	sst s0;
	s0 =	simm.s32 @!p1 $0x0  }
0x14: {  	s2 =	sld [smem:$0x3F93];
	s0 =	simm.s32 @p1 $0x1  }
0x15: {  	[smem:$0x3FB0] =	sst s0;
	s0 =	simm.s32 @!p2 $0x0  }
0x16: {  	s3 =	sld [smem:$0x3FDB];
	s0 =	simm.s32 @p2 $0x1  }
0x17: {  	s4 =	simm.s32 $0x1BF5;
	[smem:$0x3FB2] =	sst s0  }
0x18: {  	s0 =	sld [smem:$0x3F95];
	_ =	swait.ge [sflag:s4], $0x0  }
0x19: {  	s7 =	sld [smem:$0x3F96]  }
0x1a: {  	s8 =	sadd.s32 $0xFFFFE003, lr  }
0x1b: {  	s9 =	sadd.s32 $0xFFFFFEF7, lr;
	s5 =	simm.s32 $0xFFFFFFFF;
	p2 =	slt.u32 s8, $0xFFFFF086  }
0x1c: {  	p1 =	slt.u32 s9, $0xF7A;
	s5 =	simm.s32 @!p2 $0x0  }
0x1d: {  	s5 =	simm.s32 @p1 $0x1;
	p0 =	seq.s32 s7, s2  }
0x1e: {  	s7 =	smul.u32 @!p0 $0xF7A, s2;
	p2 =	seq.s32 @!p0 s5, $0x0  }
0x1f: {  	s9 =	smul.u32 $0xF7A, s1;
	s8 =	simm.s32 @!p0 $0x1BF5;
	p2 =	por !p2, p0  }
0x20: {  	[sflag:s8] =	ssyncset.s32 @!p0 $0xFFFFF086;
	s6 =	sadd.s32 @!p0 s3, s7;
	s7 =	simm.s32 @!p0 $0x108  }
0x21: {  	s3 =	sadd.s32 s3, s9;
	s6 =	sadd.s32 @!p0 $0x88, s6;
	s7 =	simm.s32 @p2 $0x1082  }
0x22: {  	[simem:s7], [sflag:s8] =	dma.local @!p0 [hbm:s6], $0xF7A  }
0x23: {  	s9 =	sor.u32 $0xD0000000, s2;
	s6 =	simm.s32 $0x108;
	_ =	swait.ge @!p0 [sflag:s8], $0x0  }
0x24: {  	s3 =	sadd.s32 $0x88, s3;
	s6 =	simm.s32 @!p1 $0x1082;
	[sflag:s4] =	ssyncset.s32 $0xFFFFF086  }
0x25: {  	[simem:s6], [sflag:s4] =	dma.local [hbm:s3], $0xF7A  }
0x26: {  	[smem:$0x3F96] =	sst s1;
	(tag) =	ssettag s2;
	_ =	strace s9  }
0x27: {  	s1 =	sld [smem:$0x3FA6]  }
0x28: {  	s2 =	sld [smem:$0x3FA7]  }
0x29: {  	s4 =	sld [smem:$0x3FA9]  }
0x2a: {  	p0 =	seq.s32 s5, $0x0;
	s5 =	sld [smem:$0x3FAA]  }
0x2b: {  	s6 =	sld [smem:$0x3FAB]  }
0x2c: {  	s7 =	sld [smem:$0x3FAC]  }
0x2d: {  	s3 =	simm.s32 $0x108;
	s8 =	sld [smem:$0x3FAD]  }
0x2e: {  	s3 =	simm.s32 @!p0 $0x1082;
	s9 =	sld [smem:$0x3FAE]  }
0x2f: {  	lr =	sadd.s32 s0, s3;
	s0 =	sld [smem:$0x3FA5]  }
0x30: {  	s3 =	sld [smem:$0x3FA8]  }
0x31: {  	[smem:$0x3FB1] =	sst s10  }
0x32: {  	s10 =	sld [smem:$0x3FAF];
	_ =	sdelay $0x3  }
0x33: {  	p0 =	seq.s32 s10, $0x1;
	s10 =	sld [smem:$0x3FB1];
	_ =	sdelay $0x3  }
0x34: {  	[smem:$0x3FB1] =	sst s10  }
0x35: {  	s10 =	sld [smem:$0x3FB0];
	_ =	sdelay $0x3  }
0x36: {  	p1 =	seq.s32 s10, $0x1;
	s10 =	sld [smem:$0x3FB1];
	_ =	sdelay $0x3  }
0x37: {  	[smem:$0x3FB1] =	sst s10  }
0x38: {  	s10 =	sld [smem:$0x3FB2]  }
0x39: {  	_ = 	snop;
	(pc) =	sbr.ind lr, $3  }
0x3a: {  	_ = 	snop  }
0x3b: {  	_ = 	snop  }
0x3c: {  	p2 =	seq.s32 s10, $0x1;
	s10 =	sld [smem:$0x3FB1]  }
0x3d: {  	_ =	shalt  }
0x3e: {  	_ =	shalt  }
0x3f: {  	_ =	shalt  }
0x40: {  	_ =	shalt  }
0x41: {  	_ =	shalt  }
0x42: {  	_ =	shalt  }
0x43: {  	_ =	shalt  }
0x44: {  	_ =	shalt  }
0x45: {  	_ =	shalt  }
0x46: {  	_ =	shalt  }
0x47: {  	_ =	shalt  }
0x48: {  	_ =	shalt  }
0x49: {  	_ =	shalt  }
0x4a: {  	_ =	shalt  }
0x4b: {  	_ =	shalt  }
0x4c: {  	_ =	shalt  }
0x4d: {  	_ =	shalt  }
0x4e: {  	_ =	shalt  }
0x4f: {  	_ =	shalt  }
0x50: {  	_ =	shalt  }
0x51: {  	_ =	shalt  }
0x52: {  	_ =	shalt  }
0x53: {  	_ =	shalt  }
0x54: {  	_ =	shalt  }
0x55: {  	_ =	shalt  }
0x56: {  	_ =	shalt  }
0x57: {  	_ =	shalt  }
0x58: {  	_ =	shalt  }
0x59: {  	_ =	shalt  }
0x5a: {  	_ =	shalt  }
0x5b: {  	_ =	shalt  }
0x5c: {  	_ =	shalt  }
0x5d: {  	_ =	shalt  }
0x5e: {  	_ =	shalt  }
0x5f: {  	_ =	shalt  }
0x60: {  	_ =	shalt  }
0x61: {  	_ =	shalt  }
0x62: {  	_ =	shalt  }
0x63: {  	_ =	shalt  }
0x64: {  	_ =	shalt  }
0x65: {  	_ =	shalt  }
0x66: {  	_ =	shalt  }
0x67: {  	_ =	shalt  }
0x68: {  	_ =	shalt  }
0x69: {  	_ =	shalt  }
0x6a: {  	_ =	shalt  }
0x6b: {  	_ =	shalt  }
0x6c: {  	_ =	shalt  }
0x6d: {  	_ =	shalt  }
0x6e: {  	_ =	shalt  }
0x6f: {  	_ =	shalt  }
0x70: {  	_ =	shalt  }
0x71: {  	_ =	shalt  }
0x72: {  	_ =	shalt  }
0x73: {  	_ =	shalt  }
0x74: {  	_ =	shalt  }
0x75: {  	_ =	shalt  }
0x76: {  	_ =	shalt  }
0x77: {  	_ =	shalt  }
0x78: {  	_ =	shalt  }
0x79: {  	_ =	shalt  }
0x7a: {  	_ =	shalt  }
0x7b: {  	_ =	shalt  }
0x7c: {  	_ =	shalt  }
0x7d: {  	_ =	shalt  }
0x7e: {  	_ =	shalt  }
0x7f: {  	_ =	shalt  }
0x80: {  	_ =	shalt  }
0x81: {  	_ =	shalt  }
0x82: {  	_ =	shalt  }
0x83: {  	_ =	shalt  }
0x84: {  	_ =	shalt  }
0x85: {  	_ =	shalt  }
0x86: {  	_ =	shalt  }
0x87: {  	_ =	shalt  }
.Lfunc_end0:
.L_simem_size_0:
called_computation_lowered:
.L_overlay_start_0:
0x88: {  	s2 =	sld [smem:$0x3FD9]  }
0x89: {  	s3 =	sld [smem:$0x3FFE];
	_ =	sdelay $0x1  }
0x8a: {  	s1 =	srdreg.scid  }
0x8b: {  	s0 =	sand.u32 $0x1, s1  }
0x8c: {  	s16 =	sshll.u32 s0, $0xA;
	s2 =	sadd.s32 s3, s2  }
0x8d: {  	s2 =	sadd.s32 s2, s16  }
0x8e: {  	[smem:$0x3FBD] =	sst s2  }
0x8f: {  	_ = 	snop  }
0x90: {  	(tm) =	ssettm $0x1  }
0x91: {  	s17 =	sld [smem:$0x3FFB];
	_ =	sdelay $0x3  }
0x92: {  	_ =	strace s17  }
0x93: {  	s2 =	sld [smem:$0x3FFC];
	_ =	sdelay $0x3  }
0x94: {  	_ =	strace s2  }
0x95: {  	s2 =	sld [smem:$0x3FFD];
	_ =	sdelay $0x3  }
0x96: {  	_ =	strace s2  }
0x97: {  	_ =	strace $0x8FFFFFFF  }
0x98: {  	s18 =	sld [smem:$0x3FDB];
	_ =	sdelay $0x1  }
0x99: {  	s19 =	simm.s32 $_scs_section_size  }
0x9a: {  	s4 =	simm.s32 $_size__tile_overlayer_lowered;
	s5 =	simm.s32 $_tile_overlayer_lowered  }
0x9b: {  	s22 =	simm.s32 $0x1BFF;
	s21 =	sshll.u32 s5, $0x1;
	s2 =	sadd.s32 s19, s18  }
0x9c: {  	s6 =	simm.s32 $0x0;
	s20 =	sshll.u32 s4, $0x1;
	s4 =	sadd.s32 s21, s2  }
0x9d: {  	[timem:s6], [sflag:s22] =	dma.local [hbm:s4], s20  }
0x9e: {  	_ =	swait.ge [sflag:s22], s20  }
0x9f: {  	s3 =	ssub.s32 $0x0, s20;
	[sflag:s22] =	ssyncset.done $0x0  }
0xa0: {  	[sflag:s22] =	ssyncadd.s32 s3;
	_ =	sdelay $0x1  }
0xa1: {  	s23 =	simm.s32 $0x1B8B  }
0xa2: {  	_ =	swait.ge [sflag:s23], $0x1  }
0xa3: {  	[sflag:s23] =	ssyncset.done $0x0  }
0xa4: {  	s25 =	simm.s32 $0x1B8E;
	s24 =	sld [smem:$0x3FFE];
	[sflag:s23] =	ssyncadd.s32 $0xFFFFFFFF  }
0xa5: {  	s26 =	simm.s32 $execute0_lowered;
	[smem:$0x3FD2] =	sst s25  }
0xa6: {  	s4 =	sshll.u32 s26, $0x1;
	_ =	strace $0x80000046;
	[dreg:$0x1] =	wrdreg $0xFFFFFFFF  }
0xa7: {  	s28 =	simm.s32 $_size_execute0_lowered;
	s2 =	sadd.s32 s2, s4;
	[dreg:$0x0] =	wrdreg $0x0  }
0xa8: {  	s4 =	sshll.u32 s28, $0x1;
	[dreg:$0x2] =	wrdreg s2  }
0xa9: {  	[dreg:$0x3] =	wrdreg s4  }
0xaa: {  	[dreg:$0x4] =	wrdreg $0xC0  }
0xab: {  	_ =	task [dreg:s6], $0x5FFFF  }
0xac: {  	[dreg:$0x1] =	wrdreg $0xFFFFFFFF  }
0xad: {  	[dreg:$0x0] =	wrdreg $0x60  }
0xae: {  	[dreg:$0x2] =	wrdreg s24  }
0xaf: {  	[dreg:$0x3] =	wrdreg $0x57000  }
0xb0: {  	[dreg:$0x4] =	wrdreg $0x9  }
0xb1: {  	_ =	task.clear_ibuf [dreg:s6], $0x5FFFF;
	_ =	strace $0x90000046  }
0xb2: {  	s29 =	simm.s32 $0x9;
	_ =	strace $0x80000048  }
0xb3: {  	_ =	swait.ge [sflag:s29], $0x1  }
0xb4: {  	[sflag:s29] =	ssyncadd.s32 $0xFFFFFFFF  }
0xb5: {  	_ =	strace $0x90000048  }
0xb6: {  	_ =	sfence  }
0xb7: {  	s30 =	sld [smem:$0x0];
	_ =	sdelay $0x2  }
0xb8: {  	s31 =	sshll.u32 s1, $0xD;
	s1 =	sshrl.u32 s1, $0x2  }
0xb9: {  	s3 =	sand.u32 $0x4000, s31;
	s1 =	sadd.s32 s1, s30  }
0xba: {  	s0 =	sor.u32 s3, s0;
	s1 =	sshll.u32 s1, $0x11  }
0xbb: {  	s0 =	sor.u32 s1, s0  }
0xbc: {  	s0 =	sadd.s32 $0x8F2B, s0  }
0xbd: {  	[sflag:s0] =	ssyncadd.remote.s32 $0x1  }
0xbe: {  	_ =	sfence.sel $0xFFFF  }
0xbf: {  	[dreg:$0x0] =	wrdreg $0xFFFFFFFF;
	(pc) =	sbr.abs _section_cstart, $3  }
0xc0: {  	[dreg:$0x1] =	wrdreg $0xFFFFFFFF  }
0xc1: {  	_ =	task.clear_ibuf [dreg:s6], $0x2FFFF;
	_ =	strace $0x9FFFFFFF  }
0xc2: {  	(tm) =	ssettm $0x7FFFFFFF  }
0xc3: {  	_ =	shalt  }
tec
execute0_lowered:
.L_overlay_start_1:
0x0: {  	(tag) =	ssettag $0x1  }
0x1: {  	s6 =	rddreg [dreg:$0x0]  }
0x2: {  	s0 =	stileid.u32;
	s1 =	srdreg.scid  }
0x3: {  	s2 =	rddreg [dreg:$0x1];
	s3 =	simm.s32 $0x0;
	s4 =	smul.u32 $0xA80, s0  }
0x4: {  	s13 =	simm.s32 $0x5480;
	s14 =	simm.s32 $0x80;
	s8 =	smul.u32 $0x140, s0  }
0x5: {  	s5 =	sand.u32 $0x1, s1;
	s1 =	rddreg [dreg:$0x2];
	s11 =	smul.u32 $0xA00, s0  }
0x6: {  	s15 =	simm.s32 $0x0;
	[smem:$0x7FF] =	sst s3;
	s7 =	smul.u32 $0x1400, s5  }
0x7: {  	_ =	strace $0x80000047;
	s5 =	ssub.s32 $0x2, s5;
	s9 =	sadd.s32 s4, s6  }
0x8: {  	s10 =	sshrl.u32 s5, $0x1;
	s4 =	sadd.s32 $0xD200, s6;
	s31 =	sshrl.u32 s11, $0x2  }
0x9: {  	s11 =	simm.s32 $0x1;
	s8 =	sadd.s32 s8, s7;
	s10 =	ssub.s32 s5, s10  }
0xa: {  	s5 =	sadd.s32 $0x2A00, s9;
	s7 =	sshrl.u32 s8, $0x3;
	s8 =	sadd.s32 s8, s2  }
0xb: {  	s10 =	smax.u32 s10, $0x1;
	s12 =	sadd.s32 s7, s6;
	s6 =	sadd.s32 $0xD250, s6  }
0xc: {  	s7 =	sadd.s32 s31, s2;
	s9 =	sadd.s32 $0xD400, s12;
	s12 =	simm.s32 $0x5400  }
.LBB2_1:
0xd: {  	[tilespmem:s3], [sflag:$0x1] =	stream.linear.gather [hbm4b:s5+s3], $0x5400, $0x38;
	[tilespmem:$0x5980] =	vst v63  }
0xe: {  	_ =	swait.ge [sflag:s11], $0x5400  }
0xf: {  	[sflag:s11] =	ssyncset.done $0x0  }
0x10: {  	[sflag:s11] =	ssyncadd.s32 $0xFFFFAC00  }
0x11: {  	[tilespmem:s12], [sflag:$0x1] =	stream.linear.gather [hbm4b:s6+s3], $0x80, $0x38;
	[tilespmem:$0x5980] =	vst v63  }
0x12: {  	_ =	swait.ge [sflag:s11], $0x80  }
0x13: {  	[sflag:s11] =	ssyncset.done $0x0  }
0x14: {  	[sflag:s11] =	ssyncadd.s32 $0xFFFFFF80  }
0x15: {  	[tilespmem:s13], [sflag:$0x1] =	stream.linear.gather [hbm4b:s4+s3], $0x280, $0x38;
	[tilespmem:$0x5980] =	vst v63  }
0x16: {  	_ =	swait.ge [sflag:s11], $0x280  }
0x17: {  	[sflag:s11] =	ssyncset.done $0x0  }
0x18: {  	[sflag:s11] =	ssyncadd.s32 $0xFFFFFD80  }
0x19: {  	[spmem:s7] =	stream.linear.scatter [tilespmem:s13], [sflag:$0x1], $0x280, $0x38;
	[tilespmem:$0x5980] =	vst v63  }
0x1a: {  	_ =	swait.ge [sflag:s11], $0x280  }
0x1b: {  	[sflag:s11] =	ssyncset.done $0x0  }
0x1c: {  	[sflag:s11] =	ssyncadd.s32 $0xFFFFFD80  }
0x1d: {  	s16 =	simm.s32 $0x0;
	[bflag:$0x0] =	sbarrier.arrive $0xFFFF  }
0x1e: {  	[spmem:s2] =	stream.indirect.scatter.add.f32 [tilespmem:s12], [sflag:$0x1], $0x1, s16, s14, $0xb8;
	[tilespmem:$0x5980] =	vst v63  }
0x1f: {  	_ =	swait.ge [sflag:s11], $0x80  }
0x20: {  	s16 =	simm.s32 $0x200;
	[sflag:s11] =	ssyncset.done $0x0  }
.LBB2_2:
0x21: {  	s17 =	sshra.s32 s16, $0x2;
	[sflag:s11] =	ssyncadd.s32 $0xFFFFFF80;
	p0 =	sne.s32 s16, $0x14E00  }
0x22: {  	[spmem:s2] =	stream.indirect.scatter.add.f32 [tilespmem:s12], [sflag:$0x1], $0x1, s17, s14, $0xb8;
	[tilespmem:$0x5980] =	vst v63  }
.Ltmp0:
0x23: {  	_ = 	snop;
	(pc) =	sbr.rel @p0 .LBB2_2-.Ltmp0, $4  }
0x24: {  	_ = 	snop  }
0x25: {  	s16 =	sadd.s32 $0x200, s16  }
0x26: {  	_ =	swait.ge [sflag:s11], $0x80  }
0x27: {  	[sflag:s11] =	ssyncset.done $0x0  }
0x28: {  	[sflag:s11] =	ssyncadd.s32 $0xFFFFFF80  }
0x29: {  	[bflag:$0x0] =	sbarrier.arrive $0xFFFF  }
0x2a: {  	[tilespmem:s13], [sflag:$0x1] =	stream.linear.gather [spmem:s8], $0x140, $0x38;
	[tilespmem:$0x5980] =	vst v63  }
0x2b: {  	s15 =	sadd.s32 $0x1, s15;
	_ =	swait.ge [sflag:s11], $0x140  }
0x2c: {  	p0 =	sne.s32 s15, s10;
	[sflag:s11] =	ssyncset.done $0x0  }
.Ltmp1:
0x2d: {  	[sflag:s11] =	ssyncadd.s32 $0xFFFFFEC0;
	(pc) =	sbr.rel @p0 .LBB2_1-.Ltmp1, $4  }
0x2e: {  	[hbm4b:s9+s3] =	stream.linear.scatter [tilespmem:s13], [sflag:$0x1], $0x140, $0x38;
	[tilespmem:$0x5980] =	vst v63  }
0x2f: {  	_ =	swait.ge [sflag:s11], $0x140  }
0x30: {  	[sflag:s11] =	ssyncset.done $0x0  }
0x31: {  	[sflag:s11] =	ssyncadd.s32 $0xFFFFFEC0  }
0x32: {  	_ =	sfence.sel $0x180000  }
0x33: {  	[bflag:$0x0] =	sbarrier.arrive $0xFFFF  }
0x34: {  	p0 =	sne.s32 s0, $0x0;
	_ =	strace $0x90000047  }
0x35: {  	s0 =	sadd.s32 @!p0 $0x100000, s1;
	[bflag:$0x2] =	sbarrier.arrive $0xFFFF  }
0x36: {  	[sflag:s0] =	ssyncadd.tile.s32 @!p0 $0x1;
	_ =	shalt  }
.Lfunc_end2:
_tile_overlayer_lowered:
.L_overlay_start_2:
0x37: {  	(tag) =	ssettag $0x2  }
0x38: {  	s0 =	rddreg [dreg:$0x0];
	s2 =	stileid.u32  }
0x39: {  	s1 =	rddreg [dreg:$0x1];
	p0 =	sne.s32 s2, $0x0  }
0x3a: {  	s3 =	rddreg [dreg:$0x2];
	[bflag:$0x3] =	sbarrier.arrive $0xFFFF;
	s2 =	simm.s32 @!p0 $0x1C01  }
0x3b: {  	[timem:s3], [sflag:s2] =	dma.local @!p0 [hbm:s0], s1  }
0x3c: {  	s0 =	simm.s32 @!p0 $0x1  }
0x3d: {  	_ =	swait.ge @!p0 [sflag:s0], s1  }
0x3e: {  	s1 =	ssub.s32 @!p0 $0x0, s1;
	[sflag:s0] =	ssyncset.done @!p0 $0x0  }
0x3f: {  	[sflag:s0] =	ssyncadd.s32 @!p0 s1  }
0x40: {  	[bflag:$0x3] =	sbarrier.arrive $0xFFFF  }
0x41: {  	_ =	shalt  }

// kernel: kernel.13.cloned.1.call-start
scs
__scs_entry_jumppad:
0x0: {  	(pc) =	sbr.rel $0x88, $3  }
0x1: {  	(tag) =	ssettag $0x0;
	lr =	simm.s32 $0x1  }
0x2: {  	[smem:$0x3F96] =	sst lr;
	_ =	strace $0xD0000000  }
0x3: {  	_ = 	snop  }
0x4: {  	_ = 	snop  }
0x5: {  	_ = 	snop  }
0x6: {  	_ = 	snop  }
0x7: {  	_ = 	snop  }
__scs_overlays_trampoline_lowered:
0x8: {  	[smem:$0x3FA5] =	sst s0  }
0x9: {  	[smem:$0x3FA6] =	sst s1  }
0xa: {  	[smem:$0x3FA7] =	sst s2  }
0xb: {  	[smem:$0x3FA8] =	sst s3  }
0xc: {  	[smem:$0x3FA9] =	sst s4  }
0xd: {  	[smem:$0x3FAA] =	sst s5  }
0xe: {  	[smem:$0x3FAB] =	sst s6  }
0xf: {  	[smem:$0x3FAC] =	sst s7  }
0x10: {  	[smem:$0x3FAD] =	sst s8  }
0x11: {  	[smem:$0x3FAE] =	sst s9;
	s0 =	simm.s32 @!p0 $0x0  }
0x12: {  	s1 =	sld [smem:$0x3F94];
	s0 =	simm.s32 @p0 $0x1  }
0x13: {  	[smem:$0x3FAF] =	sst s0;
	s0 =	simm.s32 @!p1 $0x0  }
0x14: {  	s2 =	sld [smem:$0x3F93];
	s0 =	simm.s32 @p1 $0x1  }
0x15: {  	[smem:$0x3FB0] =	sst s0;
	s0 =	simm.s32 @!p2 $0x0  }
0x16: {  	s3 =	sld [smem:$0x3FDB];
	s0 =	simm.s32 @p2 $0x1  }
0x17: {  	s4 =	simm.s32 $0x1BF5;
	[smem:$0x3FB2] =	sst s0  }
0x18: {  	s0 =	sld [smem:$0x3F95];
	_ =	swait.ge [sflag:s4], $0x0  }
0x19: {  	s7 =	sld [smem:$0x3F96]  }
0x1a: {  	s8 =	sadd.s32 $0xFFFFE003, lr  }
0x1b: {  	s9 =	sadd.s32 $0xFFFFFEF7, lr;
	s5 =	simm.s32 $0xFFFFFFFF;
	p2 =	slt.u32 s8, $0xFFFFF086  }
0x1c: {  	p1 =	slt.u32 s9, $0xF7A;
	s5 =	simm.s32 @!p2 $0x0  }
0x1d: {  	s5 =	simm.s32 @p1 $0x1;
	p0 =	seq.s32 s7, s2  }
0x1e: {  	s7 =	smul.u32 @!p0 $0xF7A, s2;
	p2 =	seq.s32 @!p0 s5, $0x0  }
0x1f: {  	s9 =	smul.u32 $0xF7A, s1;
	s8 =	simm.s32 @!p0 $0x1BF5;
	p2 =	por !p2, p0  }
0x20: {  	[sflag:s8] =	ssyncset.s32 @!p0 $0xFFFFF086;
	s6 =	sadd.s32 @!p0 s3, s7;
	s7 =	simm.s32 @!p0 $0x108  }
0x21: {  	s3 =	sadd.s32 s3, s9;
	s6 =	sadd.s32 @!p0 $0x88, s6;
	s7 =	simm.s32 @p2 $0x1082  }
0x22: {  	[simem:s7], [sflag:s8] =	dma.local @!p0 [hbm:s6], $0xF7A  }
0x23: {  	s9 =	sor.u32 $0xD0000000, s2;
	s6 =	simm.s32 $0x108;
	_ =	swait.ge @!p0 [sflag:s8], $0x0  }
0x24: {  	s3 =	sadd.s32 $0x88, s3;
	s6 =	simm.s32 @!p1 $0x1082;
	[sflag:s4] =	ssyncset.s32 $0xFFFFF086  }
0x25: {  	[simem:s6], [sflag:s4] =	dma.local [hbm:s3], $0xF7A  }
0x26: {  	[smem:$0x3F96] =	sst s1;
	(tag) =	ssettag s2;
	_ =	strace s9  }
0x27: {  	s1 =	sld [smem:$0x3FA6]  }
0x28: {  	s2 =	sld [smem:$0x3FA7]  }
0x29: {  	s4 =	sld [smem:$0x3FA9]  }
0x2a: {  	p0 =	seq.s32 s5, $0x0;
	s5 =	sld [smem:$0x3FAA]  }
0x2b: {  	s6 =	sld [smem:$0x3FAB]  }
0x2c: {  	s7 =	sld [smem:$0x3FAC]  }
0x2d: {  	s3 =	simm.s32 $0x108;
	s8 =	sld [smem:$0x3FAD]  }
0x2e: {  	s3 =	simm.s32 @!p0 $0x1082;
	s9 =	sld [smem:$0x3FAE]  }
0x2f: {  	lr =	sadd.s32 s0, s3;
	s0 =	sld [smem:$0x3FA5]  }
0x30: {  	s3 =	sld [smem:$0x3FA8]  }
0x31: {  	[smem:$0x3FB1] =	sst s10  }
0x32: {  	s10 =	sld [smem:$0x3FAF];
	_ =	sdelay $0x3  }
0x33: {  	p0 =	seq.s32 s10, $0x1;
	s10 =	sld [smem:$0x3FB1];
	_ =	sdelay $0x3  }
0x34: {  	[smem:$0x3FB1] =	sst s10  }
0x35: {  	s10 =	sld [smem:$0x3FB0];
	_ =	sdelay $0x3  }
0x36: {  	p1 =	seq.s32 s10, $0x1;
	s10 =	sld [smem:$0x3FB1];
	_ =	sdelay $0x3  }
0x37: {  	[smem:$0x3FB1] =	sst s10  }
0x38: {  	s10 =	sld [smem:$0x3FB2]  }
0x39: {  	_ = 	snop;
	(pc) =	sbr.ind lr, $3  }
0x3a: {  	_ = 	snop  }
0x3b: {  	_ = 	snop  }
0x3c: {  	p2 =	seq.s32 s10, $0x1;
	s10 =	sld [smem:$0x3FB1]  }
0x3d: {  	_ =	shalt  }
0x3e: {  	_ =	shalt  }
0x3f: {  	_ =	shalt  }
0x40: {  	_ =	shalt  }
0x41: {  	_ =	shalt  }
0x42: {  	_ =	shalt  }
0x43: {  	_ =	shalt  }
0x44: {  	_ =	shalt  }
0x45: {  	_ =	shalt  }
0x46: {  	_ =	shalt  }
0x47: {  	_ =	shalt  }
0x48: {  	_ =	shalt  }
0x49: {  	_ =	shalt  }
0x4a: {  	_ =	shalt  }
0x4b: {  	_ =	shalt  }
0x4c: {  	_ =	shalt  }
0x4d: {  	_ =	shalt  }
0x4e: {  	_ =	shalt  }
0x4f: {  	_ =	shalt  }
0x50: {  	_ =	shalt  }
0x51: {  	_ =	shalt  }
0x52: {  	_ =	shalt  }
0x53: {  	_ =	shalt  }
0x54: {  	_ =	shalt  }
0x55: {  	_ =	shalt  }
0x56: {  	_ =	shalt  }
0x57: {  	_ =	shalt  }
0x58: {  	_ =	shalt  }
0x59: {  	_ =	shalt  }
0x5a: {  	_ =	shalt  }
0x5b: {  	_ =	shalt  }
0x5c: {  	_ =	shalt  }
0x5d: {  	_ =	shalt  }
0x5e: {  	_ =	shalt  }
0x5f: {  	_ =	shalt  }
0x60: {  	_ =	shalt  }
0x61: {  	_ =	shalt  }
0x62: {  	_ =	shalt  }
0x63: {  	_ =	shalt  }
0x64: {  	_ =	shalt  }
0x65: {  	_ =	shalt  }
0x66: {  	_ =	shalt  }
0x67: {  	_ =	shalt  }
0x68: {  	_ =	shalt  }
0x69: {  	_ =	shalt  }
0x6a: {  	_ =	shalt  }
0x6b: {  	_ =	shalt  }
0x6c: {  	_ =	shalt  }
0x6d: {  	_ =	shalt  }
0x6e: {  	_ =	shalt  }
0x6f: {  	_ =	shalt  }
0x70: {  	_ =	shalt  }
0x71: {  	_ =	shalt  }
0x72: {  	_ =	shalt  }
0x73: {  	_ =	shalt  }
0x74: {  	_ =	shalt  }
0x75: {  	_ =	shalt  }
0x76: {  	_ =	shalt  }
0x77: {  	_ =	shalt  }
0x78: {  	_ =	shalt  }
0x79: {  	_ =	shalt  }
0x7a: {  	_ =	shalt  }
0x7b: {  	_ =	shalt  }
0x7c: {  	_ =	shalt  }
0x7d: {  	_ =	shalt  }
0x7e: {  	_ =	shalt  }
0x7f: {  	_ =	shalt  }
0x80: {  	_ =	shalt  }
0x81: {  	_ =	shalt  }
0x82: {  	_ =	shalt  }
0x83: {  	_ =	shalt  }
0x84: {  	_ =	shalt  }
0x85: {  	_ =	shalt  }
0x86: {  	_ =	shalt  }
0x87: {  	_ =	shalt  }
.Lfunc_end0:
.L_simem_size_0:
called_computation.1_lowered:
.L_overlay_start_0:
0x88: {  	s2 =	sld [smem:$0x3FD9]  }
0x89: {  	s3 =	sld [smem:$0x3FFE];
	_ =	sdelay $0x1  }
0x8a: {  	s1 =	srdreg.scid  }
0x8b: {  	s0 =	sand.u32 $0x1, s1  }
0x8c: {  	s16 =	sshll.u32 s0, $0xA;
	s2 =	sadd.s32 s3, s2  }
0x8d: {  	s2 =	sadd.s32 s2, s16  }
0x8e: {  	[smem:$0x3FBD] =	sst s2  }
0x8f: {  	_ = 	snop  }
0x90: {  	(tm) =	ssettm $0x1  }
0x91: {  	s17 =	sld [smem:$0x3FFB];
	_ =	sdelay $0x3  }
0x92: {  	_ =	strace s17  }
0x93: {  	s2 =	sld [smem:$0x3FFC];
	_ =	sdelay $0x3  }
0x94: {  	_ =	strace s2  }
0x95: {  	s2 =	sld [smem:$0x3FFD];
	_ =	sdelay $0x3  }
0x96: {  	_ =	strace s2  }
0x97: {  	_ =	strace $0x8FFFFFFF  }
0x98: {  	s18 =	sld [smem:$0x3FDB];
	_ =	sdelay $0x1  }
0x99: {  	s19 =	simm.s32 $_scs_section_size  }
0x9a: {  	s4 =	simm.s32 $_size__tile_overlayer_lowered;
	s5 =	simm.s32 $_tile_overlayer_lowered  }
0x9b: {  	s22 =	simm.s32 $0x1BFF;
	s21 =	sshll.u32 s5, $0x1;
	s2 =	sadd.s32 s19, s18  }
0x9c: {  	s6 =	simm.s32 $0x0;
	s20 =	sshll.u32 s4, $0x1;
	s4 =	sadd.s32 s21, s2  }
0x9d: {  	[timem:s6], [sflag:s22] =	dma.local [hbm:s4], s20  }
0x9e: {  	_ =	swait.ge [sflag:s22], s20  }
0x9f: {  	s3 =	ssub.s32 $0x0, s20;
	[sflag:s22] =	ssyncset.done $0x0  }
0xa0: {  	[sflag:s22] =	ssyncadd.s32 s3;
	_ =	sdelay $0x1  }
0xa1: {  	s23 =	simm.s32 $0x1B8B  }
0xa2: {  	_ =	swait.ge [sflag:s23], $0x1  }
0xa3: {  	[sflag:s23] =	ssyncset.done $0x0  }
0xa4: {  	s25 =	simm.s32 $0x1B8E;
	s24 =	sld [smem:$0x3FFE];
	[sflag:s23] =	ssyncadd.s32 $0xFFFFFFFF  }
0xa5: {  	s26 =	simm.s32 $execute0_lowered;
	[smem:$0x3FD2] =	sst s25  }
0xa6: {  	s4 =	sshll.u32 s26, $0x1;
	_ =	strace $0x80000049;
	[dreg:$0x1] =	wrdreg $0xFFFFFFFF  }
0xa7: {  	s28 =	simm.s32 $_size_execute0_lowered;
	s2 =	sadd.s32 s2, s4;
	[dreg:$0x0] =	wrdreg $0x0  }
0xa8: {  	s4 =	sshll.u32 s28, $0x1;
	[dreg:$0x2] =	wrdreg s2  }
0xa9: {  	[dreg:$0x3] =	wrdreg s4  }
0xaa: {  	[dreg:$0x4] =	wrdreg $0xC0  }
0xab: {  	_ =	task [dreg:s6], $0x5FFFF  }
0xac: {  	[dreg:$0x1] =	wrdreg $0xFFFFFFFF  }
0xad: {  	[dreg:$0x0] =	wrdreg $0x60  }
0xae: {  	[dreg:$0x2] =	wrdreg s24  }
0xaf: {  	[dreg:$0x3] =	wrdreg $0xB8000  }
0xb0: {  	[dreg:$0x4] =	wrdreg $0x9  }
0xb1: {  	_ =	task.clear_ibuf [dreg:s6], $0x5FFFF;
	_ =	strace $0x90000049  }
0xb2: {  	s29 =	simm.s32 $0x9;
	_ =	strace $0x8000004B  }
0xb3: {  	_ =	swait.ge [sflag:s29], $0x1  }
0xb4: {  	[sflag:s29] =	ssyncadd.s32 $0xFFFFFFFF  }
0xb5: {  	_ =	strace $0x9000004B  }
0xb6: {  	_ =	sfence  }
0xb7: {  	s30 =	sld [smem:$0x0];
	_ =	sdelay $0x2  }
0xb8: {  	s31 =	sshll.u32 s1, $0xD;
	s1 =	sshrl.u32 s1, $0x2  }
0xb9: {  	s3 =	sand.u32 $0x4000, s31;
	s1 =	sadd.s32 s1, s30  }
0xba: {  	s0 =	sor.u32 s3, s0;
	s1 =	sshll.u32 s1, $0x11  }
0xbb: {  	s0 =	sor.u32 s1, s0  }
0xbc: {  	s0 =	sadd.s32 $0x8F2B, s0  }
0xbd: {  	[sflag:s0] =	ssyncadd.remote.s32 $0x1  }
0xbe: {  	_ =	sfence.sel $0xFFFF  }
0xbf: {  	[dreg:$0x0] =	wrdreg $0xFFFFFFFF;
	(pc) =	sbr.abs _section_cstart, $3  }
0xc0: {  	[dreg:$0x1] =	wrdreg $0xFFFFFFFF  }
0xc1: {  	_ =	task.clear_ibuf [dreg:s6], $0x2FFFF;
	_ =	strace $0x9FFFFFFF  }
0xc2: {  	(tm) =	ssettm $0x7FFFFFFF  }
0xc3: {  	_ =	shalt  }
tec
execute0_lowered:
.L_overlay_start_1:
0x0: {  	(tag) =	ssettag $0x1  }
0x1: {  	s0 =	rddreg [dreg:$0x0]  }
0x2: {  	s2 =	rddreg [dreg:$0x1]  }
0x3: {  	s10 =	stileid.u32;
	s1 =	srdreg.scid;
	s3 =	simm.s32 $0x0  }
0x4: {  	s28 =	simm.s32 $0xC0;
	s29 =	simm.s32 $0x9800;
	s30 =	simm.s32 $0x1  }
0x5: {  	s31 =	simm.s32 $0x2;
	s14 =	simm.s32 $0x6;
	s6 =	smul.u32 $0x280, s10  }
0x6: {  	s15 =	simm.s32 $0x3700;
	s16 =	simm.s32 $0x3780;
	s8 =	smul.u32 $0xA80, s10  }
0x7: {  	s17 =	simm.s32 $0x0;
	s1 =	sand.u32 $0x1, s1;
	s19 =	smul.u32 $0x50000, s10  }
0x8: {  	[smem:$0x7FF] =	sst s3;
	s4 =	sadd.s32 $0x22A00, s0;
	s12 =	smul.u32 $0x5400, s10  }
0x9: {  	s5 =	sadd.s32 $0xDA00, s0;
	s9 =	sadd.s32 $0x72A00, s0;
	s7 =	smul.u32 $0x2800, s1  }
0xa: {  	_ =	strace $0x8000004A;
	[dreg:$0x3] =	wrdreg s9;
	s20 =	ssub.s32 $0x2, s1  }
0xb: {  	s1 =	smul.u32 $0x54000, s1;
	s6 =	sadd.s32 s6, s7;
	s7 =	sshrl.u32 s19, $0x2  }
0xc: {  	s8 =	sadd.s32 s8, s0;
	s21 =	sshrl.u32 s20, $0x1;
	s11 =	sadd.s32 s7, s2  }
0xd: {  	s12 =	sadd.s32 s12, s1;
	s6 =	sshll.u32 s6, $0x4;
	s19 =	sadd.s32 $0xC000, s11  }
0xe: {  	s0 =	sadd.s32 s6, s0;
	s7 =	sadd.s32 $0x10000, s11;
	[dreg:$0x4] =	wrdreg s19  }
0xf: {  	s13 =	sadd.s32 $0x2A00, s8;
	s22 =	sadd.s32 $0x73200, s0;
	[dreg:$0x5] =	wrdreg s7  }
0x10: {  	s1 =	simm.s32 $0x3;
	s23 =	sadd.s32 $0x73A00, s0;
	[dreg:$0x6] =	wrdreg s22  }
0x11: {  	s6 =	ssub.s32 s20, s21;
	s24 =	sadd.s32 $0x74200, s0;
	[dreg:$0x7] =	wrdreg s23  }
0x12: {  	s9 =	sadd.s32 $0x4000, s11;
	s25 =	sadd.s32 $0x74A00, s0;
	[dreg:$0x8] =	wrdreg s24  }
0x13: {  	s18 =	sadd.s32 $0x8000, s11;
	s0 =	sadd.s32 $0x75200, s0;
	[dreg:$0x9] =	wrdreg s25  }
0x14: {  	s20 =	simm.s32 $0x3800;
	s26 =	smax.u32 s6, $0x1;
	[dreg:$0xa] =	wrdreg s0  }
0x15: {  	s21 =	simm.s32 $0x7;
	s6 =	simm.s32 $0x4;
	[dreg:$0xb] =	wrdreg s26  }
0x16: {  	s22 =	simm.s32 $0x1C00;
	s23 =	simm.s32 $0x40;
	s24 =	simm.s32 $0x5800  }
0x17: {  	s25 =	simm.s32 $0x80;
	s26 =	simm.s32 $0x7800;
	s0 =	simm.s32 $0x5  }
.LBB2_1:
0x18: {  	s8 =	rddreg [dreg:$0x3]  }
0x19: {  	[tilespmem:s20], [sflag:$0x7] =	stream.linear.gather [hbm4b:s8+s3], $0x4000, $0x38;
	[tilespmem:$0x1F800] =	vst v63  }
0x1a: {  	_ =	swait.ge [sflag:s21], $0x4000  }
0x1b: {  	[sflag:s21] =	ssyncset.done $0x0  }
0x1c: {  	[sflag:s21] =	ssyncadd.s32 $0xFFFFC000  }
0x1d: {  	[spmem:s11] =	stream.linear.scatter [tilespmem:s20], [sflag:$0x7], $0x4000, $0x38;
	[tilespmem:$0x1F800] =	vst v63  }
0x1e: {  	_ =	swait.ge [sflag:s21], $0x4000  }
0x1f: {  	[sflag:s21] =	ssyncset.done $0x0  }
0x20: {  	[sflag:s21] =	ssyncadd.s32 $0xFFFFC000  }
0x21: {  	[spmem:s9] =	stream.linear.scatter [tilespmem:s20], [sflag:$0x7], $0x4000, $0x38;
	[tilespmem:$0x1F800] =	vst v63  }
0x22: {  	_ =	swait.ge [sflag:s21], $0x4000  }
0x23: {  	[sflag:s21] =	ssyncset.done $0x0  }
0x24: {  	[sflag:s21] =	ssyncadd.s32 $0xFFFFC000  }
0x25: {  	[spmem:s18] =	stream.linear.scatter [tilespmem:s20], [sflag:$0x7], $0x4000, $0x38;
	[tilespmem:$0x1F800] =	vst v63  }
0x26: {  	_ =	swait.ge [sflag:s21], $0x4000  }
0x27: {  	[sflag:s21] =	ssyncset.done $0x0  }
0x28: {  	[sflag:s21] =	ssyncadd.s32 $0xFFFFC000  }
0x29: {  	[spmem:s19] =	stream.linear.scatter [tilespmem:s20], [sflag:$0x7], $0x4000, $0x38;
	[tilespmem:$0x1F800] =	vst v63  }
0x2a: {  	_ =	swait.ge [sflag:s21], $0x4000  }
0x2b: {  	[sflag:s21] =	ssyncset.done $0x0  }
0x2c: {  	s8 =	smov.u32 s7;
	[sflag:s21] =	ssyncadd.s32 $0xFFFFC000  }
0x2d: {  	[spmem:s8] =	stream.linear.scatter [tilespmem:s20], [sflag:$0x7], $0x4000, $0x38;
	[tilespmem:$0x1F800] =	vst v63  }
0x2e: {  	_ =	swait.ge [sflag:s21], $0x4000  }
0x2f: {  	[sflag:s21] =	ssyncset.done $0x0  }
0x30: {  	s10 =	smov.u32 s9;
	s7 =	smov.u32 s11;
	[sflag:s21] =	ssyncadd.s32 $0xFFFFC000  }
0x31: {  	s11 =	smov.u32 s18;
	s18 =	simm.s32 $0x0;
	[bflag:$0x0] =	sbarrier.arrive $0xFFFF  }
.LBB2_2:
0x32: {  	s8 =	smul.u32 $0x1C00, s18;
	_ =	sdelay $0x1  }
0x33: {  	s8 =	sadd.s32 s8, s12  }
0x34: {  	s8 =	sshrl.u32 s8, $0x3  }
0x35: {  	s19 =	simm.s32 $0x0;
	s8 =	sadd.s32 s5, s8  }
0x36: {  	[tilespmem:s19], [sflag:$0x7] =	stream.linear.gather [hbm4b:s8+s19], $0x1C00, $0x38;
	[tilespmem:$0x1F800] =	vst v63  }
0x37: {  	s9 =	smul.u32 $0x380, s18;
	_ =	swait.ge [sflag:s21], $0x1C00  }
0x38: {  	[sflag:s21] =	ssyncset.done $0x0  }
0x39: {  	s8 =	sadd.s32 s13, s9;
	[sflag:s21] =	ssyncadd.s32 $0xFFFFE400  }
0x3a: {  	[tilespmem:s22], [sflag:$0x7] =	stream.linear.gather [hbm4b:s8+s19], $0x1C00, $0x38;
	[tilespmem:$0x1F800] =	vst v63  }
0x3b: {  	_ =	swait.ge [sflag:s21], $0x1C00  }
0x3c: {  	[sflag:s21] =	ssyncset.done $0x0  }
0x3d: {  	[sflag:s21] =	ssyncadd.s32 $0xFFFFE400  }
0x3e: {  	[tilespmem:s20], [sflag:$0x1] =	stream.indirect.gather [hbm4b:s4+s23], $0x80, s19, s23, $0xb8;
	[tilespmem:$0x1F800] =	vst v63  }
0x3f: {  	_ = 	snop  }
0x40: {  	[tilespmem:s24], [sflag:$0x2] =	stream.indirect.gather [hbm4b:s4+s23], $0x80, s23, s23, $0xb8;
	[tilespmem:$0x1F800] =	vst v63  }
0x41: {  	_ = 	snop  }
0x42: {  	[tilespmem:s26], [sflag:$0x3] =	stream.indirect.gather [hbm4b:s4+s23], $0x80, s25, s23, $0xb8;
	[tilespmem:$0x1F800] =	vst v63  }
0x43: {  	_ = 	snop  }
0x44: {  	[tilespmem:s29], [sflag:$0x4] =	stream.indirect.gather [hbm4b:s4+s23], $0x80, s28, s23, $0xb8;
	[tilespmem:$0x1F800] =	vst v63  }
0x45: {  	_ =	swait.ge [sflag:s30], $0x2000  }
0x46: {  	[sflag:s30] =	ssyncset.done $0x0  }
0x47: {  	[sflag:s30] =	ssyncadd.s32 $0xFFFFE000  }
0x48: {  	_ =	swait.ge [sflag:s31], $0x2000  }
0x49: {  	[sflag:s31] =	ssyncset.done $0x0  }
0x4a: {  	s19 =	simm.s32 $0x1C00;
	[sflag:s31] =	ssyncadd.s32 $0xFFFFE000  }
0x4b: {  	[spmem:s2] =	stream.indirect.scatter.add.f32 [tilespmem:s20], [sflag:$0x5], $0x80, s19, s25, $0xb8;
	[tilespmem:$0x1F800] =	vst v63  }
0x4c: {  	_ =	swait.ge [sflag:s0], $0x4000  }
0x4d: {  	[sflag:s0] =	ssyncset.done $0x0  }
0x4e: {  	s9 =	simm.s32 $0x100;
	[sflag:s0] =	ssyncadd.s32 $0xFFFFC000  }
0x4f: {  	[tilespmem:s20], [sflag:$0x1] =	stream.indirect.gather [hbm4b:s4+s23], $0x80, s9, s23, $0xb8;
	[tilespmem:$0x1F800] =	vst v63  }
0x50: {  	s19 =	simm.s32 $0x140  }
0x51: {  	[tilespmem:s24], [sflag:$0x2] =	stream.indirect.gather [hbm4b:s4+s23], $0x80, s19, s23, $0xb8;
	[tilespmem:$0x1F800] =	vst v63  }
0x52: {  	_ =	swait.ge [sflag:s1], $0x2000  }
0x53: {  	[sflag:s1] =	ssyncset.done $0x0  }
0x54: {  	[sflag:s1] =	ssyncadd.s32 $0xFFFFE000  }
0x55: {  	_ =	swait.ge [sflag:s6], $0x2000  }
0x56: {  	[sflag:s6] =	ssyncset.done $0x0  }
0x57: {  	s9 =	simm.s32 $0x1C80;
	[sflag:s6] =	ssyncadd.s32 $0xFFFFE000  }
0x58: {  	[spmem:s2] =	stream.indirect.scatter.add.f32 [tilespmem:s26], [sflag:$0x6], $0x80, s9, s25, $0xb8;
	[tilespmem:$0x1F800] =	vst v63  }
0x59: {  	_ =	swait.ge [sflag:s14], $0x4000  }
0x5a: {  	[sflag:s14] =	ssyncset.done $0x0  }
0x5b: {  	s19 =	simm.s32 $0x180;
	[sflag:s14] =	ssyncadd.s32 $0xFFFFC000  }
0x5c: {  	[tilespmem:s26], [sflag:$0x3] =	stream.indirect.gather [hbm4b:s4+s23], $0x80, s19, s23, $0xb8;
	[tilespmem:$0x1F800] =	vst v63  }
0x5d: {  	s8 =	simm.s32 $0x1C0;
	s19 =	simm.s32 $0x400  }
.LBB2_3:
0x5e: {  	[tilespmem:s29], [sflag:$0x4] =	stream.indirect.gather [hbm4b:s4+s23], $0x80, s8, s23, $0xb8;
	[tilespmem:$0x1F800] =	vst v63  }
0x5f: {  	s8 =	smov.u32 s19  }
0x60: {  	p0 =	sne.s32 s19, $0x6800;
	s19 =	sadd.s32 $0x400, s19;
	_ =	swait.ge [sflag:s30], $0x2000  }
0x61: {  	[sflag:s30] =	ssyncset.done $0x0  }
0x62: {  	[sflag:s30] =	ssyncadd.s32 $0xFFFFE000  }
0x63: {  	_ =	swait.ge [sflag:s31], $0x2000  }
0x64: {  	s8 =	sshra.s32 s8, $0x2;
	[sflag:s31] =	ssyncset.done $0x0  }
0x65: {  	s9 =	sadd.s32 $0x1C00, s8;
	[sflag:s31] =	ssyncadd.s32 $0xFFFFE000  }
0x66: {  	[spmem:s2] =	stream.indirect.scatter.add.f32 [tilespmem:s20], [sflag:$0x5], $0x80, s9, s25, $0xb8;
	[tilespmem:$0x1F800] =	vst v63  }
0x67: {  	_ =	swait.ge [sflag:s0], $0x4000  }
0x68: {  	[sflag:s0] =	ssyncset.done $0x0  }
0x69: {  	s9 =	sadd.s32 $0x100, s8;
	[sflag:s0] =	ssyncadd.s32 $0xFFFFC000  }
0x6a: {  	[tilespmem:s20], [sflag:$0x1] =	stream.indirect.gather [hbm4b:s4+s23], $0x80, s9, s23, $0xb8;
	[tilespmem:$0x1F800] =	vst v63  }
0x6b: {  	s9 =	sadd.s32 $0x140, s8  }
0x6c: {  	[tilespmem:s24], [sflag:$0x2] =	stream.indirect.gather [hbm4b:s4+s23], $0x80, s9, s23, $0xb8;
	[tilespmem:$0x1F800] =	vst v63  }
0x6d: {  	_ =	swait.ge [sflag:s1], $0x2000  }
0x6e: {  	[sflag:s1] =	ssyncset.done $0x0  }
0x6f: {  	[sflag:s1] =	ssyncadd.s32 $0xFFFFE000  }
0x70: {  	_ =	swait.ge [sflag:s6], $0x2000  }
0x71: {  	[sflag:s6] =	ssyncset.done $0x0  }
0x72: {  	s9 =	sadd.s32 $0x1C80, s8;
	[sflag:s6] =	ssyncadd.s32 $0xFFFFE000  }
0x73: {  	[spmem:s2] =	stream.indirect.scatter.add.f32 [tilespmem:s26], [sflag:$0x6], $0x80, s9, s25, $0xb8;
	[tilespmem:$0x1F800] =	vst v63  }
.Ltmp0:
0x74: {  	_ =	swait.ge [sflag:s14], $0x4000;
	(pc) =	sbr.rel @p0 .LBB2_3-.Ltmp0, $4  }
0x75: {  	[sflag:s14] =	ssyncset.done $0x0  }
0x76: {  	s9 =	sadd.s32 $0x180, s8;
	[sflag:s14] =	ssyncadd.s32 $0xFFFFC000  }
0x77: {  	[tilespmem:s26], [sflag:$0x3] =	stream.indirect.gather [hbm4b:s4+s23], $0x80, s9, s23, $0xb8;
	[tilespmem:$0x1F800] =	vst v63  }
0x78: {  	s8 =	sadd.s32 $0x1C0, s8  }
0x79: {  	[tilespmem:s29], [sflag:$0x4] =	stream.indirect.gather [hbm4b:s4+s23], $0x80, s8, s23, $0xb8;
	[tilespmem:$0x1F800] =	vst v63  }
0x7a: {  	_ =	swait.ge [sflag:s30], $0x2000  }
0x7b: {  	[sflag:s30] =	ssyncset.done $0x0  }
0x7c: {  	[sflag:s30] =	ssyncadd.s32 $0xFFFFE000  }
0x7d: {  	_ =	swait.ge [sflag:s31], $0x2000  }
0x7e: {  	[sflag:s31] =	ssyncset.done $0x0  }
0x7f: {  	[sflag:s31] =	ssyncadd.s32 $0xFFFFE000  }
0x80: {  	[spmem:s2] =	stream.indirect.scatter.add.f32 [tilespmem:s20], [sflag:$0x5], $0x80, s15, s25, $0xb8;
	[tilespmem:$0x1F800] =	vst v63  }
0x81: {  	_ =	swait.ge [sflag:s1], $0x2000  }
0x82: {  	[sflag:s1] =	ssyncset.done $0x0  }
0x83: {  	[sflag:s1] =	ssyncadd.s32 $0xFFFFE000  }
0x84: {  	_ =	swait.ge [sflag:s6], $0x2000  }
0x85: {  	[sflag:s6] =	ssyncset.done $0x0  }
0x86: {  	s18 =	sadd.s32 $0x1, s18;
	[sflag:s6] =	ssyncadd.s32 $0xFFFFE000  }
0x87: {  	[spmem:s2] =	stream.indirect.scatter.add.f32 [tilespmem:s26], [sflag:$0x6], $0x80, s16, s25, $0xb8;
	[tilespmem:$0x1F800] =	vst v63  }
0x88: {  	p0 =	sne.s32 s18, $0x3;
	_ =	swait.ge [sflag:s0], $0x4000  }
.Ltmp1:
0x89: {  	[sflag:s0] =	ssyncset.done $0x0;
	(pc) =	sbr.rel @p0 .LBB2_2-.Ltmp1, $4  }
0x8a: {  	[sflag:s0] =	ssyncadd.s32 $0xFFFFC000  }
0x8b: {  	_ =	swait.ge [sflag:s14], $0x4000  }
0x8c: {  	[sflag:s14] =	ssyncset.done $0x0  }
0x8d: {  	[sflag:s14] =	ssyncadd.s32 $0xFFFFC000  }
0x8e: {  	[bflag:$0x0] =	sbarrier.arrive $0xFFFF  }
0x8f: {  	[tilespmem:s20], [sflag:$0x7] =	stream.linear.gather [spmem:s7], $0x4000, $0x38;
	[tilespmem:$0x1F800] =	vst v63  }
0x90: {  	_ =	swait.ge [sflag:s21], $0x4000  }
0x91: {  	[sflag:s21] =	ssyncset.done $0x0  }
0x92: {  	s8 =	rddreg [dreg:$0x6];
	[sflag:s21] =	ssyncadd.s32 $0xFFFFC000  }
0x93: {  	[hbm4b:s8+s3] =	stream.linear.scatter [tilespmem:s20], [sflag:$0x7], $0x4000, $0x38;
	[tilespmem:$0x1F800] =	vst v63  }
0x94: {  	_ =	swait.ge [sflag:s21], $0x4000  }
0x95: {  	[sflag:s21] =	ssyncset.done $0x0  }
0x96: {  	[sflag:s21] =	ssyncadd.s32 $0xFFFFC000  }
0x97: {  	[tilespmem:s20], [sflag:$0x7] =	stream.linear.gather [spmem:s10], $0x4000, $0x38;
	[tilespmem:$0x1F800] =	vst v63  }
0x98: {  	_ =	swait.ge [sflag:s21], $0x4000  }
0x99: {  	[sflag:s21] =	ssyncset.done $0x0  }
0x9a: {  	s18 =	rddreg [dreg:$0x7];
	[sflag:s21] =	ssyncadd.s32 $0xFFFFC000  }
0x9b: {  	[hbm4b:s18+s3] =	stream.linear.scatter [tilespmem:s20], [sflag:$0x7], $0x4000, $0x38;
	[tilespmem:$0x1F800] =	vst v63  }
0x9c: {  	_ =	swait.ge [sflag:s21], $0x4000  }
0x9d: {  	[sflag:s21] =	ssyncset.done $0x0  }
0x9e: {  	[sflag:s21] =	ssyncadd.s32 $0xFFFFC000  }
0x9f: {  	[tilespmem:s20], [sflag:$0x7] =	stream.linear.gather [spmem:s11], $0x4000, $0x38;
	[tilespmem:$0x1F800] =	vst v63  }
0xa0: {  	_ =	swait.ge [sflag:s21], $0x4000  }
0xa1: {  	[sflag:s21] =	ssyncset.done $0x0  }
0xa2: {  	s19 =	rddreg [dreg:$0x8];
	[sflag:s21] =	ssyncadd.s32 $0xFFFFC000  }
0xa3: {  	[hbm4b:s19+s3] =	stream.linear.scatter [tilespmem:s20], [sflag:$0x7], $0x4000, $0x38;
	[tilespmem:$0x1F800] =	vst v63  }
0xa4: {  	_ =	swait.ge [sflag:s21], $0x4000  }
0xa5: {  	[sflag:s21] =	ssyncset.done $0x0  }
0xa6: {  	s19 =	rddreg [dreg:$0x4];
	[sflag:s21] =	ssyncadd.s32 $0xFFFFC000  }
0xa7: {  	[tilespmem:s20], [sflag:$0x7] =	stream.linear.gather [spmem:s19], $0x4000, $0x38;
	[tilespmem:$0x1F800] =	vst v63  }
0xa8: {  	_ =	swait.ge [sflag:s21], $0x4000  }
0xa9: {  	[sflag:s21] =	ssyncset.done $0x0  }
0xaa: {  	s8 =	rddreg [dreg:$0x9];
	[sflag:s21] =	ssyncadd.s32 $0xFFFFC000  }
0xab: {  	[hbm4b:s8+s3] =	stream.linear.scatter [tilespmem:s20], [sflag:$0x7], $0x4000, $0x38;
	[tilespmem:$0x1F800] =	vst v63  }
0xac: {  	_ =	swait.ge [sflag:s21], $0x4000  }
0xad: {  	s18 =	smov.u32 s11;
	[sflag:s21] =	ssyncset.done $0x0  }
0xae: {  	s11 =	smov.u32 s7;
	s7 =	rddreg [dreg:$0x5];
	[sflag:s21] =	ssyncadd.s32 $0xFFFFC000  }
0xaf: {  	[tilespmem:s20], [sflag:$0x7] =	stream.linear.gather [spmem:s7], $0x4000, $0x38;
	[tilespmem:$0x1F800] =	vst v63  }
0xb0: {  	_ =	swait.ge [sflag:s21], $0x4000  }
0xb1: {  	[sflag:s21] =	ssyncset.done $0x0  }
0xb2: {  	s9 =	smov.u32 s10;
	s10 =	rddreg [dreg:$0xa];
	[sflag:s21] =	ssyncadd.s32 $0xFFFFC000  }
0xb3: {  	[hbm4b:s10+s3] =	stream.linear.scatter [tilespmem:s20], [sflag:$0x7], $0x4000, $0x38;
	[tilespmem:$0x1F800] =	vst v63  }
0xb4: {  	_ =	swait.ge [sflag:s21], $0x4000  }
0xb5: {  	s17 =	sadd.s32 $0x1, s17;
	s10 =	rddreg [dreg:$0xb]  }
0xb6: {  	p0 =	sne.s32 s17, s10  }
.Ltmp2:
0xb7: {  	_ = 	snop;
	(pc) =	sbr.rel @p0 .LBB2_1-.Ltmp2, $3  }
0xb8: {  	_ =	sdelay $0x1  }
0xb9: {  	[sflag:s21] =	ssyncset.done $0x0  }
0xba: {  	[sflag:s21] =	ssyncadd.s32 $0xFFFFC000  }
0xbb: {  	_ =	sfence.sel $0x180000  }
0xbc: {  	[bflag:$0x0] =	sbarrier.arrive $0xFFFF  }
0xbd: {  	_ =	strace $0x9000004A  }
0xbe: {  	s0 =	stileid.u32;
	[bflag:$0x2] =	sbarrier.arrive $0xFFFF  }
0xbf: {  	p0 =	sne.s32 s0, $0x0;
	s0 =	rddreg [dreg:$0x2]  }
0xc0: {  	s0 =	sadd.s32 @!p0 $0x100000, s0  }
0xc1: {  	[sflag:s0] =	ssyncadd.tile.s32 @!p0 $0x1;
	_ =	shalt  }
.Lfunc_end2:
_tile_overlayer_lowered:
.L_overlay_start_2:
0xc2: {  	(tag) =	ssettag $0x2  }
0xc3: {  	s0 =	rddreg [dreg:$0x0];
	s2 =	stileid.u32  }
0xc4: {  	s1 =	rddreg [dreg:$0x1];
	p0 =	sne.s32 s2, $0x0  }
0xc5: {  	s3 =	rddreg [dreg:$0x2];
	[bflag:$0x3] =	sbarrier.arrive $0xFFFF;
	s2 =	simm.s32 @!p0 $0x1C07  }
0xc6: {  	[timem:s3], [sflag:s2] =	dma.local @!p0 [hbm:s0], s1  }
0xc7: {  	s0 =	simm.s32 @!p0 $0x7  }
0xc8: {  	_ =	swait.ge @!p0 [sflag:s0], s1  }
0xc9: {  	s1 =	ssub.s32 @!p0 $0x0, s1;
	[sflag:s0] =	ssyncset.done @!p0 $0x0  }
0xca: {  	[sflag:s0] =	ssyncadd.s32 @!p0 s1  }
0xcb: {  	[bflag:$0x3] =	sbarrier.arrive $0xFFFF  }
0xcc: {  	_ =	shalt  }

// kernel: kernel.16.cloned.1.call-start
scs
__scs_entry_jumppad:
0x0: {  	(pc) =	sbr.rel $0x88, $3  }
0x1: {  	(tag) =	ssettag $0x0;
	lr =	simm.s32 $0x1  }
0x2: {  	[smem:$0x3F96] =	sst lr;
	_ =	strace $0xD0000000  }
0x3: {  	_ = 	snop  }
0x4: {  	_ = 	snop  }
0x5: {  	_ = 	snop  }
0x6: {  	_ = 	snop  }
0x7: {  	_ = 	snop  }
__scs_overlays_trampoline_lowered:
0x8: {  	[smem:$0x3FA5] =	sst s0  }
0x9: {  	[smem:$0x3FA6] =	sst s1  }
0xa: {  	[smem:$0x3FA7] =	sst s2  }
0xb: {  	[smem:$0x3FA8] =	sst s3  }
0xc: {  	[smem:$0x3FA9] =	sst s4  }
0xd: {  	[smem:$0x3FAA] =	sst s5  }
0xe: {  	[smem:$0x3FAB] =	sst s6  }
0xf: {  	[smem:$0x3FAC] =	sst s7  }
0x10: {  	[smem:$0x3FAD] =	sst s8  }
0x11: {  	[smem:$0x3FAE] =	sst s9;
	s0 =	simm.s32 @!p0 $0x0  }
0x12: {  	s1 =	sld [smem:$0x3F94];
	s0 =	simm.s32 @p0 $0x1  }
0x13: {  	[smem:$0x3FAF] =	sst s0;
	s0 =	simm.s32 @!p1 $0x0  }
0x14: {  	s2 =	sld [smem:$0x3F93];
	s0 =	simm.s32 @p1 $0x1  }
0x15: {  	[smem:$0x3FB0] =	sst s0;
	s0 =	simm.s32 @!p2 $0x0  }
0x16: {  	s3 =	sld [smem:$0x3FDB];
	s0 =	simm.s32 @p2 $0x1  }
0x17: {  	s4 =	simm.s32 $0x1BF5;
	[smem:$0x3FB2] =	sst s0  }
0x18: {  	s0 =	sld [smem:$0x3F95];
	_ =	swait.ge [sflag:s4], $0x0  }
0x19: {  	s7 =	sld [smem:$0x3F96]  }
0x1a: {  	s8 =	sadd.s32 $0xFFFFE003, lr  }
0x1b: {  	s9 =	sadd.s32 $0xFFFFFEF7, lr;
	s5 =	simm.s32 $0xFFFFFFFF;
	p2 =	slt.u32 s8, $0xFFFFF086  }
0x1c: {  	p1 =	slt.u32 s9, $0xF7A;
	s5 =	simm.s32 @!p2 $0x0  }
0x1d: {  	s5 =	simm.s32 @p1 $0x1;
	p0 =	seq.s32 s7, s2  }
0x1e: {  	s7 =	smul.u32 @!p0 $0xF7A, s2;
	p2 =	seq.s32 @!p0 s5, $0x0  }
0x1f: {  	s9 =	smul.u32 $0xF7A, s1;
	s8 =	simm.s32 @!p0 $0x1BF5;
	p2 =	por !p2, p0  }
0x20: {  	[sflag:s8] =	ssyncset.s32 @!p0 $0xFFFFF086;
	s6 =	sadd.s32 @!p0 s3, s7;
	s7 =	simm.s32 @!p0 $0x108  }
0x21: {  	s3 =	sadd.s32 s3, s9;
	s6 =	sadd.s32 @!p0 $0x88, s6;
	s7 =	simm.s32 @p2 $0x1082  }
0x22: {  	[simem:s7], [sflag:s8] =	dma.local @!p0 [hbm:s6], $0xF7A  }
0x23: {  	s9 =	sor.u32 $0xD0000000, s2;
	s6 =	simm.s32 $0x108;
	_ =	swait.ge @!p0 [sflag:s8], $0x0  }
0x24: {  	s3 =	sadd.s32 $0x88, s3;
	s6 =	simm.s32 @!p1 $0x1082;
	[sflag:s4] =	ssyncset.s32 $0xFFFFF086  }
0x25: {  	[simem:s6], [sflag:s4] =	dma.local [hbm:s3], $0xF7A  }
0x26: {  	[smem:$0x3F96] =	sst s1;
	(tag) =	ssettag s2;
	_ =	strace s9  }
0x27: {  	s1 =	sld [smem:$0x3FA6]  }
0x28: {  	s2 =	sld [smem:$0x3FA7]  }
0x29: {  	s4 =	sld [smem:$0x3FA9]  }
0x2a: {  	p0 =	seq.s32 s5, $0x0;
	s5 =	sld [smem:$0x3FAA]  }
0x2b: {  	s6 =	sld [smem:$0x3FAB]  }
0x2c: {  	s7 =	sld [smem:$0x3FAC]  }
0x2d: {  	s3 =	simm.s32 $0x108;
	s8 =	sld [smem:$0x3FAD]  }
0x2e: {  	s3 =	simm.s32 @!p0 $0x1082;
	s9 =	sld [smem:$0x3FAE]  }
0x2f: {  	lr =	sadd.s32 s0, s3;
	s0 =	sld [smem:$0x3FA5]  }
0x30: {  	s3 =	sld [smem:$0x3FA8]  }
0x31: {  	[smem:$0x3FB1] =	sst s10  }
0x32: {  	s10 =	sld [smem:$0x3FAF];
	_ =	sdelay $0x3  }
0x33: {  	p0 =	seq.s32 s10, $0x1;
	s10 =	sld [smem:$0x3FB1];
	_ =	sdelay $0x3  }
0x34: {  	[smem:$0x3FB1] =	sst s10  }
0x35: {  	s10 =	sld [smem:$0x3FB0];
	_ =	sdelay $0x3  }
0x36: {  	p1 =	seq.s32 s10, $0x1;
	s10 =	sld [smem:$0x3FB1];
	_ =	sdelay $0x3  }
0x37: {  	[smem:$0x3FB1] =	sst s10  }
0x38: {  	s10 =	sld [smem:$0x3FB2]  }
0x39: {  	_ = 	snop;
	(pc) =	sbr.ind lr, $3  }
0x3a: {  	_ = 	snop  }
0x3b: {  	_ = 	snop  }
0x3c: {  	p2 =	seq.s32 s10, $0x1;
	s10 =	sld [smem:$0x3FB1]  }
0x3d: {  	_ =	shalt  }
0x3e: {  	_ =	shalt  }
0x3f: {  	_ =	shalt  }
0x40: {  	_ =	shalt  }
0x41: {  	_ =	shalt  }
0x42: {  	_ =	shalt  }
0x43: {  	_ =	shalt  }
0x44: {  	_ =	shalt  }
0x45: {  	_ =	shalt  }
0x46: {  	_ =	shalt  }
0x47: {  	_ =	shalt  }
0x48: {  	_ =	shalt  }
0x49: {  	_ =	shalt  }
0x4a: {  	_ =	shalt  }
0x4b: {  	_ =	shalt  }
0x4c: {  	_ =	shalt  }
0x4d: {  	_ =	shalt  }
0x4e: {  	_ =	shalt  }
0x4f: {  	_ =	shalt  }
0x50: {  	_ =	shalt  }
0x51: {  	_ =	shalt  }
0x52: {  	_ =	shalt  }
0x53: {  	_ =	shalt  }
0x54: {  	_ =	shalt  }
0x55: {  	_ =	shalt  }
0x56: {  	_ =	shalt  }
0x57: {  	_ =	shalt  }
0x58: {  	_ =	shalt  }
0x59: {  	_ =	shalt  }
0x5a: {  	_ =	shalt  }
0x5b: {  	_ =	shalt  }
0x5c: {  	_ =	shalt  }
0x5d: {  	_ =	shalt  }
0x5e: {  	_ =	shalt  }
0x5f: {  	_ =	shalt  }
0x60: {  	_ =	shalt  }
0x61: {  	_ =	shalt  }
0x62: {  	_ =	shalt  }
0x63: {  	_ =	shalt  }
0x64: {  	_ =	shalt  }
0x65: {  	_ =	shalt  }
0x66: {  	_ =	shalt  }
0x67: {  	_ =	shalt  }
0x68: {  	_ =	shalt  }
0x69: {  	_ =	shalt  }
0x6a: {  	_ =	shalt  }
0x6b: {  	_ =	shalt  }
0x6c: {  	_ =	shalt  }
0x6d: {  	_ =	shalt  }
0x6e: {  	_ =	shalt  }
0x6f: {  	_ =	shalt  }
0x70: {  	_ =	shalt  }
0x71: {  	_ =	shalt  }
0x72: {  	_ =	shalt  }
0x73: {  	_ =	shalt  }
0x74: {  	_ =	shalt  }
0x75: {  	_ =	shalt  }
0x76: {  	_ =	shalt  }
0x77: {  	_ =	shalt  }
0x78: {  	_ =	shalt  }
0x79: {  	_ =	shalt  }
0x7a: {  	_ =	shalt  }
0x7b: {  	_ =	shalt  }
0x7c: {  	_ =	shalt  }
0x7d: {  	_ =	shalt  }
0x7e: {  	_ =	shalt  }
0x7f: {  	_ =	shalt  }
0x80: {  	_ =	shalt  }
0x81: {  	_ =	shalt  }
0x82: {  	_ =	shalt  }
0x83: {  	_ =	shalt  }
0x84: {  	_ =	shalt  }
0x85: {  	_ =	shalt  }
0x86: {  	_ =	shalt  }
0x87: {  	_ =	shalt  }
.Lfunc_end0:
.L_simem_size_0:
called_computation.2_lowered:
.L_overlay_start_0:
0x88: {  	s2 =	sld [smem:$0x3FD9]  }
0x89: {  	s3 =	sld [smem:$0x3FFE];
	_ =	sdelay $0x1  }
0x8a: {  	s1 =	srdreg.scid  }
0x8b: {  	s0 =	sand.u32 $0x1, s1  }
0x8c: {  	s16 =	sshll.u32 s0, $0xA;
	s2 =	sadd.s32 s3, s2  }
0x8d: {  	s2 =	sadd.s32 s2, s16  }
0x8e: {  	[smem:$0x3FBD] =	sst s2  }
0x8f: {  	_ = 	snop  }
0x90: {  	(tm) =	ssettm $0x1  }
0x91: {  	s17 =	sld [smem:$0x3FFB];
	_ =	sdelay $0x3  }
0x92: {  	_ =	strace s17  }
0x93: {  	s2 =	sld [smem:$0x3FFC];
	_ =	sdelay $0x3  }
0x94: {  	_ =	strace s2  }
0x95: {  	s2 =	sld [smem:$0x3FFD];
	_ =	sdelay $0x3  }
0x96: {  	_ =	strace s2  }
0x97: {  	_ =	strace $0x8FFFFFFF  }
0x98: {  	s18 =	sld [smem:$0x3FDB];
	_ =	sdelay $0x1  }
0x99: {  	s19 =	simm.s32 $_scs_section_size  }
0x9a: {  	s4 =	simm.s32 $_size__tile_overlayer_lowered;
	s5 =	simm.s32 $_tile_overlayer_lowered  }
0x9b: {  	s22 =	simm.s32 $0x1BFF;
	s21 =	sshll.u32 s5, $0x1;
	s2 =	sadd.s32 s19, s18  }
0x9c: {  	s6 =	simm.s32 $0x0;
	s20 =	sshll.u32 s4, $0x1;
	s4 =	sadd.s32 s21, s2  }
0x9d: {  	[timem:s6], [sflag:s22] =	dma.local [hbm:s4], s20  }
0x9e: {  	_ =	swait.ge [sflag:s22], s20  }
0x9f: {  	s3 =	ssub.s32 $0x0, s20;
	[sflag:s22] =	ssyncset.done $0x0  }
0xa0: {  	[sflag:s22] =	ssyncadd.s32 s3;
	_ =	sdelay $0x1  }
0xa1: {  	s23 =	simm.s32 $0x1B8B  }
0xa2: {  	_ =	swait.ge [sflag:s23], $0x1  }
0xa3: {  	[sflag:s23] =	ssyncset.done $0x0  }
0xa4: {  	s25 =	simm.s32 $0x1B8E;
	s24 =	sld [smem:$0x3FFE];
	[sflag:s23] =	ssyncadd.s32 $0xFFFFFFFF  }
0xa5: {  	s26 =	simm.s32 $execute0_lowered;
	[smem:$0x3FD2] =	sst s25  }
0xa6: {  	s4 =	sshll.u32 s26, $0x1;
	_ =	strace $0x8000004C;
	[dreg:$0x1] =	wrdreg $0xFFFFFFFF  }
0xa7: {  	s28 =	simm.s32 $_size_execute0_lowered;
	s2 =	sadd.s32 s2, s4;
	[dreg:$0x0] =	wrdreg $0x0  }
0xa8: {  	s4 =	sshll.u32 s28, $0x1;
	[dreg:$0x2] =	wrdreg s2  }
0xa9: {  	[dreg:$0x3] =	wrdreg s4  }
0xaa: {  	[dreg:$0x4] =	wrdreg $0xC0  }
0xab: {  	_ =	task [dreg:s6], $0x5FFFF  }
0xac: {  	[dreg:$0x1] =	wrdreg $0xFFFFFFFF  }
0xad: {  	[dreg:$0x0] =	wrdreg $0x60  }
0xae: {  	[dreg:$0x2] =	wrdreg s24  }
0xaf: {  	[dreg:$0x3] =	wrdreg $0xB8000  }
0xb0: {  	[dreg:$0x4] =	wrdreg $0x9  }
0xb1: {  	_ =	task.clear_ibuf [dreg:s6], $0x5FFFF;
	_ =	strace $0x9000004C  }
0xb2: {  	s29 =	simm.s32 $0x9;
	_ =	strace $0x8000004E  }
0xb3: {  	_ =	swait.ge [sflag:s29], $0x1  }
0xb4: {  	[sflag:s29] =	ssyncadd.s32 $0xFFFFFFFF  }
0xb5: {  	_ =	strace $0x9000004E  }
0xb6: {  	_ =	sfence  }
0xb7: {  	s30 =	sld [smem:$0x0];
	_ =	sdelay $0x2  }
0xb8: {  	s31 =	sshll.u32 s1, $0xD;
	s1 =	sshrl.u32 s1, $0x2  }
0xb9: {  	s3 =	sand.u32 $0x4000, s31;
	s1 =	sadd.s32 s1, s30  }
0xba: {  	s0 =	sor.u32 s3, s0;
	s1 =	sshll.u32 s1, $0x11  }
0xbb: {  	s0 =	sor.u32 s1, s0  }
0xbc: {  	s0 =	sadd.s32 $0x8F2B, s0  }
0xbd: {  	[sflag:s0] =	ssyncadd.remote.s32 $0x1  }
0xbe: {  	_ =	sfence.sel $0xFFFF  }
0xbf: {  	[dreg:$0x0] =	wrdreg $0xFFFFFFFF;
	(pc) =	sbr.abs _section_cstart, $3  }
0xc0: {  	[dreg:$0x1] =	wrdreg $0xFFFFFFFF  }
0xc1: {  	_ =	task.clear_ibuf [dreg:s6], $0x2FFFF;
	_ =	strace $0x9FFFFFFF  }
0xc2: {  	(tm) =	ssettm $0x7FFFFFFF  }
0xc3: {  	_ =	shalt  }
tec
execute0_lowered:
.L_overlay_start_1:
0x0: {  	(tag) =	ssettag $0x1  }
0x1: {  	s0 =	rddreg [dreg:$0x0]  }
0x2: {  	s2 =	rddreg [dreg:$0x1]  }
0x3: {  	s10 =	stileid.u32;
	s1 =	srdreg.scid;
	s3 =	simm.s32 $0x0  }
0x4: {  	s28 =	simm.s32 $0xC0;
	s29 =	simm.s32 $0x9800;
	s30 =	simm.s32 $0x1  }
0x5: {  	s31 =	simm.s32 $0x2;
	s14 =	simm.s32 $0x6;
	s6 =	smul.u32 $0x280, s10  }
0x6: {  	s15 =	simm.s32 $0x3700;
	s16 =	simm.s32 $0x3780;
	s8 =	smul.u32 $0xA80, s10  }
0x7: {  	s17 =	simm.s32 $0x0;
	s1 =	sand.u32 $0x1, s1;
	s19 =	smul.u32 $0x50000, s10  }
0x8: {  	[smem:$0x7FF] =	sst s3;
	s4 =	sadd.s32 $0x22A00, s0;
	s12 =	smul.u32 $0x5400, s10  }
0x9: {  	s5 =	sadd.s32 $0xDA00, s0;
	s9 =	sadd.s32 $0x72A00, s0;
	s7 =	smul.u32 $0x2800, s1  }
0xa: {  	_ =	strace $0x8000004D;
	[dreg:$0x3] =	wrdreg s9;
	s20 =	ssub.s32 $0x2, s1  }
0xb: {  	s1 =	smul.u32 $0x54000, s1;
	s6 =	sadd.s32 s6, s7;
	s7 =	sshrl.u32 s19, $0x2  }
0xc: {  	s8 =	sadd.s32 s8, s0;
	s21 =	sshrl.u32 s20, $0x1;
	s11 =	sadd.s32 s7, s2  }
0xd: {  	s12 =	sadd.s32 s12, s1;
	s6 =	sshll.u32 s6, $0x4;
	s19 =	sadd.s32 $0xC000, s11  }
0xe: {  	s0 =	sadd.s32 s6, s0;
	s7 =	sadd.s32 $0x10000, s11;
	[dreg:$0x4] =	wrdreg s19  }
0xf: {  	s13 =	sadd.s32 $0x2A00, s8;
	s22 =	sadd.s32 $0x73200, s0;
	[dreg:$0x5] =	wrdreg s7  }
0x10: {  	s1 =	simm.s32 $0x3;
	s23 =	sadd.s32 $0x73A00, s0;
	[dreg:$0x6] =	wrdreg s22  }
0x11: {  	s6 =	ssub.s32 s20, s21;
	s24 =	sadd.s32 $0x74200, s0;
	[dreg:$0x7] =	wrdreg s23  }
0x12: {  	s9 =	sadd.s32 $0x4000, s11;
	s25 =	sadd.s32 $0x74A00, s0;
	[dreg:$0x8] =	wrdreg s24  }
0x13: {  	s18 =	sadd.s32 $0x8000, s11;
	s0 =	sadd.s32 $0x75200, s0;
	[dreg:$0x9] =	wrdreg s25  }
0x14: {  	s20 =	simm.s32 $0x3800;
	s26 =	smax.u32 s6, $0x1;
	[dreg:$0xa] =	wrdreg s0  }
0x15: {  	s21 =	simm.s32 $0x7;
	s6 =	simm.s32 $0x4;
	[dreg:$0xb] =	wrdreg s26  }
0x16: {  	s22 =	simm.s32 $0x1C00;
	s23 =	simm.s32 $0x40;
	s24 =	simm.s32 $0x5800  }
0x17: {  	s25 =	simm.s32 $0x80;
	s26 =	simm.s32 $0x7800;
	s0 =	simm.s32 $0x5  }
.LBB2_1:
0x18: {  	s8 =	rddreg [dreg:$0x3]  }
0x19: {  	[tilespmem:s20], [sflag:$0x7] =	stream.linear.gather [hbm4b:s8+s3], $0x4000, $0x38;
	[tilespmem:$0x1F800] =	vst v63  }
0x1a: {  	_ =	swait.ge [sflag:s21], $0x4000  }
0x1b: {  	[sflag:s21] =	ssyncset.done $0x0  }
0x1c: {  	[sflag:s21] =	ssyncadd.s32 $0xFFFFC000  }
0x1d: {  	[spmem:s11] =	stream.linear.scatter [tilespmem:s20], [sflag:$0x7], $0x4000, $0x38;
	[tilespmem:$0x1F800] =	vst v63  }
0x1e: {  	_ =	swait.ge [sflag:s21], $0x4000  }
0x1f: {  	[sflag:s21] =	ssyncset.done $0x0  }
0x20: {  	[sflag:s21] =	ssyncadd.s32 $0xFFFFC000  }
0x21: {  	[spmem:s9] =	stream.linear.scatter [tilespmem:s20], [sflag:$0x7], $0x4000, $0x38;
	[tilespmem:$0x1F800] =	vst v63  }
0x22: {  	_ =	swait.ge [sflag:s21], $0x4000  }
0x23: {  	[sflag:s21] =	ssyncset.done $0x0  }
0x24: {  	[sflag:s21] =	ssyncadd.s32 $0xFFFFC000  }
0x25: {  	[spmem:s18] =	stream.linear.scatter [tilespmem:s20], [sflag:$0x7], $0x4000, $0x38;
	[tilespmem:$0x1F800] =	vst v63  }
0x26: {  	_ =	swait.ge [sflag:s21], $0x4000  }
0x27: {  	[sflag:s21] =	ssyncset.done $0x0  }
0x28: {  	[sflag:s21] =	ssyncadd.s32 $0xFFFFC000  }
0x29: {  	[spmem:s19] =	stream.linear.scatter [tilespmem:s20], [sflag:$0x7], $0x4000, $0x38;
	[tilespmem:$0x1F800] =	vst v63  }
0x2a: {  	_ =	swait.ge [sflag:s21], $0x4000  }
0x2b: {  	[sflag:s21] =	ssyncset.done $0x0  }
0x2c: {  	s8 =	smov.u32 s7;
	[sflag:s21] =	ssyncadd.s32 $0xFFFFC000  }
0x2d: {  	[spmem:s8] =	stream.linear.scatter [tilespmem:s20], [sflag:$0x7], $0x4000, $0x38;
	[tilespmem:$0x1F800] =	vst v63  }
0x2e: {  	_ =	swait.ge [sflag:s21], $0x4000  }
0x2f: {  	[sflag:s21] =	ssyncset.done $0x0  }
0x30: {  	s10 =	smov.u32 s9;
	s7 =	smov.u32 s11;
	[sflag:s21] =	ssyncadd.s32 $0xFFFFC000  }
0x31: {  	s11 =	smov.u32 s18;
	s18 =	simm.s32 $0x0;
	[bflag:$0x0] =	sbarrier.arrive $0xFFFF  }
.LBB2_2:
0x32: {  	s8 =	smul.u32 $0x1C00, s18;
	_ =	sdelay $0x1  }
0x33: {  	s8 =	sadd.s32 s8, s12  }
0x34: {  	s8 =	sshrl.u32 s8, $0x3  }
0x35: {  	s19 =	simm.s32 $0x0;
	s8 =	sadd.s32 s5, s8  }
0x36: {  	[tilespmem:s19], [sflag:$0x7] =	stream.linear.gather [hbm4b:s8+s19], $0x1C00, $0x38;
	[tilespmem:$0x1F800] =	vst v63  }
0x37: {  	s9 =	smul.u32 $0x380, s18;
	_ =	swait.ge [sflag:s21], $0x1C00  }
0x38: {  	[sflag:s21] =	ssyncset.done $0x0  }
0x39: {  	s8 =	sadd.s32 s13, s9;
	[sflag:s21] =	ssyncadd.s32 $0xFFFFE400  }
0x3a: {  	[tilespmem:s22], [sflag:$0x7] =	stream.linear.gather [hbm4b:s8+s19], $0x1C00, $0x38;
	[tilespmem:$0x1F800] =	vst v63  }
0x3b: {  	_ =	swait.ge [sflag:s21], $0x1C00  }
0x3c: {  	[sflag:s21] =	ssyncset.done $0x0  }
0x3d: {  	[sflag:s21] =	ssyncadd.s32 $0xFFFFE400  }
0x3e: {  	[tilespmem:s20], [sflag:$0x1] =	stream.indirect.gather [hbm4b:s4+s23], $0x80, s19, s23, $0xb8;
	[tilespmem:$0x1F800] =	vst v63  }
0x3f: {  	_ = 	snop  }
0x40: {  	[tilespmem:s24], [sflag:$0x2] =	stream.indirect.gather [hbm4b:s4+s23], $0x80, s23, s23, $0xb8;
	[tilespmem:$0x1F800] =	vst v63  }
0x41: {  	_ = 	snop  }
0x42: {  	[tilespmem:s26], [sflag:$0x3] =	stream.indirect.gather [hbm4b:s4+s23], $0x80, s25, s23, $0xb8;
	[tilespmem:$0x1F800] =	vst v63  }
0x43: {  	_ = 	snop  }
0x44: {  	[tilespmem:s29], [sflag:$0x4] =	stream.indirect.gather [hbm4b:s4+s23], $0x80, s28, s23, $0xb8;
	[tilespmem:$0x1F800] =	vst v63  }
0x45: {  	_ =	swait.ge [sflag:s30], $0x2000  }
0x46: {  	[sflag:s30] =	ssyncset.done $0x0  }
0x47: {  	[sflag:s30] =	ssyncadd.s32 $0xFFFFE000  }
0x48: {  	_ =	swait.ge [sflag:s31], $0x2000  }
0x49: {  	[sflag:s31] =	ssyncset.done $0x0  }
0x4a: {  	s19 =	simm.s32 $0x1C00;
	[sflag:s31] =	ssyncadd.s32 $0xFFFFE000  }
0x4b: {  	[spmem:s2] =	stream.indirect.scatter.add.f32 [tilespmem:s20], [sflag:$0x5], $0x80, s19, s25, $0xb8;
	[tilespmem:$0x1F800] =	vst v63  }
0x4c: {  	_ =	swait.ge [sflag:s0], $0x4000  }
0x4d: {  	[sflag:s0] =	ssyncset.done $0x0  }
0x4e: {  	s9 =	simm.s32 $0x100;
	[sflag:s0] =	ssyncadd.s32 $0xFFFFC000  }
0x4f: {  	[tilespmem:s20], [sflag:$0x1] =	stream.indirect.gather [hbm4b:s4+s23], $0x80, s9, s23, $0xb8;
	[tilespmem:$0x1F800] =	vst v63  }
0x50: {  	s19 =	simm.s32 $0x140  }
0x51: {  	[tilespmem:s24], [sflag:$0x2] =	stream.indirect.gather [hbm4b:s4+s23], $0x80, s19, s23, $0xb8;
	[tilespmem:$0x1F800] =	vst v63  }
0x52: {  	_ =	swait.ge [sflag:s1], $0x2000  }
0x53: {  	[sflag:s1] =	ssyncset.done $0x0  }
0x54: {  	[sflag:s1] =	ssyncadd.s32 $0xFFFFE000  }
0x55: {  	_ =	swait.ge [sflag:s6], $0x2000  }
0x56: {  	[sflag:s6] =	ssyncset.done $0x0  }
0x57: {  	s9 =	simm.s32 $0x1C80;
	[sflag:s6] =	ssyncadd.s32 $0xFFFFE000  }
0x58: {  	[spmem:s2] =	stream.indirect.scatter.add.f32 [tilespmem:s26], [sflag:$0x6], $0x80, s9, s25, $0xb8;
	[tilespmem:$0x1F800] =	vst v63  }
0x59: {  	_ =	swait.ge [sflag:s14], $0x4000  }
0x5a: {  	[sflag:s14] =	ssyncset.done $0x0  }
0x5b: {  	s19 =	simm.s32 $0x180;
	[sflag:s14] =	ssyncadd.s32 $0xFFFFC000  }
0x5c: {  	[tilespmem:s26], [sflag:$0x3] =	stream.indirect.gather [hbm4b:s4+s23], $0x80, s19, s23, $0xb8;
	[tilespmem:$0x1F800] =	vst v63  }
0x5d: {  	s8 =	simm.s32 $0x1C0;
	s19 =	simm.s32 $0x400  }
.LBB2_3:
0x5e: {  	[tilespmem:s29], [sflag:$0x4] =	stream.indirect.gather [hbm4b:s4+s23], $0x80, s8, s23, $0xb8;
	[tilespmem:$0x1F800] =	vst v63  }
0x5f: {  	s8 =	smov.u32 s19  }
0x60: {  	p0 =	sne.s32 s19, $0x6800;
	s19 =	sadd.s32 $0x400, s19;
	_ =	swait.ge [sflag:s30], $0x2000  }
0x61: {  	[sflag:s30] =	ssyncset.done $0x0  }
0x62: {  	[sflag:s30] =	ssyncadd.s32 $0xFFFFE000  }
0x63: {  	_ =	swait.ge [sflag:s31], $0x2000  }
0x64: {  	s8 =	sshra.s32 s8, $0x2;
	[sflag:s31] =	ssyncset.done $0x0  }
0x65: {  	s9 =	sadd.s32 $0x1C00, s8;
	[sflag:s31] =	ssyncadd.s32 $0xFFFFE000  }
0x66: {  	[spmem:s2] =	stream.indirect.scatter.add.f32 [tilespmem:s20], [sflag:$0x5], $0x80, s9, s25, $0xb8;
	[tilespmem:$0x1F800] =	vst v63  }
0x67: {  	_ =	swait.ge [sflag:s0], $0x4000  }
0x68: {  	[sflag:s0] =	ssyncset.done $0x0  }
0x69: {  	s9 =	sadd.s32 $0x100, s8;
	[sflag:s0] =	ssyncadd.s32 $0xFFFFC000  }
0x6a: {  	[tilespmem:s20], [sflag:$0x1] =	stream.indirect.gather [hbm4b:s4+s23], $0x80, s9, s23, $0xb8;
	[tilespmem:$0x1F800] =	vst v63  }
0x6b: {  	s9 =	sadd.s32 $0x140, s8  }
0x6c: {  	[tilespmem:s24], [sflag:$0x2] =	stream.indirect.gather [hbm4b:s4+s23], $0x80, s9, s23, $0xb8;
	[tilespmem:$0x1F800] =	vst v63  }
0x6d: {  	_ =	swait.ge [sflag:s1], $0x2000  }
0x6e: {  	[sflag:s1] =	ssyncset.done $0x0  }
0x6f: {  	[sflag:s1] =	ssyncadd.s32 $0xFFFFE000  }
0x70: {  	_ =	swait.ge [sflag:s6], $0x2000  }
0x71: {  	[sflag:s6] =	ssyncset.done $0x0  }
0x72: {  	s9 =	sadd.s32 $0x1C80, s8;
	[sflag:s6] =	ssyncadd.s32 $0xFFFFE000  }
0x73: {  	[spmem:s2] =	stream.indirect.scatter.add.f32 [tilespmem:s26], [sflag:$0x6], $0x80, s9, s25, $0xb8;
	[tilespmem:$0x1F800] =	vst v63  }
.Ltmp0:
0x74: {  	_ =	swait.ge [sflag:s14], $0x4000;
	(pc) =	sbr.rel @p0 .LBB2_3-.Ltmp0, $4  }
0x75: {  	[sflag:s14] =	ssyncset.done $0x0  }
0x76: {  	s9 =	sadd.s32 $0x180, s8;
	[sflag:s14] =	ssyncadd.s32 $0xFFFFC000  }
0x77: {  	[tilespmem:s26], [sflag:$0x3] =	stream.indirect.gather [hbm4b:s4+s23], $0x80, s9, s23, $0xb8;
	[tilespmem:$0x1F800] =	vst v63  }
0x78: {  	s8 =	sadd.s32 $0x1C0, s8  }
0x79: {  	[tilespmem:s29], [sflag:$0x4] =	stream.indirect.gather [hbm4b:s4+s23], $0x80, s8, s23, $0xb8;
	[tilespmem:$0x1F800] =	vst v63  }
0x7a: {  	_ =	swait.ge [sflag:s30], $0x2000  }
0x7b: {  	[sflag:s30] =	ssyncset.done $0x0  }
0x7c: {  	[sflag:s30] =	ssyncadd.s32 $0xFFFFE000  }
0x7d: {  	_ =	swait.ge [sflag:s31], $0x2000  }
0x7e: {  	[sflag:s31] =	ssyncset.done $0x0  }
0x7f: {  	[sflag:s31] =	ssyncadd.s32 $0xFFFFE000  }
0x80: {  	[spmem:s2] =	stream.indirect.scatter.add.f32 [tilespmem:s20], [sflag:$0x5], $0x80, s15, s25, $0xb8;
	[tilespmem:$0x1F800] =	vst v63  }
0x81: {  	_ =	swait.ge [sflag:s1], $0x2000  }
0x82: {  	[sflag:s1] =	ssyncset.done $0x0  }
0x83: {  	[sflag:s1] =	ssyncadd.s32 $0xFFFFE000  }
0x84: {  	_ =	swait.ge [sflag:s6], $0x2000  }
0x85: {  	[sflag:s6] =	ssyncset.done $0x0  }
0x86: {  	s18 =	sadd.s32 $0x1, s18;
	[sflag:s6] =	ssyncadd.s32 $0xFFFFE000  }
0x87: {  	[spmem:s2] =	stream.indirect.scatter.add.f32 [tilespmem:s26], [sflag:$0x6], $0x80, s16, s25, $0xb8;
	[tilespmem:$0x1F800] =	vst v63  }
0x88: {  	p0 =	sne.s32 s18, $0x3;
	_ =	swait.ge [sflag:s0], $0x4000  }
.Ltmp1:
0x89: {  	[sflag:s0] =	ssyncset.done $0x0;
	(pc) =	sbr.rel @p0 .LBB2_2-.Ltmp1, $4  }
0x8a: {  	[sflag:s0] =	ssyncadd.s32 $0xFFFFC000  }
0x8b: {  	_ =	swait.ge [sflag:s14], $0x4000  }
0x8c: {  	[sflag:s14] =	ssyncset.done $0x0  }
0x8d: {  	[sflag:s14] =	ssyncadd.s32 $0xFFFFC000  }
0x8e: {  	[bflag:$0x0] =	sbarrier.arrive $0xFFFF  }
0x8f: {  	[tilespmem:s20], [sflag:$0x7] =	stream.linear.gather [spmem:s7], $0x4000, $0x38;
	[tilespmem:$0x1F800] =	vst v63  }
0x90: {  	_ =	swait.ge [sflag:s21], $0x4000  }
0x91: {  	[sflag:s21] =	ssyncset.done $0x0  }
0x92: {  	s8 =	rddreg [dreg:$0x6];
	[sflag:s21] =	ssyncadd.s32 $0xFFFFC000  }
0x93: {  	[hbm4b:s8+s3] =	stream.linear.scatter [tilespmem:s20], [sflag:$0x7], $0x4000, $0x38;
	[tilespmem:$0x1F800] =	vst v63  }
0x94: {  	_ =	swait.ge [sflag:s21], $0x4000  }
0x95: {  	[sflag:s21] =	ssyncset.done $0x0  }
0x96: {  	[sflag:s21] =	ssyncadd.s32 $0xFFFFC000  }
0x97: {  	[tilespmem:s20], [sflag:$0x7] =	stream.linear.gather [spmem:s10], $0x4000, $0x38;
	[tilespmem:$0x1F800] =	vst v63  }
0x98: {  	_ =	swait.ge [sflag:s21], $0x4000  }
0x99: {  	[sflag:s21] =	ssyncset.done $0x0  }
0x9a: {  	s18 =	rddreg [dreg:$0x7];
	[sflag:s21] =	ssyncadd.s32 $0xFFFFC000  }
0x9b: {  	[hbm4b:s18+s3] =	stream.linear.scatter [tilespmem:s20], [sflag:$0x7], $0x4000, $0x38;
	[tilespmem:$0x1F800] =	vst v63  }
0x9c: {  	_ =	swait.ge [sflag:s21], $0x4000  }
0x9d: {  	[sflag:s21] =	ssyncset.done $0x0  }
0x9e: {  	[sflag:s21] =	ssyncadd.s32 $0xFFFFC000  }
0x9f: {  	[tilespmem:s20], [sflag:$0x7] =	stream.linear.gather [spmem:s11], $0x4000, $0x38;
	[tilespmem:$0x1F800] =	vst v63  }
0xa0: {  	_ =	swait.ge [sflag:s21], $0x4000  }
0xa1: {  	[sflag:s21] =	ssyncset.done $0x0  }
0xa2: {  	s19 =	rddreg [dreg:$0x8];
	[sflag:s21] =	ssyncadd.s32 $0xFFFFC000  }
0xa3: {  	[hbm4b:s19+s3] =	stream.linear.scatter [tilespmem:s20], [sflag:$0x7], $0x4000, $0x38;
	[tilespmem:$0x1F800] =	vst v63  }
0xa4: {  	_ =	swait.ge [sflag:s21], $0x4000  }
0xa5: {  	[sflag:s21] =	ssyncset.done $0x0  }
0xa6: {  	s19 =	rddreg [dreg:$0x4];
	[sflag:s21] =	ssyncadd.s32 $0xFFFFC000  }
0xa7: {  	[tilespmem:s20], [sflag:$0x7] =	stream.linear.gather [spmem:s19], $0x4000, $0x38;
	[tilespmem:$0x1F800] =	vst v63  }
0xa8: {  	_ =	swait.ge [sflag:s21], $0x4000  }
0xa9: {  	[sflag:s21] =	ssyncset.done $0x0  }
0xaa: {  	s8 =	rddreg [dreg:$0x9];
	[sflag:s21] =	ssyncadd.s32 $0xFFFFC000  }
0xab: {  	[hbm4b:s8+s3] =	stream.linear.scatter [tilespmem:s20], [sflag:$0x7], $0x4000, $0x38;
	[tilespmem:$0x1F800] =	vst v63  }
0xac: {  	_ =	swait.ge [sflag:s21], $0x4000  }
0xad: {  	s18 =	smov.u32 s11;
	[sflag:s21] =	ssyncset.done $0x0  }
0xae: {  	s11 =	smov.u32 s7;
	s7 =	rddreg [dreg:$0x5];
	[sflag:s21] =	ssyncadd.s32 $0xFFFFC000  }
0xaf: {  	[tilespmem:s20], [sflag:$0x7] =	stream.linear.gather [spmem:s7], $0x4000, $0x38;
	[tilespmem:$0x1F800] =	vst v63  }
0xb0: {  	_ =	swait.ge [sflag:s21], $0x4000  }
0xb1: {  	[sflag:s21] =	ssyncset.done $0x0  }
0xb2: {  	s9 =	smov.u32 s10;
	s10 =	rddreg [dreg:$0xa];
	[sflag:s21] =	ssyncadd.s32 $0xFFFFC000  }
0xb3: {  	[hbm4b:s10+s3] =	stream.linear.scatter [tilespmem:s20], [sflag:$0x7], $0x4000, $0x38;
	[tilespmem:$0x1F800] =	vst v63  }
0xb4: {  	_ =	swait.ge [sflag:s21], $0x4000  }
0xb5: {  	s17 =	sadd.s32 $0x1, s17;
	s10 =	rddreg [dreg:$0xb]  }
0xb6: {  	p0 =	sne.s32 s17, s10  }
.Ltmp2:
0xb7: {  	_ = 	snop;
	(pc) =	sbr.rel @p0 .LBB2_1-.Ltmp2, $3  }
0xb8: {  	_ =	sdelay $0x1  }
0xb9: {  	[sflag:s21] =	ssyncset.done $0x0  }
0xba: {  	[sflag:s21] =	ssyncadd.s32 $0xFFFFC000  }
0xbb: {  	_ =	sfence.sel $0x180000  }
0xbc: {  	[bflag:$0x0] =	sbarrier.arrive $0xFFFF  }
0xbd: {  	_ =	strace $0x9000004D  }
0xbe: {  	s0 =	stileid.u32;
	[bflag:$0x2] =	sbarrier.arrive $0xFFFF  }
0xbf: {  	p0 =	sne.s32 s0, $0x0;
	s0 =	rddreg [dreg:$0x2]  }
0xc0: {  	s0 =	sadd.s32 @!p0 $0x100000, s0  }
0xc1: {  	[sflag:s0] =	ssyncadd.tile.s32 @!p0 $0x1;
	_ =	shalt  }
.Lfunc_end2:
_tile_overlayer_lowered:
.L_overlay_start_2:
0xc2: {  	(tag) =	ssettag $0x2  }
0xc3: {  	s0 =	rddreg [dreg:$0x0];
	s2 =	stileid.u32  }
0xc4: {  	s1 =	rddreg [dreg:$0x1];
	p0 =	sne.s32 s2, $0x0  }
0xc5: {  	s3 =	rddreg [dreg:$0x2];
	[bflag:$0x3] =	sbarrier.arrive $0xFFFF;
	s2 =	simm.s32 @!p0 $0x1C07  }
0xc6: {  	[timem:s3], [sflag:s2] =	dma.local @!p0 [hbm:s0], s1  }
0xc7: {  	s0 =	simm.s32 @!p0 $0x7  }
0xc8: {  	_ =	swait.ge @!p0 [sflag:s0], s1  }
0xc9: {  	s1 =	ssub.s32 @!p0 $0x0, s1;
	[sflag:s0] =	ssyncset.done @!p0 $0x0  }
0xca: {  	[sflag:s0] =	ssyncadd.s32 @!p0 s1  }
0xcb: {  	[bflag:$0x3] =	sbarrier.arrive $0xFFFF  }
0xcc: {  	_ =	shalt  }

// kernel: kernel.19.cloned.1.call-start
scs
__scs_entry_jumppad:
0x0: {  	(pc) =	sbr.rel $0x88, $3  }
0x1: {  	(tag) =	ssettag $0x0;
	lr =	simm.s32 $0x1  }
0x2: {  	[smem:$0x3F96] =	sst lr;
	_ =	strace $0xD0000000  }
0x3: {  	_ = 	snop  }
0x4: {  	_ = 	snop  }
0x5: {  	_ = 	snop  }
0x6: {  	_ = 	snop  }
0x7: {  	_ = 	snop  }
__scs_overlays_trampoline_lowered:
0x8: {  	[smem:$0x3FA5] =	sst s0  }
0x9: {  	[smem:$0x3FA6] =	sst s1  }
0xa: {  	[smem:$0x3FA7] =	sst s2  }
0xb: {  	[smem:$0x3FA8] =	sst s3  }
0xc: {  	[smem:$0x3FA9] =	sst s4  }
0xd: {  	[smem:$0x3FAA] =	sst s5  }
0xe: {  	[smem:$0x3FAB] =	sst s6  }
0xf: {  	[smem:$0x3FAC] =	sst s7  }
0x10: {  	[smem:$0x3FAD] =	sst s8  }
0x11: {  	[smem:$0x3FAE] =	sst s9;
	s0 =	simm.s32 @!p0 $0x0  }
0x12: {  	s1 =	sld [smem:$0x3F94];
	s0 =	simm.s32 @p0 $0x1  }
0x13: {  	[smem:$0x3FAF] =	sst s0;
	s0 =	simm.s32 @!p1 $0x0  }
0x14: {  	s2 =	sld [smem:$0x3F93];
	s0 =	simm.s32 @p1 $0x1  }
0x15: {  	[smem:$0x3FB0] =	sst s0;
	s0 =	simm.s32 @!p2 $0x0  }
0x16: {  	s3 =	sld [smem:$0x3FDB];
	s0 =	simm.s32 @p2 $0x1  }
0x17: {  	s4 =	simm.s32 $0x1BF5;
	[smem:$0x3FB2] =	sst s0  }
0x18: {  	s0 =	sld [smem:$0x3F95];
	_ =	swait.ge [sflag:s4], $0x0  }
0x19: {  	s7 =	sld [smem:$0x3F96]  }
0x1a: {  	s8 =	sadd.s32 $0xFFFFE003, lr  }
0x1b: {  	s9 =	sadd.s32 $0xFFFFFEF7, lr;
	s5 =	simm.s32 $0xFFFFFFFF;
	p2 =	slt.u32 s8, $0xFFFFF086  }
0x1c: {  	p1 =	slt.u32 s9, $0xF7A;
	s5 =	simm.s32 @!p2 $0x0  }
0x1d: {  	s5 =	simm.s32 @p1 $0x1;
	p0 =	seq.s32 s7, s2  }
0x1e: {  	s7 =	smul.u32 @!p0 $0xF7A, s2;
	p2 =	seq.s32 @!p0 s5, $0x0  }
0x1f: {  	s9 =	smul.u32 $0xF7A, s1;
	s8 =	simm.s32 @!p0 $0x1BF5;
	p2 =	por !p2, p0  }
0x20: {  	[sflag:s8] =	ssyncset.s32 @!p0 $0xFFFFF086;
	s6 =	sadd.s32 @!p0 s3, s7;
	s7 =	simm.s32 @!p0 $0x108  }
0x21: {  	s3 =	sadd.s32 s3, s9;
	s6 =	sadd.s32 @!p0 $0x88, s6;
	s7 =	simm.s32 @p2 $0x1082  }
0x22: {  	[simem:s7], [sflag:s8] =	dma.local @!p0 [hbm:s6], $0xF7A  }
0x23: {  	s9 =	sor.u32 $0xD0000000, s2;
	s6 =	simm.s32 $0x108;
	_ =	swait.ge @!p0 [sflag:s8], $0x0  }
0x24: {  	s3 =	sadd.s32 $0x88, s3;
	s6 =	simm.s32 @!p1 $0x1082;
	[sflag:s4] =	ssyncset.s32 $0xFFFFF086  }
0x25: {  	[simem:s6], [sflag:s4] =	dma.local [hbm:s3], $0xF7A  }
0x26: {  	[smem:$0x3F96] =	sst s1;
	(tag) =	ssettag s2;
	_ =	strace s9  }
0x27: {  	s1 =	sld [smem:$0x3FA6]  }
0x28: {  	s2 =	sld [smem:$0x3FA7]  }
0x29: {  	s4 =	sld [smem:$0x3FA9]  }
0x2a: {  	p0 =	seq.s32 s5, $0x0;
	s5 =	sld [smem:$0x3FAA]  }
0x2b: {  	s6 =	sld [smem:$0x3FAB]  }
0x2c: {  	s7 =	sld [smem:$0x3FAC]  }
0x2d: {  	s3 =	simm.s32 $0x108;
	s8 =	sld [smem:$0x3FAD]  }
0x2e: {  	s3 =	simm.s32 @!p0 $0x1082;
	s9 =	sld [smem:$0x3FAE]  }
0x2f: {  	lr =	sadd.s32 s0, s3;
	s0 =	sld [smem:$0x3FA5]  }
0x30: {  	s3 =	sld [smem:$0x3FA8]  }
0x31: {  	[smem:$0x3FB1] =	sst s10  }
0x32: {  	s10 =	sld [smem:$0x3FAF];
	_ =	sdelay $0x3  }
0x33: {  	p0 =	seq.s32 s10, $0x1;
	s10 =	sld [smem:$0x3FB1];
	_ =	sdelay $0x3  }
0x34: {  	[smem:$0x3FB1] =	sst s10  }
0x35: {  	s10 =	sld [smem:$0x3FB0];
	_ =	sdelay $0x3  }
0x36: {  	p1 =	seq.s32 s10, $0x1;
	s10 =	sld [smem:$0x3FB1];
	_ =	sdelay $0x3  }
0x37: {  	[smem:$0x3FB1] =	sst s10  }
0x38: {  	s10 =	sld [smem:$0x3FB2]  }
0x39: {  	_ = 	snop;
	(pc) =	sbr.ind lr, $3  }
0x3a: {  	_ = 	snop  }
0x3b: {  	_ = 	snop  }
0x3c: {  	p2 =	seq.s32 s10, $0x1;
	s10 =	sld [smem:$0x3FB1]  }
0x3d: {  	_ =	shalt  }
0x3e: {  	_ =	shalt  }
0x3f: {  	_ =	shalt  }
0x40: {  	_ =	shalt  }
0x41: {  	_ =	shalt  }
0x42: {  	_ =	shalt  }
0x43: {  	_ =	shalt  }
0x44: {  	_ =	shalt  }
0x45: {  	_ =	shalt  }
0x46: {  	_ =	shalt  }
0x47: {  	_ =	shalt  }
0x48: {  	_ =	shalt  }
0x49: {  	_ =	shalt  }
0x4a: {  	_ =	shalt  }
0x4b: {  	_ =	shalt  }
0x4c: {  	_ =	shalt  }
0x4d: {  	_ =	shalt  }
0x4e: {  	_ =	shalt  }
0x4f: {  	_ =	shalt  }
0x50: {  	_ =	shalt  }
0x51: {  	_ =	shalt  }
0x52: {  	_ =	shalt  }
0x53: {  	_ =	shalt  }
0x54: {  	_ =	shalt  }
0x55: {  	_ =	shalt  }
0x56: {  	_ =	shalt  }
0x57: {  	_ =	shalt  }
0x58: {  	_ =	shalt  }
0x59: {  	_ =	shalt  }
0x5a: {  	_ =	shalt  }
0x5b: {  	_ =	shalt  }
0x5c: {  	_ =	shalt  }
0x5d: {  	_ =	shalt  }
0x5e: {  	_ =	shalt  }
0x5f: {  	_ =	shalt  }
0x60: {  	_ =	shalt  }
0x61: {  	_ =	shalt  }
0x62: {  	_ =	shalt  }
0x63: {  	_ =	shalt  }
0x64: {  	_ =	shalt  }
0x65: {  	_ =	shalt  }
0x66: {  	_ =	shalt  }
0x67: {  	_ =	shalt  }
0x68: {  	_ =	shalt  }
0x69: {  	_ =	shalt  }
0x6a: {  	_ =	shalt  }
0x6b: {  	_ =	shalt  }
0x6c: {  	_ =	shalt  }
0x6d: {  	_ =	shalt  }
0x6e: {  	_ =	shalt  }
0x6f: {  	_ =	shalt  }
0x70: {  	_ =	shalt  }
0x71: {  	_ =	shalt  }
0x72: {  	_ =	shalt  }
0x73: {  	_ =	shalt  }
0x74: {  	_ =	shalt  }
0x75: {  	_ =	shalt  }
0x76: {  	_ =	shalt  }
0x77: {  	_ =	shalt  }
0x78: {  	_ =	shalt  }
0x79: {  	_ =	shalt  }
0x7a: {  	_ =	shalt  }
0x7b: {  	_ =	shalt  }
0x7c: {  	_ =	shalt  }
0x7d: {  	_ =	shalt  }
0x7e: {  	_ =	shalt  }
0x7f: {  	_ =	shalt  }
0x80: {  	_ =	shalt  }
0x81: {  	_ =	shalt  }
0x82: {  	_ =	shalt  }
0x83: {  	_ =	shalt  }
0x84: {  	_ =	shalt  }
0x85: {  	_ =	shalt  }
0x86: {  	_ =	shalt  }
0x87: {  	_ =	shalt  }
.Lfunc_end0:
.L_simem_size_0:
called_computation.3_lowered:
.L_overlay_start_0:
0x88: {  	s2 =	sld [smem:$0x3FD9]  }
0x89: {  	s3 =	sld [smem:$0x3FFE];
	_ =	sdelay $0x1  }
0x8a: {  	s1 =	srdreg.scid  }
0x8b: {  	s0 =	sand.u32 $0x1, s1  }
0x8c: {  	s16 =	sshll.u32 s0, $0xA;
	s2 =	sadd.s32 s3, s2  }
0x8d: {  	s2 =	sadd.s32 s2, s16  }
0x8e: {  	[smem:$0x3FBD] =	sst s2  }
0x8f: {  	_ = 	snop  }
0x90: {  	(tm) =	ssettm $0x1  }
0x91: {  	s17 =	sld [smem:$0x3FFB];
	_ =	sdelay $0x3  }
0x92: {  	_ =	strace s17  }
0x93: {  	s2 =	sld [smem:$0x3FFC];
	_ =	sdelay $0x3  }
0x94: {  	_ =	strace s2  }
0x95: {  	s2 =	sld [smem:$0x3FFD];
	_ =	sdelay $0x3  }
0x96: {  	_ =	strace s2  }
0x97: {  	_ =	strace $0x8FFFFFFF  }
0x98: {  	s18 =	sld [smem:$0x3FDB];
	_ =	sdelay $0x1  }
0x99: {  	s19 =	simm.s32 $_scs_section_size  }
0x9a: {  	s4 =	simm.s32 $_size__tile_overlayer_lowered;
	s5 =	simm.s32 $_tile_overlayer_lowered  }
0x9b: {  	s22 =	simm.s32 $0x1BFF;
	s21 =	sshll.u32 s5, $0x1;
	s2 =	sadd.s32 s19, s18  }
0x9c: {  	s6 =	simm.s32 $0x0;
	s20 =	sshll.u32 s4, $0x1;
	s4 =	sadd.s32 s21, s2  }
0x9d: {  	[timem:s6], [sflag:s22] =	dma.local [hbm:s4], s20  }
0x9e: {  	_ =	swait.ge [sflag:s22], s20  }
0x9f: {  	s3 =	ssub.s32 $0x0, s20;
	[sflag:s22] =	ssyncset.done $0x0  }
0xa0: {  	[sflag:s22] =	ssyncadd.s32 s3;
	_ =	sdelay $0x1  }
0xa1: {  	s23 =	simm.s32 $0x1B8B  }
0xa2: {  	_ =	swait.ge [sflag:s23], $0x1  }
0xa3: {  	[sflag:s23] =	ssyncset.done $0x0  }
0xa4: {  	s25 =	simm.s32 $0x1B8E;
	s24 =	sld [smem:$0x3FFE];
	[sflag:s23] =	ssyncadd.s32 $0xFFFFFFFF  }
0xa5: {  	s26 =	simm.s32 $execute0_lowered;
	[smem:$0x3FD2] =	sst s25  }
0xa6: {  	s4 =	sshll.u32 s26, $0x1;
	_ =	strace $0x8000004F;
	[dreg:$0x1] =	wrdreg $0xFFFFFFFF  }
0xa7: {  	s28 =	simm.s32 $_size_execute0_lowered;
	s2 =	sadd.s32 s2, s4;
	[dreg:$0x0] =	wrdreg $0x0  }
0xa8: {  	s4 =	sshll.u32 s28, $0x1;
	[dreg:$0x2] =	wrdreg s2  }
0xa9: {  	[dreg:$0x3] =	wrdreg s4  }
0xaa: {  	[dreg:$0x4] =	wrdreg $0xC0  }
0xab: {  	_ =	task [dreg:s6], $0x5FFFF  }
0xac: {  	[dreg:$0x1] =	wrdreg $0xFFFFFFFF  }
0xad: {  	[dreg:$0x0] =	wrdreg $0x60  }
0xae: {  	[dreg:$0x2] =	wrdreg s24  }
0xaf: {  	[dreg:$0x3] =	wrdreg $0xB8000  }
0xb0: {  	[dreg:$0x4] =	wrdreg $0x9  }
0xb1: {  	_ =	task.clear_ibuf [dreg:s6], $0x5FFFF;
	_ =	strace $0x9000004F  }
0xb2: {  	s29 =	simm.s32 $0x9;
	_ =	strace $0x80000051  }
0xb3: {  	_ =	swait.ge [sflag:s29], $0x1  }
0xb4: {  	[sflag:s29] =	ssyncadd.s32 $0xFFFFFFFF  }
0xb5: {  	_ =	strace $0x90000051  }
0xb6: {  	_ =	sfence  }
0xb7: {  	s30 =	sld [smem:$0x0];
	_ =	sdelay $0x2  }
0xb8: {  	s31 =	sshll.u32 s1, $0xD;
	s1 =	sshrl.u32 s1, $0x2  }
0xb9: {  	s3 =	sand.u32 $0x4000, s31;
	s1 =	sadd.s32 s1, s30  }
0xba: {  	s0 =	sor.u32 s3, s0;
	s1 =	sshll.u32 s1, $0x11  }
0xbb: {  	s0 =	sor.u32 s1, s0  }
0xbc: {  	s0 =	sadd.s32 $0x8F2B, s0  }
0xbd: {  	[sflag:s0] =	ssyncadd.remote.s32 $0x1  }
0xbe: {  	_ =	sfence.sel $0xFFFF  }
0xbf: {  	[dreg:$0x0] =	wrdreg $0xFFFFFFFF;
	(pc) =	sbr.abs _section_cstart, $3  }
0xc0: {  	[dreg:$0x1] =	wrdreg $0xFFFFFFFF  }
0xc1: {  	_ =	task.clear_ibuf [dreg:s6], $0x2FFFF;
	_ =	strace $0x9FFFFFFF  }
0xc2: {  	(tm) =	ssettm $0x7FFFFFFF  }
0xc3: {  	_ =	shalt  }
tec
execute0_lowered:
.L_overlay_start_1:
0x0: {  	(tag) =	ssettag $0x1  }
0x1: {  	s0 =	rddreg [dreg:$0x0]  }
0x2: {  	s2 =	rddreg [dreg:$0x1]  }
0x3: {  	s10 =	stileid.u32;
	s1 =	srdreg.scid;
	s3 =	simm.s32 $0x0  }
0x4: {  	s28 =	simm.s32 $0xC0;
	s29 =	simm.s32 $0x9800;
	s30 =	simm.s32 $0x1  }
0x5: {  	s31 =	simm.s32 $0x2;
	s14 =	simm.s32 $0x6;
	s6 =	smul.u32 $0x280, s10  }
0x6: {  	s15 =	simm.s32 $0x3700;
	s16 =	simm.s32 $0x3780;
	s8 =	smul.u32 $0xA80, s10  }
0x7: {  	s17 =	simm.s32 $0x0;
	s1 =	sand.u32 $0x1, s1;
	s19 =	smul.u32 $0x50000, s10  }
0x8: {  	[smem:$0x7FF] =	sst s3;
	s4 =	sadd.s32 $0x22A00, s0;
	s12 =	smul.u32 $0x5400, s10  }
0x9: {  	s5 =	sadd.s32 $0xDA00, s0;
	s9 =	sadd.s32 $0x72A00, s0;
	s7 =	smul.u32 $0x2800, s1  }
0xa: {  	_ =	strace $0x80000050;
	[dreg:$0x3] =	wrdreg s9;
	s20 =	ssub.s32 $0x2, s1  }
0xb: {  	s1 =	smul.u32 $0x54000, s1;
	s6 =	sadd.s32 s6, s7;
	s7 =	sshrl.u32 s19, $0x2  }
0xc: {  	s8 =	sadd.s32 s8, s0;
	s21 =	sshrl.u32 s20, $0x1;
	s11 =	sadd.s32 s7, s2  }
0xd: {  	s12 =	sadd.s32 s12, s1;
	s6 =	sshll.u32 s6, $0x4;
	s19 =	sadd.s32 $0xC000, s11  }
0xe: {  	s0 =	sadd.s32 s6, s0;
	s7 =	sadd.s32 $0x10000, s11;
	[dreg:$0x4] =	wrdreg s19  }
0xf: {  	s13 =	sadd.s32 $0x2A00, s8;
	s22 =	sadd.s32 $0x73200, s0;
	[dreg:$0x5] =	wrdreg s7  }
0x10: {  	s1 =	simm.s32 $0x3;
	s23 =	sadd.s32 $0x73A00, s0;
	[dreg:$0x6] =	wrdreg s22  }
0x11: {  	s6 =	ssub.s32 s20, s21;
	s24 =	sadd.s32 $0x74200, s0;
	[dreg:$0x7] =	wrdreg s23  }
0x12: {  	s9 =	sadd.s32 $0x4000, s11;
	s25 =	sadd.s32 $0x74A00, s0;
	[dreg:$0x8] =	wrdreg s24  }
0x13: {  	s18 =	sadd.s32 $0x8000, s11;
	s0 =	sadd.s32 $0x75200, s0;
	[dreg:$0x9] =	wrdreg s25  }
0x14: {  	s20 =	simm.s32 $0x3800;
	s26 =	smax.u32 s6, $0x1;
	[dreg:$0xa] =	wrdreg s0  }
0x15: {  	s21 =	simm.s32 $0x7;
	s6 =	simm.s32 $0x4;
	[dreg:$0xb] =	wrdreg s26  }
0x16: {  	s22 =	simm.s32 $0x1C00;
	s23 =	simm.s32 $0x40;
	s24 =	simm.s32 $0x5800  }
0x17: {  	s25 =	simm.s32 $0x80;
	s26 =	simm.s32 $0x7800;
	s0 =	simm.s32 $0x5  }
.LBB2_1:
0x18: {  	s8 =	rddreg [dreg:$0x3]  }
0x19: {  	[tilespmem:s20], [sflag:$0x7] =	stream.linear.gather [hbm4b:s8+s3], $0x4000, $0x38;
	[tilespmem:$0x1F800] =	vst v63  }
0x1a: {  	_ =	swait.ge [sflag:s21], $0x4000  }
0x1b: {  	[sflag:s21] =	ssyncset.done $0x0  }
0x1c: {  	[sflag:s21] =	ssyncadd.s32 $0xFFFFC000  }
0x1d: {  	[spmem:s11] =	stream.linear.scatter [tilespmem:s20], [sflag:$0x7], $0x4000, $0x38;
	[tilespmem:$0x1F800] =	vst v63  }
0x1e: {  	_ =	swait.ge [sflag:s21], $0x4000  }
0x1f: {  	[sflag:s21] =	ssyncset.done $0x0  }
0x20: {  	[sflag:s21] =	ssyncadd.s32 $0xFFFFC000  }
0x21: {  	[spmem:s9] =	stream.linear.scatter [tilespmem:s20], [sflag:$0x7], $0x4000, $0x38;
	[tilespmem:$0x1F800] =	vst v63  }
0x22: {  	_ =	swait.ge [sflag:s21], $0x4000  }
0x23: {  	[sflag:s21] =	ssyncset.done $0x0  }
0x24: {  	[sflag:s21] =	ssyncadd.s32 $0xFFFFC000  }
0x25: {  	[spmem:s18] =	stream.linear.scatter [tilespmem:s20], [sflag:$0x7], $0x4000, $0x38;
	[tilespmem:$0x1F800] =	vst v63  }
0x26: {  	_ =	swait.ge [sflag:s21], $0x4000  }
0x27: {  	[sflag:s21] =	ssyncset.done $0x0  }
0x28: {  	[sflag:s21] =	ssyncadd.s32 $0xFFFFC000  }
0x29: {  	[spmem:s19] =	stream.linear.scatter [tilespmem:s20], [sflag:$0x7], $0x4000, $0x38;
	[tilespmem:$0x1F800] =	vst v63  }
0x2a: {  	_ =	swait.ge [sflag:s21], $0x4000  }
0x2b: {  	[sflag:s21] =	ssyncset.done $0x0  }
0x2c: {  	s8 =	smov.u32 s7;
	[sflag:s21] =	ssyncadd.s32 $0xFFFFC000  }
0x2d: {  	[spmem:s8] =	stream.linear.scatter [tilespmem:s20], [sflag:$0x7], $0x4000, $0x38;
	[tilespmem:$0x1F800] =	vst v63  }
0x2e: {  	_ =	swait.ge [sflag:s21], $0x4000  }
0x2f: {  	[sflag:s21] =	ssyncset.done $0x0  }
0x30: {  	s10 =	smov.u32 s9;
	s7 =	smov.u32 s11;
	[sflag:s21] =	ssyncadd.s32 $0xFFFFC000  }
0x31: {  	s11 =	smov.u32 s18;
	s18 =	simm.s32 $0x0;
	[bflag:$0x0] =	sbarrier.arrive $0xFFFF  }
.LBB2_2:
0x32: {  	s8 =	smul.u32 $0x1C00, s18;
	_ =	sdelay $0x1  }
0x33: {  	s8 =	sadd.s32 s8, s12  }
0x34: {  	s8 =	sshrl.u32 s8, $0x3  }
0x35: {  	s19 =	simm.s32 $0x0;
	s8 =	sadd.s32 s5, s8  }
0x36: {  	[tilespmem:s19], [sflag:$0x7] =	stream.linear.gather [hbm4b:s8+s19], $0x1C00, $0x38;
	[tilespmem:$0x1F800] =	vst v63  }
0x37: {  	s9 =	smul.u32 $0x380, s18;
	_ =	swait.ge [sflag:s21], $0x1C00  }
0x38: {  	[sflag:s21] =	ssyncset.done $0x0  }
0x39: {  	s8 =	sadd.s32 s13, s9;
	[sflag:s21] =	ssyncadd.s32 $0xFFFFE400  }
0x3a: {  	[tilespmem:s22], [sflag:$0x7] =	stream.linear.gather [hbm4b:s8+s19], $0x1C00, $0x38;
	[tilespmem:$0x1F800] =	vst v63  }
0x3b: {  	_ =	swait.ge [sflag:s21], $0x1C00  }
0x3c: {  	[sflag:s21] =	ssyncset.done $0x0  }
0x3d: {  	[sflag:s21] =	ssyncadd.s32 $0xFFFFE400  }
0x3e: {  	[tilespmem:s20], [sflag:$0x1] =	stream.indirect.gather [hbm4b:s4+s23], $0x80, s19, s23, $0xb8;
	[tilespmem:$0x1F800] =	vst v63  }
0x3f: {  	_ = 	snop  }
0x40: {  	[tilespmem:s24], [sflag:$0x2] =	stream.indirect.gather [hbm4b:s4+s23], $0x80, s23, s23, $0xb8;
	[tilespmem:$0x1F800] =	vst v63  }
0x41: {  	_ = 	snop  }
0x42: {  	[tilespmem:s26], [sflag:$0x3] =	stream.indirect.gather [hbm4b:s4+s23], $0x80, s25, s23, $0xb8;
	[tilespmem:$0x1F800] =	vst v63  }
0x43: {  	_ = 	snop  }
0x44: {  	[tilespmem:s29], [sflag:$0x4] =	stream.indirect.gather [hbm4b:s4+s23], $0x80, s28, s23, $0xb8;
	[tilespmem:$0x1F800] =	vst v63  }
0x45: {  	_ =	swait.ge [sflag:s30], $0x2000  }
0x46: {  	[sflag:s30] =	ssyncset.done $0x0  }
0x47: {  	[sflag:s30] =	ssyncadd.s32 $0xFFFFE000  }
0x48: {  	_ =	swait.ge [sflag:s31], $0x2000  }
0x49: {  	[sflag:s31] =	ssyncset.done $0x0  }
0x4a: {  	s19 =	simm.s32 $0x1C00;
	[sflag:s31] =	ssyncadd.s32 $0xFFFFE000  }
0x4b: {  	[spmem:s2] =	stream.indirect.scatter.add.f32 [tilespmem:s20], [sflag:$0x5], $0x80, s19, s25, $0xb8;
	[tilespmem:$0x1F800] =	vst v63  }
0x4c: {  	_ =	swait.ge [sflag:s0], $0x4000  }
0x4d: {  	[sflag:s0] =	ssyncset.done $0x0  }
0x4e: {  	s9 =	simm.s32 $0x100;
	[sflag:s0] =	ssyncadd.s32 $0xFFFFC000  }
0x4f: {  	[tilespmem:s20], [sflag:$0x1] =	stream.indirect.gather [hbm4b:s4+s23], $0x80, s9, s23, $0xb8;
	[tilespmem:$0x1F800] =	vst v63  }
0x50: {  	s19 =	simm.s32 $0x140  }
0x51: {  	[tilespmem:s24], [sflag:$0x2] =	stream.indirect.gather [hbm4b:s4+s23], $0x80, s19, s23, $0xb8;
	[tilespmem:$0x1F800] =	vst v63  }
0x52: {  	_ =	swait.ge [sflag:s1], $0x2000  }
0x53: {  	[sflag:s1] =	ssyncset.done $0x0  }
0x54: {  	[sflag:s1] =	ssyncadd.s32 $0xFFFFE000  }
0x55: {  	_ =	swait.ge [sflag:s6], $0x2000  }
0x56: {  	[sflag:s6] =	ssyncset.done $0x0  }
0x57: {  	s9 =	simm.s32 $0x1C80;
	[sflag:s6] =	ssyncadd.s32 $0xFFFFE000  }
0x58: {  	[spmem:s2] =	stream.indirect.scatter.add.f32 [tilespmem:s26], [sflag:$0x6], $0x80, s9, s25, $0xb8;
	[tilespmem:$0x1F800] =	vst v63  }
0x59: {  	_ =	swait.ge [sflag:s14], $0x4000  }
0x5a: {  	[sflag:s14] =	ssyncset.done $0x0  }
0x5b: {  	s19 =	simm.s32 $0x180;
	[sflag:s14] =	ssyncadd.s32 $0xFFFFC000  }
0x5c: {  	[tilespmem:s26], [sflag:$0x3] =	stream.indirect.gather [hbm4b:s4+s23], $0x80, s19, s23, $0xb8;
	[tilespmem:$0x1F800] =	vst v63  }
0x5d: {  	s8 =	simm.s32 $0x1C0;
	s19 =	simm.s32 $0x400  }
.LBB2_3:
0x5e: {  	[tilespmem:s29], [sflag:$0x4] =	stream.indirect.gather [hbm4b:s4+s23], $0x80, s8, s23, $0xb8;
	[tilespmem:$0x1F800] =	vst v63  }
0x5f: {  	s8 =	smov.u32 s19  }
0x60: {  	p0 =	sne.s32 s19, $0x6800;
	s19 =	sadd.s32 $0x400, s19;
	_ =	swait.ge [sflag:s30], $0x2000  }
0x61: {  	[sflag:s30] =	ssyncset.done $0x0  }
0x62: {  	[sflag:s30] =	ssyncadd.s32 $0xFFFFE000  }
0x63: {  	_ =	swait.ge [sflag:s31], $0x2000  }
0x64: {  	s8 =	sshra.s32 s8, $0x2;
	[sflag:s31] =	ssyncset.done $0x0  }
0x65: {  	s9 =	sadd.s32 $0x1C00, s8;
	[sflag:s31] =	ssyncadd.s32 $0xFFFFE000  }
0x66: {  	[spmem:s2] =	stream.indirect.scatter.add.f32 [tilespmem:s20], [sflag:$0x5], $0x80, s9, s25, $0xb8;
	[tilespmem:$0x1F800] =	vst v63  }
0x67: {  	_ =	swait.ge [sflag:s0], $0x4000  }
0x68: {  	[sflag:s0] =	ssyncset.done $0x0  }
0x69: {  	s9 =	sadd.s32 $0x100, s8;
	[sflag:s0] =	ssyncadd.s32 $0xFFFFC000  }
0x6a: {  	[tilespmem:s20], [sflag:$0x1] =	stream.indirect.gather [hbm4b:s4+s23], $0x80, s9, s23, $0xb8;
	[tilespmem:$0x1F800] =	vst v63  }
0x6b: {  	s9 =	sadd.s32 $0x140, s8  }
0x6c: {  	[tilespmem:s24], [sflag:$0x2] =	stream.indirect.gather [hbm4b:s4+s23], $0x80, s9, s23, $0xb8;
	[tilespmem:$0x1F800] =	vst v63  }
0x6d: {  	_ =	swait.ge [sflag:s1], $0x2000  }
0x6e: {  	[sflag:s1] =	ssyncset.done $0x0  }
0x6f: {  	[sflag:s1] =	ssyncadd.s32 $0xFFFFE000  }
0x70: {  	_ =	swait.ge [sflag:s6], $0x2000  }
0x71: {  	[sflag:s6] =	ssyncset.done $0x0  }
0x72: {  	s9 =	sadd.s32 $0x1C80, s8;
	[sflag:s6] =	ssyncadd.s32 $0xFFFFE000  }
0x73: {  	[spmem:s2] =	stream.indirect.scatter.add.f32 [tilespmem:s26], [sflag:$0x6], $0x80, s9, s25, $0xb8;
	[tilespmem:$0x1F800] =	vst v63  }
.Ltmp0:
0x74: {  	_ =	swait.ge [sflag:s14], $0x4000;
	(pc) =	sbr.rel @p0 .LBB2_3-.Ltmp0, $4  }
0x75: {  	[sflag:s14] =	ssyncset.done $0x0  }
0x76: {  	s9 =	sadd.s32 $0x180, s8;
	[sflag:s14] =	ssyncadd.s32 $0xFFFFC000  }
0x77: {  	[tilespmem:s26], [sflag:$0x3] =	stream.indirect.gather [hbm4b:s4+s23], $0x80, s9, s23, $0xb8;
	[tilespmem:$0x1F800] =	vst v63  }
0x78: {  	s8 =	sadd.s32 $0x1C0, s8  }
0x79: {  	[tilespmem:s29], [sflag:$0x4] =	stream.indirect.gather [hbm4b:s4+s23], $0x80, s8, s23, $0xb8;
	[tilespmem:$0x1F800] =	vst v63  }
0x7a: {  	_ =	swait.ge [sflag:s30], $0x2000  }
0x7b: {  	[sflag:s30] =	ssyncset.done $0x0  }
0x7c: {  	[sflag:s30] =	ssyncadd.s32 $0xFFFFE000  }
0x7d: {  	_ =	swait.ge [sflag:s31], $0x2000  }
0x7e: {  	[sflag:s31] =	ssyncset.done $0x0  }
0x7f: {  	[sflag:s31] =	ssyncadd.s32 $0xFFFFE000  }
0x80: {  	[spmem:s2] =	stream.indirect.scatter.add.f32 [tilespmem:s20], [sflag:$0x5], $0x80, s15, s25, $0xb8;
	[tilespmem:$0x1F800] =	vst v63  }
0x81: {  	_ =	swait.ge [sflag:s1], $0x2000  }
0x82: {  	[sflag:s1] =	ssyncset.done $0x0  }
0x83: {  	[sflag:s1] =	ssyncadd.s32 $0xFFFFE000  }
0x84: {  	_ =	swait.ge [sflag:s6], $0x2000  }
0x85: {  	[sflag:s6] =	ssyncset.done $0x0  }
0x86: {  	s18 =	sadd.s32 $0x1, s18;
	[sflag:s6] =	ssyncadd.s32 $0xFFFFE000  }
0x87: {  	[spmem:s2] =	stream.indirect.scatter.add.f32 [tilespmem:s26], [sflag:$0x6], $0x80, s16, s25, $0xb8;
	[tilespmem:$0x1F800] =	vst v63  }
0x88: {  	p0 =	sne.s32 s18, $0x3;
	_ =	swait.ge [sflag:s0], $0x4000  }
.Ltmp1:
0x89: {  	[sflag:s0] =	ssyncset.done $0x0;
	(pc) =	sbr.rel @p0 .LBB2_2-.Ltmp1, $4  }
0x8a: {  	[sflag:s0] =	ssyncadd.s32 $0xFFFFC000  }
0x8b: {  	_ =	swait.ge [sflag:s14], $0x4000  }
0x8c: {  	[sflag:s14] =	ssyncset.done $0x0  }
0x8d: {  	[sflag:s14] =	ssyncadd.s32 $0xFFFFC000  }
0x8e: {  	[bflag:$0x0] =	sbarrier.arrive $0xFFFF  }
0x8f: {  	[tilespmem:s20], [sflag:$0x7] =	stream.linear.gather [spmem:s7], $0x4000, $0x38;
	[tilespmem:$0x1F800] =	vst v63  }
0x90: {  	_ =	swait.ge [sflag:s21], $0x4000  }
0x91: {  	[sflag:s21] =	ssyncset.done $0x0  }
0x92: {  	s8 =	rddreg [dreg:$0x6];
	[sflag:s21] =	ssyncadd.s32 $0xFFFFC000  }
0x93: {  	[hbm4b:s8+s3] =	stream.linear.scatter [tilespmem:s20], [sflag:$0x7], $0x4000, $0x38;
	[tilespmem:$0x1F800] =	vst v63  }
0x94: {  	_ =	swait.ge [sflag:s21], $0x4000  }
0x95: {  	[sflag:s21] =	ssyncset.done $0x0  }
0x96: {  	[sflag:s21] =	ssyncadd.s32 $0xFFFFC000  }
0x97: {  	[tilespmem:s20], [sflag:$0x7] =	stream.linear.gather [spmem:s10], $0x4000, $0x38;
	[tilespmem:$0x1F800] =	vst v63  }
0x98: {  	_ =	swait.ge [sflag:s21], $0x4000  }
0x99: {  	[sflag:s21] =	ssyncset.done $0x0  }
0x9a: {  	s18 =	rddreg [dreg:$0x7];
	[sflag:s21] =	ssyncadd.s32 $0xFFFFC000  }
0x9b: {  	[hbm4b:s18+s3] =	stream.linear.scatter [tilespmem:s20], [sflag:$0x7], $0x4000, $0x38;
	[tilespmem:$0x1F800] =	vst v63  }
0x9c: {  	_ =	swait.ge [sflag:s21], $0x4000  }
0x9d: {  	[sflag:s21] =	ssyncset.done $0x0  }
0x9e: {  	[sflag:s21] =	ssyncadd.s32 $0xFFFFC000  }
0x9f: {  	[tilespmem:s20], [sflag:$0x7] =	stream.linear.gather [spmem:s11], $0x4000, $0x38;
	[tilespmem:$0x1F800] =	vst v63  }
0xa0: {  	_ =	swait.ge [sflag:s21], $0x4000  }
0xa1: {  	[sflag:s21] =	ssyncset.done $0x0  }
0xa2: {  	s19 =	rddreg [dreg:$0x8];
	[sflag:s21] =	ssyncadd.s32 $0xFFFFC000  }
0xa3: {  	[hbm4b:s19+s3] =	stream.linear.scatter [tilespmem:s20], [sflag:$0x7], $0x4000, $0x38;
	[tilespmem:$0x1F800] =	vst v63  }
0xa4: {  	_ =	swait.ge [sflag:s21], $0x4000  }
0xa5: {  	[sflag:s21] =	ssyncset.done $0x0  }
0xa6: {  	s19 =	rddreg [dreg:$0x4];
	[sflag:s21] =	ssyncadd.s32 $0xFFFFC000  }
0xa7: {  	[tilespmem:s20], [sflag:$0x7] =	stream.linear.gather [spmem:s19], $0x4000, $0x38;
	[tilespmem:$0x1F800] =	vst v63  }
0xa8: {  	_ =	swait.ge [sflag:s21], $0x4000  }
0xa9: {  	[sflag:s21] =	ssyncset.done $0x0  }
0xaa: {  	s8 =	rddreg [dreg:$0x9];
	[sflag:s21] =	ssyncadd.s32 $0xFFFFC000  }
0xab: {  	[hbm4b:s8+s3] =	stream.linear.scatter [tilespmem:s20], [sflag:$0x7], $0x4000, $0x38;
	[tilespmem:$0x1F800] =	vst v63  }
0xac: {  	_ =	swait.ge [sflag:s21], $0x4000  }
0xad: {  	s18 =	smov.u32 s11;
	[sflag:s21] =	ssyncset.done $0x0  }
0xae: {  	s11 =	smov.u32 s7;
	s7 =	rddreg [dreg:$0x5];
	[sflag:s21] =	ssyncadd.s32 $0xFFFFC000  }
0xaf: {  	[tilespmem:s20], [sflag:$0x7] =	stream.linear.gather [spmem:s7], $0x4000, $0x38;
	[tilespmem:$0x1F800] =	vst v63  }
0xb0: {  	_ =	swait.ge [sflag:s21], $0x4000  }
0xb1: {  	[sflag:s21] =	ssyncset.done $0x0  }
0xb2: {  	s9 =	smov.u32 s10;
	s10 =	rddreg [dreg:$0xa];
	[sflag:s21] =	ssyncadd.s32 $0xFFFFC000  }
0xb3: {  	[hbm4b:s10+s3] =	stream.linear.scatter [tilespmem:s20], [sflag:$0x7], $0x4000, $0x38;
	[tilespmem:$0x1F800] =	vst v63  }
0xb4: {  	_ =	swait.ge [sflag:s21], $0x4000  }
0xb5: {  	s17 =	sadd.s32 $0x1, s17;
	s10 =	rddreg [dreg:$0xb]  }
0xb6: {  	p0 =	sne.s32 s17, s10  }
.Ltmp2:
0xb7: {  	_ = 	snop;
	(pc) =	sbr.rel @p0 .LBB2_1-.Ltmp2, $3  }
0xb8: {  	_ =	sdelay $0x1  }
0xb9: {  	[sflag:s21] =	ssyncset.done $0x0  }
0xba: {  	[sflag:s21] =	ssyncadd.s32 $0xFFFFC000  }
0xbb: {  	_ =	sfence.sel $0x180000  }
0xbc: {  	[bflag:$0x0] =	sbarrier.arrive $0xFFFF  }
0xbd: {  	_ =	strace $0x90000050  }
0xbe: {  	s0 =	stileid.u32;
	[bflag:$0x2] =	sbarrier.arrive $0xFFFF  }
0xbf: {  	p0 =	sne.s32 s0, $0x0;
	s0 =	rddreg [dreg:$0x2]  }
0xc0: {  	s0 =	sadd.s32 @!p0 $0x100000, s0  }
0xc1: {  	[sflag:s0] =	ssyncadd.tile.s32 @!p0 $0x1;
	_ =	shalt  }
.Lfunc_end2:
_tile_overlayer_lowered:
.L_overlay_start_2:
0xc2: {  	(tag) =	ssettag $0x2  }
0xc3: {  	s0 =	rddreg [dreg:$0x0];
	s2 =	stileid.u32  }
0xc4: {  	s1 =	rddreg [dreg:$0x1];
	p0 =	sne.s32 s2, $0x0  }
0xc5: {  	s3 =	rddreg [dreg:$0x2];
	[bflag:$0x3] =	sbarrier.arrive $0xFFFF;
	s2 =	simm.s32 @!p0 $0x1C07  }
0xc6: {  	[timem:s3], [sflag:s2] =	dma.local @!p0 [hbm:s0], s1  }
0xc7: {  	s0 =	simm.s32 @!p0 $0x7  }
0xc8: {  	_ =	swait.ge @!p0 [sflag:s0], s1  }
0xc9: {  	s1 =	ssub.s32 @!p0 $0x0, s1;
	[sflag:s0] =	ssyncset.done @!p0 $0x0  }
0xca: {  	[sflag:s0] =	ssyncadd.s32 @!p0 s1  }
0xcb: {  	[bflag:$0x3] =	sbarrier.arrive $0xFFFF  }
0xcc: {  	_ =	shalt  }

</sc_bundles>
